<compile_context>
chip_gen: v7x
topology: tpu7x:2x2x1
jax: 0.10.2.dev20260603
libtpu: 0.0.44.dev20260713+nightly
codegen_flags: <defaults>
</compile_context>

<pallas_src>
import numpy as np
import jax
import jax.numpy as jnp
from jax import lax
from jax.experimental import pallas as pl
from jax.experimental.pallas import tpu as pltpu
from jax.experimental.pallas import tpu_sc as plsc

_B = 128
_V = 100000
_TILE = 2048

_V0_SC = 71680
_WSC = 26624
_NW = 32
_ROWS_W = _WSC // _NW
_GRID1 = _V0_SC // _TILE
_GRID2 = 14

_K1 = np.uint32(0)
_K2 = np.uint32(42)
_KS2 = np.uint32(0x1BD11BDA) ^ _K1 ^ _K2
_R0 = (13, 15, 26, 6)
_R1 = (17, 29, 16, 24)
_TINY = np.float32(np.finfo(np.float32).tiny)
_NEG_INF = np.float32(-np.inf)
_BIG = np.int32(np.iinfo(np.int32).max)


def _rotl(x, r):
    return (x << np.uint32(r)) | (x >> np.uint32(32 - r))


def _rounds(x0, x1, rots):
    for r in rots:
        x0 = x0 + x1
        x1 = _rotl(x1, r) ^ x0
    return x0, x1


def _threefry_bits(x1):
    x0 = x1
    x1 = _rotl(x1, _R0[0]) ^ x0
    x0, x1 = _rounds(x0, x1, _R0[1:])
    x0, x1 = x0 + _K2, x1 + (_KS2 + np.uint32(1))
    x0, x1 = _rounds(x0, x1, _R1)
    x0, x1 = x0 + _KS2, x1 + (_K1 + np.uint32(2))
    x0, x1 = _rounds(x0, x1, _R0)
    x0, x1 = x0 + _K1, x1 + (_K2 + np.uint32(3))
    x0, x1 = _rounds(x0, x1, _R1)
    x0, x1 = x0 + _K2, x1 + (_KS2 + np.uint32(4))
    x0, x1 = _rounds(x0, x1, _R0)
    return (x0 + _KS2) ^ (x1 + (_K1 + np.uint32(5)))


def _gumbel_from_bits(bits):
    fb = (bits >> np.uint32(9)) | np.uint32(0x3F800000)
    u = jnp.maximum(
        jax.lax.bitcast_convert_type(fb, jnp.float32) - np.float32(1.0), _TINY)
    return -jnp.log(-jnp.log(u))


def _tile_best(t, vglob):
    m = jnp.max(t, axis=1, keepdims=True)
    a = jnp.min(jnp.where(t == m, vglob, _BIG), axis=1, keepdims=True)
    return m, a


def _race_update(bv_ref, bi_ref, m, a):
    upd = m > bv_ref[...]
    bv_ref[...] = jnp.where(upd, m, bv_ref[...])
    bi_ref[...] = jnp.where(upd, a, bi_ref[...])



def _main_kernel(lp_ref, bv_ref, bi_ref):
    j = pl.program_id(0)
    shape = (_B, _TILE)

    b = jax.lax.broadcasted_iota(jnp.uint32, shape, 0)
    vglob = jax.lax.broadcasted_iota(jnp.int32, shape, 1) + j * _TILE

    bits = _threefry_bits((b * np.uint32(_V) + _K2) + vglob.astype(jnp.uint32))
    t = _gumbel_from_bits(bits) + jnp.transpose(lp_ref[...])
    m, a = _tile_best(t, vglob)

    @pl.when(j == 0)
    def _():
        bv_ref[...] = m
        bi_ref[...] = a

    @pl.when(j != 0)
    def _():
        _race_update(bv_ref, bi_ref, m, a)



def _finish_kernel(lp_ref, bits_ref, bv_in, bi_in, bv_ref, bi_ref):
    j = pl.program_id(0)
    shape = (_B, _TILE)
    vglob = jax.lax.broadcasted_iota(jnp.int32, shape, 1) + (j * _TILE + _V0_SC)

    @pl.when(j == 0)
    def _():
        bv_ref[...] = bv_in[...]
        bi_ref[...] = bi_in[...]

    @pl.when(j < _GRID2 - 1)
    def _():
        t = _gumbel_from_bits(jnp.transpose(bits_ref[...])) \
            + jnp.transpose(lp_ref[...])
        m, a = _tile_best(t, vglob)
        _race_update(bv_ref, bi_ref, m, a)

    @pl.when(j == _GRID2 - 1)
    def _():
        b = jax.lax.broadcasted_iota(jnp.uint32, shape, 0)
        bits = _threefry_bits(
            (b * np.uint32(_V) + _K2) + vglob.astype(jnp.uint32))
        t = _gumbel_from_bits(bits) + jnp.transpose(lp_ref[...])
        t = jnp.where(vglob < _V, t, _NEG_INF)
        m, a = _tile_best(t, vglob)
        _race_update(bv_ref, bi_ref, m, a)



def _sc_bits_body(out_hbm, buf, sem):
    wid = lax.axis_index("c") * 16 + lax.axis_index("s")
    row0 = wid * _ROWS_W
    lane_v = jax.lax.broadcasted_iota(jnp.uint32, (16,), 0) * np.uint32(_V)

    def row_body(r, carry):
        v = row0 + r
        base = (np.uint32(_V0_SC) + _K2) + v.astype(jnp.uint32)
        for c in range(8):
            x1 = (lane_v + np.uint32(16 * c * _V)) + base
            buf[r, pl.ds(16 * c, 16)] = _threefry_bits(x1)
        return carry

    lax.fori_loop(0, _ROWS_W, row_body, 0)
    pltpu.async_copy(buf, out_hbm.at[pl.ds(row0, _ROWS_W), :], sem).wait()


def _sc_bits():
    fn = pl.kernel(
        _sc_bits_body,
        out_type=jax.ShapeDtypeStruct((_WSC, _B), jnp.uint32),
        mesh=plsc.VectorSubcoreMesh(core_axis_name="c", subcore_axis_name="s"),
        scratch_types=[
            pltpu.VMEM((_ROWS_W, _B), jnp.uint32),
            pltpu.SemaphoreType.DMA,
        ],
    )
    return fn()



_STATE_SPEC = pl.BlockSpec((_B, 1), lambda j: (0, 0))
_STATE_SHAPE = [
    jax.ShapeDtypeStruct((_B, 1), jnp.float32),
    jax.ShapeDtypeStruct((_B, 1), jnp.int32),
]


def kernel(log_p):
    lp_t = log_p.T
    bits = _sc_bits()

    bv, bi = pl.pallas_call(
        _main_kernel,
        grid=(_GRID1,),
        in_specs=[pl.BlockSpec((_TILE, _B), lambda j: (j, 0))],
        out_specs=[_STATE_SPEC, _STATE_SPEC],
        out_shape=_STATE_SHAPE,
        compiler_params=pltpu.CompilerParams(
            dimension_semantics=("arbitrary",)),
    )(lp_t)

    _, bi2 = pl.pallas_call(
        _finish_kernel,
        grid=(_GRID2,),
        in_specs=[
            pl.BlockSpec((_TILE, _B), lambda j: (j + _GRID1, 0)),
            pl.BlockSpec((_TILE, _B), lambda j: (jnp.minimum(j, _GRID2 - 2), 0)),
            _STATE_SPEC,
            _STATE_SPEC,
        ],
        out_specs=[_STATE_SPEC, _STATE_SPEC],
        out_shape=_STATE_SHAPE,
        compiler_params=pltpu.CompilerParams(
            dimension_semantics=("arbitrary",)),
    )(lp_t, bits, bv, bi)

    return bi2.reshape(_B)

# --- scband reference (transcript-rebuilt; emitter-appended) ---
"""Pipeline reference for scband-categorical-43817256354106 (READ-ONLY COPY).

The authoritative reference and input builder live on the scoring server;
editing this copy changes nothing except your own understanding.
"""

import jax, jax.numpy as jnp
import numpy as np

B = 128
V = 100000

def setup_inputs(seed: int = 0) -> dict:
    key = jax.random.key(seed)
    log_p = jax.random.normal(key, (B, V), dtype=jnp.float32)
    return {"log_p": log_p}

def reference(log_p):
    # torch.multinomial(log_p.exp(), 1).long().squeeze(1)
    # multinomial normalizes the unnormalized probabilities exp(log_p), so this is
    # exactly a categorical draw with logits = log_p per row.
    key = jax.random.key(42)
    samples = jax.random.categorical(key, log_p, axis=-1)
    return samples.astype(jnp.int32)

if __name__ == "__main__":
    import jax
    _d = setup_inputs()
    print(jax.jit(kernel)(*tuple(_d.values())))

</pallas_src>

<mosaic_0001>
#map = affine_map<(d0, d1) -> (0, 0)>
module attributes {stable_mosaic.version = 14 : i64} {
  func.func @_sc_bits_body(%arg0: i32, %arg1: i32, %arg2: memref<26624x128xi32, #tpu.memory_space<hbm>>, %arg3: memref<832x128xi32, #tpu.memory_space<vmem>>, %arg4: memref<!tpu.dma_semaphore, #tpu.memory_space<semaphore_mem>>) attributes {dimension_semantics = [#tpu.dimension_semantics<core_parallel>, #tpu.dimension_semantics<subcore_parallel>], iteration_bounds = array<i64: 2, 16>, scalar_prefetch = 0 : i64, scratch_operands = 2 : i64, tpu.core_type = #tpu.core_type<sc_vector_subcore>, window_params = [{transform_indices = #map}]} {
    %mul3A = arith.constant 16 : i32
    %mul3A_0 = arith.muli %arg0, %mul3A : i32
    %add3A = arith.addi %mul3A_0, %arg1 : i32
    %mul3A_1 = arith.constant 832 : i32
    %mul3A_2 = arith.muli %add3A, %mul3A_1 : i32
    %iota3A = tpu.iota {dimensions = array<i32: 0>} : vector<16xi32>
    %mul3A_3 = arith.constant 100000 : i32
    %mul3A_4 = vector.broadcast %mul3A_3 : i32 to vector<16xi32>
    %mul3A_5 = arith.muli %iota3A, %mul3A_4 : vector<16xi32>
    %scan3A = arith.constant 0 : i32
    %scan3A_6 = arith.constant 0 : i32
    %scan3A_7 = arith.constant 832 : i32
    %scan3A_8 = arith.addi %scan3A_6, %scan3A_7 : i32
    %scan3A_9 = arith.constant 1 : i32
    scf.for %scan3A_17 = %scan3A_6 to %scan3A_8 step %scan3A_9  : i32 {
      %add3A_18 = arith.addi %mul3A_2, %scan3A_17 : i32
      %add3A_19 = arith.constant 71722 : i32
      %add3A_20 = arith.addi %add3A_19, %add3A_18 : i32
      %add3A_21 = arith.constant 0 : i32
      %add3A_22 = vector.broadcast %add3A_21 : i32 to vector<16xi32>
      %add3A_23 = arith.addi %mul3A_5, %add3A_22 : vector<16xi32>
      %add3A_24 = vector.broadcast %add3A_20 : i32 to vector<16xi32>
      %add3A_25 = arith.addi %add3A_23, %add3A_24 : vector<16xi32>
      %shift_left3A = arith.constant 13 : i32
      %shift_left3A_26 = vector.broadcast %shift_left3A : i32 to vector<16xi32>
      %shift_left3A_27 = arith.shli %add3A_25, %shift_left3A_26 : vector<16xi32>
      %shift_right_logical3A = arith.constant 19 : i32
      %shift_right_logical3A_28 = vector.broadcast %shift_right_logical3A : i32 to vector<16xi32>
      %shift_right_logical3A_29 = arith.shrui %add3A_25, %shift_right_logical3A_28 : vector<16xi32>
      %or3A = arith.ori %shift_left3A_27, %shift_right_logical3A_29 : vector<16xi32>
      %xor3A = arith.xori %or3A, %add3A_25 : vector<16xi32>
      %add3A_30 = arith.addi %add3A_25, %xor3A : vector<16xi32>
      %shift_left3A_31 = arith.constant 15 : i32
      %shift_left3A_32 = vector.broadcast %shift_left3A_31 : i32 to vector<16xi32>
      %shift_left3A_33 = arith.shli %xor3A, %shift_left3A_32 : vector<16xi32>
      %shift_right_logical3A_34 = arith.constant 17 : i32
      %shift_right_logical3A_35 = vector.broadcast %shift_right_logical3A_34 : i32 to vector<16xi32>
      %shift_right_logical3A_36 = arith.shrui %xor3A, %shift_right_logical3A_35 : vector<16xi32>
      %or3A_37 = arith.ori %shift_left3A_33, %shift_right_logical3A_36 : vector<16xi32>
      %xor3A_38 = arith.xori %or3A_37, %add3A_30 : vector<16xi32>
      %add3A_39 = arith.addi %add3A_30, %xor3A_38 : vector<16xi32>
      %shift_left3A_40 = arith.constant 26 : i32
      %shift_left3A_41 = vector.broadcast %shift_left3A_40 : i32 to vector<16xi32>
      %shift_left3A_42 = arith.shli %xor3A_38, %shift_left3A_41 : vector<16xi32>
      %shift_right_logical3A_43 = arith.constant 6 : i32
      %shift_right_logical3A_44 = vector.broadcast %shift_right_logical3A_43 : i32 to vector<16xi32>
      %shift_right_logical3A_45 = arith.shrui %xor3A_38, %shift_right_logical3A_44 : vector<16xi32>
      %or3A_46 = arith.ori %shift_left3A_42, %shift_right_logical3A_45 : vector<16xi32>
      %xor3A_47 = arith.xori %or3A_46, %add3A_39 : vector<16xi32>
      %add3A_48 = arith.addi %add3A_39, %xor3A_47 : vector<16xi32>
      %shift_left3A_49 = arith.constant 6 : i32
      %shift_left3A_50 = vector.broadcast %shift_left3A_49 : i32 to vector<16xi32>
      %shift_left3A_51 = arith.shli %xor3A_47, %shift_left3A_50 : vector<16xi32>
      %shift_right_logical3A_52 = arith.constant 26 : i32
      %shift_right_logical3A_53 = vector.broadcast %shift_right_logical3A_52 : i32 to vector<16xi32>
      %shift_right_logical3A_54 = arith.shrui %xor3A_47, %shift_right_logical3A_53 : vector<16xi32>
      %or3A_55 = arith.ori %shift_left3A_51, %shift_right_logical3A_54 : vector<16xi32>
      %xor3A_56 = arith.xori %or3A_55, %add3A_48 : vector<16xi32>
      %add3A_57 = arith.constant 42 : i32
      %add3A_58 = vector.broadcast %add3A_57 : i32 to vector<16xi32>
      %add3A_59 = arith.addi %add3A_48, %add3A_58 : vector<16xi32>
      %add3A_60 = arith.constant 466689009 : i32
      %add3A_61 = vector.broadcast %add3A_60 : i32 to vector<16xi32>
      %add3A_62 = arith.addi %xor3A_56, %add3A_61 : vector<16xi32>
      %add3A_63 = arith.addi %add3A_59, %add3A_62 : vector<16xi32>
      %shift_left3A_64 = arith.constant 17 : i32
      %shift_left3A_65 = vector.broadcast %shift_left3A_64 : i32 to vector<16xi32>
      %shift_left3A_66 = arith.shli %add3A_62, %shift_left3A_65 : vector<16xi32>
      %shift_right_logical3A_67 = arith.constant 15 : i32
      %shift_right_logical3A_68 = vector.broadcast %shift_right_logical3A_67 : i32 to vector<16xi32>
      %shift_right_logical3A_69 = arith.shrui %add3A_62, %shift_right_logical3A_68 : vector<16xi32>
      %or3A_70 = arith.ori %shift_left3A_66, %shift_right_logical3A_69 : vector<16xi32>
      %xor3A_71 = arith.xori %or3A_70, %add3A_63 : vector<16xi32>
      %add3A_72 = arith.addi %add3A_63, %xor3A_71 : vector<16xi32>
      %shift_left3A_73 = arith.constant 29 : i32
      %shift_left3A_74 = vector.broadcast %shift_left3A_73 : i32 to vector<16xi32>
      %shift_left3A_75 = arith.shli %xor3A_71, %shift_left3A_74 : vector<16xi32>
      %shift_right_logical3A_76 = arith.constant 3 : i32
      %shift_right_logical3A_77 = vector.broadcast %shift_right_logical3A_76 : i32 to vector<16xi32>
      %shift_right_logical3A_78 = arith.shrui %xor3A_71, %shift_right_logical3A_77 : vector<16xi32>
      %or3A_79 = arith.ori %shift_left3A_75, %shift_right_logical3A_78 : vector<16xi32>
      %xor3A_80 = arith.xori %or3A_79, %add3A_72 : vector<16xi32>
      %add3A_81 = arith.addi %add3A_72, %xor3A_80 : vector<16xi32>
      %shift_left3A_82 = arith.constant 16 : i32
      %shift_left3A_83 = vector.broadcast %shift_left3A_82 : i32 to vector<16xi32>
      %shift_left3A_84 = arith.shli %xor3A_80, %shift_left3A_83 : vector<16xi32>
      %shift_right_logical3A_85 = arith.constant 16 : i32
      %shift_right_logical3A_86 = vector.broadcast %shift_right_logical3A_85 : i32 to vector<16xi32>
      %shift_right_logical3A_87 = arith.shrui %xor3A_80, %shift_right_logical3A_86 : vector<16xi32>
      %or3A_88 = arith.ori %shift_left3A_84, %shift_right_logical3A_87 : vector<16xi32>
      %xor3A_89 = arith.xori %or3A_88, %add3A_81 : vector<16xi32>
      %add3A_90 = arith.addi %add3A_81, %xor3A_89 : vector<16xi32>
      %shift_left3A_91 = arith.constant 24 : i32
      %shift_left3A_92 = vector.broadcast %shift_left3A_91 : i32 to vector<16xi32>
      %shift_left3A_93 = arith.shli %xor3A_89, %shift_left3A_92 : vector<16xi32>
      %shift_right_logical3A_94 = arith.constant 8 : i32
      %shift_right_logical3A_95 = vector.broadcast %shift_right_logical3A_94 : i32 to vector<16xi32>
      %shift_right_logical3A_96 = arith.shrui %xor3A_89, %shift_right_logical3A_95 : vector<16xi32>
      %or3A_97 = arith.ori %shift_left3A_93, %shift_right_logical3A_96 : vector<16xi32>
      %xor3A_98 = arith.xori %or3A_97, %add3A_90 : vector<16xi32>
      %add3A_99 = arith.constant 466689008 : i32
      %add3A_100 = vector.broadcast %add3A_99 : i32 to vector<16xi32>
      %add3A_101 = arith.addi %add3A_90, %add3A_100 : vector<16xi32>
      %add3A_102 = arith.constant 2 : i32
      %add3A_103 = vector.broadcast %add3A_102 : i32 to vector<16xi32>
      %add3A_104 = arith.addi %xor3A_98, %add3A_103 : vector<16xi32>
      %add3A_105 = arith.addi %add3A_101, %add3A_104 : vector<16xi32>
      %shift_left3A_106 = arith.constant 13 : i32
      %shift_left3A_107 = vector.broadcast %shift_left3A_106 : i32 to vector<16xi32>
      %shift_left3A_108 = arith.shli %add3A_104, %shift_left3A_107 : vector<16xi32>
      %shift_right_logical3A_109 = arith.constant 19 : i32
      %shift_right_logical3A_110 = vector.broadcast %shift_right_logical3A_109 : i32 to vector<16xi32>
      %shift_right_logical3A_111 = arith.shrui %add3A_104, %shift_right_logical3A_110 : vector<16xi32>
      %or3A_112 = arith.ori %shift_left3A_108, %shift_right_logical3A_111 : vector<16xi32>
      %xor3A_113 = arith.xori %or3A_112, %add3A_105 : vector<16xi32>
      %add3A_114 = arith.addi %add3A_105, %xor3A_113 : vector<16xi32>
      %shift_left3A_115 = arith.constant 15 : i32
      %shift_left3A_116 = vector.broadcast %shift_left3A_115 : i32 to vector<16xi32>
      %shift_left3A_117 = arith.shli %xor3A_113, %shift_left3A_116 : vector<16xi32>
      %shift_right_logical3A_118 = arith.constant 17 : i32
      %shift_right_logical3A_119 = vector.broadcast %shift_right_logical3A_118 : i32 to vector<16xi32>
      %shift_right_logical3A_120 = arith.shrui %xor3A_113, %shift_right_logical3A_119 : vector<16xi32>
      %or3A_121 = arith.ori %shift_left3A_117, %shift_right_logical3A_120 : vector<16xi32>
      %xor3A_122 = arith.xori %or3A_121, %add3A_114 : vector<16xi32>
      %add3A_123 = arith.addi %add3A_114, %xor3A_122 : vector<16xi32>
      %shift_left3A_124 = arith.constant 26 : i32
      %shift_left3A_125 = vector.broadcast %shift_left3A_124 : i32 to vector<16xi32>
      %shift_left3A_126 = arith.shli %xor3A_122, %shift_left3A_125 : vector<16xi32>
      %shift_right_logical3A_127 = arith.constant 6 : i32
      %shift_right_logical3A_128 = vector.broadcast %shift_right_logical3A_127 : i32 to vector<16xi32>
      %shift_right_logical3A_129 = arith.shrui %xor3A_122, %shift_right_logical3A_128 : vector<16xi32>
      %or3A_130 = arith.ori %shift_left3A_126, %shift_right_logical3A_129 : vector<16xi32>
      %xor3A_131 = arith.xori %or3A_130, %add3A_123 : vector<16xi32>
      %add3A_132 = arith.addi %add3A_123, %xor3A_131 : vector<16xi32>
      %shift_left3A_133 = arith.constant 6 : i32
      %shift_left3A_134 = vector.broadcast %shift_left3A_133 : i32 to vector<16xi32>
      %shift_left3A_135 = arith.shli %xor3A_131, %shift_left3A_134 : vector<16xi32>
      %shift_right_logical3A_136 = arith.constant 26 : i32
      %shift_right_logical3A_137 = vector.broadcast %shift_right_logical3A_136 : i32 to vector<16xi32>
      %shift_right_logical3A_138 = arith.shrui %xor3A_131, %shift_right_logical3A_137 : vector<16xi32>
      %or3A_139 = arith.ori %shift_left3A_135, %shift_right_logical3A_138 : vector<16xi32>
      %xor3A_140 = arith.xori %or3A_139, %add3A_132 : vector<16xi32>
      %add3A_141 = arith.constant 0 : i32
      %add3A_142 = vector.broadcast %add3A_141 : i32 to vector<16xi32>
      %add3A_143 = arith.addi %add3A_132, %add3A_142 : vector<16xi32>
      %add3A_144 = arith.constant 45 : i32
      %add3A_145 = vector.broadcast %add3A_144 : i32 to vector<16xi32>
      %add3A_146 = arith.addi %xor3A_140, %add3A_145 : vector<16xi32>
      %add3A_147 = arith.addi %add3A_143, %add3A_146 : vector<16xi32>
      %shift_left3A_148 = arith.constant 17 : i32
      %shift_left3A_149 = vector.broadcast %shift_left3A_148 : i32 to vector<16xi32>
      %shift_left3A_150 = arith.shli %add3A_146, %shift_left3A_149 : vector<16xi32>
      %shift_right_logical3A_151 = arith.constant 15 : i32
      %shift_right_logical3A_152 = vector.broadcast %shift_right_logical3A_151 : i32 to vector<16xi32>
      %shift_right_logical3A_153 = arith.shrui %add3A_146, %shift_right_logical3A_152 : vector<16xi32>
      %or3A_154 = arith.ori %shift_left3A_150, %shift_right_logical3A_153 : vector<16xi32>
      %xor3A_155 = arith.xori %or3A_154, %add3A_147 : vector<16xi32>
      %add3A_156 = arith.addi %add3A_147, %xor3A_155 : vector<16xi32>
      %shift_left3A_157 = arith.constant 29 : i32
      %shift_left3A_158 = vector.broadcast %shift_left3A_157 : i32 to vector<16xi32>
      %shift_left3A_159 = arith.shli %xor3A_155, %shift_left3A_158 : vector<16xi32>
      %shift_right_logical3A_160 = arith.constant 3 : i32
      %shift_right_logical3A_161 = vector.broadcast %shift_right_logical3A_160 : i32 to vector<16xi32>
      %shift_right_logical3A_162 = arith.shrui %xor3A_155, %shift_right_logical3A_161 : vector<16xi32>
      %or3A_163 = arith.ori %shift_left3A_159, %shift_right_logical3A_162 : vector<16xi32>
      %xor3A_164 = arith.xori %or3A_163, %add3A_156 : vector<16xi32>
      %add3A_165 = arith.addi %add3A_156, %xor3A_164 : vector<16xi32>
      %shift_left3A_166 = arith.constant 16 : i32
      %shift_left3A_167 = vector.broadcast %shift_left3A_166 : i32 to vector<16xi32>
      %shift_left3A_168 = arith.shli %xor3A_164, %shift_left3A_167 : vector<16xi32>
      %shift_right_logical3A_169 = arith.constant 16 : i32
      %shift_right_logical3A_170 = vector.broadcast %shift_right_logical3A_169 : i32 to vector<16xi32>
      %shift_right_logical3A_171 = arith.shrui %xor3A_164, %shift_right_logical3A_170 : vector<16xi32>
      %or3A_172 = arith.ori %shift_left3A_168, %shift_right_logical3A_171 : vector<16xi32>
      %xor3A_173 = arith.xori %or3A_172, %add3A_165 : vector<16xi32>
      %add3A_174 = arith.addi %add3A_165, %xor3A_173 : vector<16xi32>
      %shift_left3A_175 = arith.constant 24 : i32
      %shift_left3A_176 = vector.broadcast %shift_left3A_175 : i32 to vector<16xi32>
      %shift_left3A_177 = arith.shli %xor3A_173, %shift_left3A_176 : vector<16xi32>
      %shift_right_logical3A_178 = arith.constant 8 : i32
      %shift_right_logical3A_179 = vector.broadcast %shift_right_logical3A_178 : i32 to vector<16xi32>
      %shift_right_logical3A_180 = arith.shrui %xor3A_173, %shift_right_logical3A_179 : vector<16xi32>
      %or3A_181 = arith.ori %shift_left3A_177, %shift_right_logical3A_180 : vector<16xi32>
      %xor3A_182 = arith.xori %or3A_181, %add3A_174 : vector<16xi32>
      %add3A_183 = arith.constant 42 : i32
      %add3A_184 = vector.broadcast %add3A_183 : i32 to vector<16xi32>
      %add3A_185 = arith.addi %add3A_174, %add3A_184 : vector<16xi32>
      %add3A_186 = arith.constant 466689012 : i32
      %add3A_187 = vector.broadcast %add3A_186 : i32 to vector<16xi32>
      %add3A_188 = arith.addi %xor3A_182, %add3A_187 : vector<16xi32>
      %add3A_189 = arith.addi %add3A_185, %add3A_188 : vector<16xi32>
      %shift_left3A_190 = arith.constant 13 : i32
      %shift_left3A_191 = vector.broadcast %shift_left3A_190 : i32 to vector<16xi32>
      %shift_left3A_192 = arith.shli %add3A_188, %shift_left3A_191 : vector<16xi32>
      %shift_right_logical3A_193 = arith.constant 19 : i32
      %shift_right_logical3A_194 = vector.broadcast %shift_right_logical3A_193 : i32 to vector<16xi32>
      %shift_right_logical3A_195 = arith.shrui %add3A_188, %shift_right_logical3A_194 : vector<16xi32>
      %or3A_196 = arith.ori %shift_left3A_192, %shift_right_logical3A_195 : vector<16xi32>
      %xor3A_197 = arith.xori %or3A_196, %add3A_189 : vector<16xi32>
      %add3A_198 = arith.addi %add3A_189, %xor3A_197 : vector<16xi32>
      %shift_left3A_199 = arith.constant 15 : i32
      %shift_left3A_200 = vector.broadcast %shift_left3A_199 : i32 to vector<16xi32>
      %shift_left3A_201 = arith.shli %xor3A_197, %shift_left3A_200 : vector<16xi32>
      %shift_right_logical3A_202 = arith.constant 17 : i32
      %shift_right_logical3A_203 = vector.broadcast %shift_right_logical3A_202 : i32 to vector<16xi32>
      %shift_right_logical3A_204 = arith.shrui %xor3A_197, %shift_right_logical3A_203 : vector<16xi32>
      %or3A_205 = arith.ori %shift_left3A_201, %shift_right_logical3A_204 : vector<16xi32>
      %xor3A_206 = arith.xori %or3A_205, %add3A_198 : vector<16xi32>
      %add3A_207 = arith.addi %add3A_198, %xor3A_206 : vector<16xi32>
      %shift_left3A_208 = arith.constant 26 : i32
      %shift_left3A_209 = vector.broadcast %shift_left3A_208 : i32 to vector<16xi32>
      %shift_left3A_210 = arith.shli %xor3A_206, %shift_left3A_209 : vector<16xi32>
      %shift_right_logical3A_211 = arith.constant 6 : i32
      %shift_right_logical3A_212 = vector.broadcast %shift_right_logical3A_211 : i32 to vector<16xi32>
      %shift_right_logical3A_213 = arith.shrui %xor3A_206, %shift_right_logical3A_212 : vector<16xi32>
      %or3A_214 = arith.ori %shift_left3A_210, %shift_right_logical3A_213 : vector<16xi32>
      %xor3A_215 = arith.xori %or3A_214, %add3A_207 : vector<16xi32>
      %add3A_216 = arith.addi %add3A_207, %xor3A_215 : vector<16xi32>
      %shift_left3A_217 = arith.constant 6 : i32
      %shift_left3A_218 = vector.broadcast %shift_left3A_217 : i32 to vector<16xi32>
      %shift_left3A_219 = arith.shli %xor3A_215, %shift_left3A_218 : vector<16xi32>
      %shift_right_logical3A_220 = arith.constant 26 : i32
      %shift_right_logical3A_221 = vector.broadcast %shift_right_logical3A_220 : i32 to vector<16xi32>
      %shift_right_logical3A_222 = arith.shrui %xor3A_215, %shift_right_logical3A_221 : vector<16xi32>
      %or3A_223 = arith.ori %shift_left3A_219, %shift_right_logical3A_222 : vector<16xi32>
      %xor3A_224 = arith.xori %or3A_223, %add3A_216 : vector<16xi32>
      %add3A_225 = arith.constant 466689008 : i32
      %add3A_226 = vector.broadcast %add3A_225 : i32 to vector<16xi32>
      %add3A_227 = arith.addi %add3A_216, %add3A_226 : vector<16xi32>
      %add3A_228 = arith.constant 5 : i32
      %add3A_229 = vector.broadcast %add3A_228 : i32 to vector<16xi32>
      %add3A_230 = arith.addi %xor3A_224, %add3A_229 : vector<16xi32>
      %xor3A_231 = arith.xori %add3A_227, %add3A_230 : vector<16xi32>
      %swap3A = arith.index_cast %scan3A_17 : i32 to index
      %swap3A_232 = arith.constant 0 : index
      %swap3A_233 = tpu.vector_load %arg3[%swap3A, %swap3A_232] {strides = array<i32>} : memref<832x128xi32, #tpu.memory_space<vmem>>, vector<1x16xi32>,
      %swap3A_234 = vector.shape_cast %swap3A_233 : vector<1x16xi32> to vector<16xi32>
      %swap3A_235 = vector.shape_cast %xor3A_231 : vector<16xi32> to vector<1x16xi32>
      tpu.vector_store %arg3[%swap3A, %swap3A_232], %swap3A_235 {strides = array<i32>} : memref<832x128xi32, #tpu.memory_space<vmem>>, vector<1x16xi32>,
      %add3A_236 = arith.constant 1600000 : i32
      %add3A_237 = vector.broadcast %add3A_236 : i32 to vector<16xi32>
      %add3A_238 = arith.addi %mul3A_5, %add3A_237 : vector<16xi32>
      %add3A_239 = vector.broadcast %add3A_20 : i32 to vector<16xi32>
      %add3A_240 = arith.addi %add3A_238, %add3A_239 : vector<16xi32>
      %shift_left3A_241 = arith.constant 13 : i32
      %shift_left3A_242 = vector.broadcast %shift_left3A_241 : i32 to vector<16xi32>
      %shift_left3A_243 = arith.shli %add3A_240, %shift_left3A_242 : vector<16xi32>
      %shift_right_logical3A_244 = arith.constant 19 : i32
      %shift_right_logical3A_245 = vector.broadcast %shift_right_logical3A_244 : i32 to vector<16xi32>
      %shift_right_logical3A_246 = arith.shrui %add3A_240, %shift_right_logical3A_245 : vector<16xi32>
      %or3A_247 = arith.ori %shift_left3A_243, %shift_right_logical3A_246 : vector<16xi32>
      %xor3A_248 = arith.xori %or3A_247, %add3A_240 : vector<16xi32>
      %add3A_249 = arith.addi %add3A_240, %xor3A_248 : vector<16xi32>
      %shift_left3A_250 = arith.constant 15 : i32
      %shift_left3A_251 = vector.broadcast %shift_left3A_250 : i32 to vector<16xi32>
      %shift_left3A_252 = arith.shli %xor3A_248, %shift_left3A_251 : vector<16xi32>
      %shift_right_logical3A_253 = arith.constant 17 : i32
      %shift_right_logical3A_254 = vector.broadcast %shift_right_logical3A_253 : i32 to vector<16xi32>
      %shift_right_logical3A_255 = arith.shrui %xor3A_248, %shift_right_logical3A_254 : vector<16xi32>
      %or3A_256 = arith.ori %shift_left3A_252, %shift_right_logical3A_255 : vector<16xi32>
      %xor3A_257 = arith.xori %or3A_256, %add3A_249 : vector<16xi32>
      %add3A_258 = arith.addi %add3A_249, %xor3A_257 : vector<16xi32>
      %shift_left3A_259 = arith.constant 26 : i32
      %shift_left3A_260 = vector.broadcast %shift_left3A_259 : i32 to vector<16xi32>
      %shift_left3A_261 = arith.shli %xor3A_257, %shift_left3A_260 : vector<16xi32>
      %shift_right_logical3A_262 = arith.constant 6 : i32
      %shift_right_logical3A_263 = vector.broadcast %shift_right_logical3A_262 : i32 to vector<16xi32>
      %shift_right_logical3A_264 = arith.shrui %xor3A_257, %shift_right_logical3A_263 : vector<16xi32>
      %or3A_265 = arith.ori %shift_left3A_261, %shift_right_logical3A_264 : vector<16xi32>
      %xor3A_266 = arith.xori %or3A_265, %add3A_258 : vector<16xi32>
      %add3A_267 = arith.addi %add3A_258, %xor3A_266 : vector<16xi32>
      %shift_left3A_268 = arith.constant 6 : i32
      %shift_left3A_269 = vector.broadcast %shift_left3A_268 : i32 to vector<16xi32>
      %shift_left3A_270 = arith.shli %xor3A_266, %shift_left3A_269 : vector<16xi32>
      %shift_right_logical3A_271 = arith.constant 26 : i32
      %shift_right_logical3A_272 = vector.broadcast %shift_right_logical3A_271 : i32 to vector<16xi32>
      %shift_right_logical3A_273 = arith.shrui %xor3A_266, %shift_right_logical3A_272 : vector<16xi32>
      %or3A_274 = arith.ori %shift_left3A_270, %shift_right_logical3A_273 : vector<16xi32>
      %xor3A_275 = arith.xori %or3A_274, %add3A_267 : vector<16xi32>
      %add3A_276 = arith.constant 42 : i32
      %add3A_277 = vector.broadcast %add3A_276 : i32 to vector<16xi32>
      %add3A_278 = arith.addi %add3A_267, %add3A_277 : vector<16xi32>
      %add3A_279 = arith.constant 466689009 : i32
      %add3A_280 = vector.broadcast %add3A_279 : i32 to vector<16xi32>
      %add3A_281 = arith.addi %xor3A_275, %add3A_280 : vector<16xi32>
      %add3A_282 = arith.addi %add3A_278, %add3A_281 : vector<16xi32>
      %shift_left3A_283 = arith.constant 17 : i32
      %shift_left3A_284 = vector.broadcast %shift_left3A_283 : i32 to vector<16xi32>
      %shift_left3A_285 = arith.shli %add3A_281, %shift_left3A_284 : vector<16xi32>
      %shift_right_logical3A_286 = arith.constant 15 : i32
      %shift_right_logical3A_287 = vector.broadcast %shift_right_logical3A_286 : i32 to vector<16xi32>
      %shift_right_logical3A_288 = arith.shrui %add3A_281, %shift_right_logical3A_287 : vector<16xi32>
      %or3A_289 = arith.ori %shift_left3A_285, %shift_right_logical3A_288 : vector<16xi32>
      %xor3A_290 = arith.xori %or3A_289, %add3A_282 : vector<16xi32>
      %add3A_291 = arith.addi %add3A_282, %xor3A_290 : vector<16xi32>
      %shift_left3A_292 = arith.constant 29 : i32
      %shift_left3A_293 = vector.broadcast %shift_left3A_292 : i32 to vector<16xi32>
      %shift_left3A_294 = arith.shli %xor3A_290, %shift_left3A_293 : vector<16xi32>
      %shift_right_logical3A_295 = arith.constant 3 : i32
      %shift_right_logical3A_296 = vector.broadcast %shift_right_logical3A_295 : i32 to vector<16xi32>
      %shift_right_logical3A_297 = arith.shrui %xor3A_290, %shift_right_logical3A_296 : vector<16xi32>
      %or3A_298 = arith.ori %shift_left3A_294, %shift_right_logical3A_297 : vector<16xi32>
      %xor3A_299 = arith.xori %or3A_298, %add3A_291 : vector<16xi32>
      %add3A_300 = arith.addi %add3A_291, %xor3A_299 : vector<16xi32>
      %shift_left3A_301 = arith.constant 16 : i32
      %shift_left3A_302 = vector.broadcast %shift_left3A_301 : i32 to vector<16xi32>
      %shift_left3A_303 = arith.shli %xor3A_299, %shift_left3A_302 : vector<16xi32>
      %shift_right_logical3A_304 = arith.constant 16 : i32
      %shift_right_logical3A_305 = vector.broadcast %shift_right_logical3A_304 : i32 to vector<16xi32>
      %shift_right_logical3A_306 = arith.shrui %xor3A_299, %shift_right_logical3A_305 : vector<16xi32>
      %or3A_307 = arith.ori %shift_left3A_303, %shift_right_logical3A_306 : vector<16xi32>
      %xor3A_308 = arith.xori %or3A_307, %add3A_300 : vector<16xi32>
      %add3A_309 = arith.addi %add3A_300, %xor3A_308 : vector<16xi32>
      %shift_left3A_310 = arith.constant 24 : i32
      %shift_left3A_311 = vector.broadcast %shift_left3A_310 : i32 to vector<16xi32>
      %shift_left3A_312 = arith.shli %xor3A_308, %shift_left3A_311 : vector<16xi32>
      %shift_right_logical3A_313 = arith.constant 8 : i32
      %shift_right_logical3A_314 = vector.broadcast %shift_right_logical3A_313 : i32 to vector<16xi32>
      %shift_right_logical3A_315 = arith.shrui %xor3A_308, %shift_right_logical3A_314 : vector<16xi32>
      %or3A_316 = arith.ori %shift_left3A_312, %shift_right_logical3A_315 : vector<16xi32>
      %xor3A_317 = arith.xori %or3A_316, %add3A_309 : vector<16xi32>
      %add3A_318 = arith.constant 466689008 : i32
      %add3A_319 = vector.broadcast %add3A_318 : i32 to vector<16xi32>
      %add3A_320 = arith.addi %add3A_309, %add3A_319 : vector<16xi32>
      %add3A_321 = arith.constant 2 : i32
      %add3A_322 = vector.broadcast %add3A_321 : i32 to vector<16xi32>
      %add3A_323 = arith.addi %xor3A_317, %add3A_322 : vector<16xi32>
      %add3A_324 = arith.addi %add3A_320, %add3A_323 : vector<16xi32>
      %shift_left3A_325 = arith.constant 13 : i32
      %shift_left3A_326 = vector.broadcast %shift_left3A_325 : i32 to vector<16xi32>
      %shift_left3A_327 = arith.shli %add3A_323, %shift_left3A_326 : vector<16xi32>
      %shift_right_logical3A_328 = arith.constant 19 : i32
      %shift_right_logical3A_329 = vector.broadcast %shift_right_logical3A_328 : i32 to vector<16xi32>
      %shift_right_logical3A_330 = arith.shrui %add3A_323, %shift_right_logical3A_329 : vector<16xi32>
      %or3A_331 = arith.ori %shift_left3A_327, %shift_right_logical3A_330 : vector<16xi32>
      %xor3A_332 = arith.xori %or3A_331, %add3A_324 : vector<16xi32>
      %add3A_333 = arith.addi %add3A_324, %xor3A_332 : vector<16xi32>
      %shift_left3A_334 = arith.constant 15 : i32
      %shift_left3A_335 = vector.broadcast %shift_left3A_334 : i32 to vector<16xi32>
      %shift_left3A_336 = arith.shli %xor3A_332, %shift_left3A_335 : vector<16xi32>
      %shift_right_logical3A_337 = arith.constant 17 : i32
      %shift_right_logical3A_338 = vector.broadcast %shift_right_logical3A_337 : i32 to vector<16xi32>
      %shift_right_logical3A_339 = arith.shrui %xor3A_332, %shift_right_logical3A_338 : vector<16xi32>
      %or3A_340 = arith.ori %shift_left3A_336, %shift_right_logical3A_339 : vector<16xi32>
      %xor3A_341 = arith.xori %or3A_340, %add3A_333 : vector<16xi32>
      %add3A_342 = arith.addi %add3A_333, %xor3A_341 : vector<16xi32>
      %shift_left3A_343 = arith.constant 26 : i32
      %shift_left3A_344 = vector.broadcast %shift_left3A_343 : i32 to vector<16xi32>
      %shift_left3A_345 = arith.shli %xor3A_341, %shift_left3A_344 : vector<16xi32>
      %shift_right_logical3A_346 = arith.constant 6 : i32
      %shift_right_logical3A_347 = vector.broadcast %shift_right_logical3A_346 : i32 to vector<16xi32>
      %shift_right_logical3A_348 = arith.shrui %xor3A_341, %shift_right_logical3A_347 : vector<16xi32>
      %or3A_349 = arith.ori %shift_left3A_345, %shift_right_logical3A_348 : vector<16xi32>
      %xor3A_350 = arith.xori %or3A_349, %add3A_342 : vector<16xi32>
      %add3A_351 = arith.addi %add3A_342, %xor3A_350 : vector<16xi32>
      %shift_left3A_352 = arith.constant 6 : i32
      %shift_left3A_353 = vector.broadcast %shift_left3A_352 : i32 to vector<16xi32>
      %shift_left3A_354 = arith.shli %xor3A_350, %shift_left3A_353 : vector<16xi32>
      %shift_right_logical3A_355 = arith.constant 26 : i32
      %shift_right_logical3A_356 = vector.broadcast %shift_right_logical3A_355 : i32 to vector<16xi32>
      %shift_right_logical3A_357 = arith.shrui %xor3A_350, %shift_right_logical3A_356 : vector<16xi32>
      %or3A_358 = arith.ori %shift_left3A_354, %shift_right_logical3A_357 : vector<16xi32>
      %xor3A_359 = arith.xori %or3A_358, %add3A_351 : vector<16xi32>
      %add3A_360 = arith.constant 0 : i32
      %add3A_361 = vector.broadcast %add3A_360 : i32 to vector<16xi32>
      %add3A_362 = arith.addi %add3A_351, %add3A_361 : vector<16xi32>
      %add3A_363 = arith.constant 45 : i32
      %add3A_364 = vector.broadcast %add3A_363 : i32 to vector<16xi32>
      %add3A_365 = arith.addi %xor3A_359, %add3A_364 : vector<16xi32>
      %add3A_366 = arith.addi %add3A_362, %add3A_365 : vector<16xi32>
      %shift_left3A_367 = arith.constant 17 : i32
      %shift_left3A_368 = vector.broadcast %shift_left3A_367 : i32 to vector<16xi32>
      %shift_left3A_369 = arith.shli %add3A_365, %shift_left3A_368 : vector<16xi32>
      %shift_right_logical3A_370 = arith.constant 15 : i32
      %shift_right_logical3A_371 = vector.broadcast %shift_right_logical3A_370 : i32 to vector<16xi32>
      %shift_right_logical3A_372 = arith.shrui %add3A_365, %shift_right_logical3A_371 : vector<16xi32>
      %or3A_373 = arith.ori %shift_left3A_369, %shift_right_logical3A_372 : vector<16xi32>
      %xor3A_374 = arith.xori %or3A_373, %add3A_366 : vector<16xi32>
      %add3A_375 = arith.addi %add3A_366, %xor3A_374 : vector<16xi32>
      %shift_left3A_376 = arith.constant 29 : i32
      %shift_left3A_377 = vector.broadcast %shift_left3A_376 : i32 to vector<16xi32>
      %shift_left3A_378 = arith.shli %xor3A_374, %shift_left3A_377 : vector<16xi32>
      %shift_right_logical3A_379 = arith.constant 3 : i32
      %shift_right_logical3A_380 = vector.broadcast %shift_right_logical3A_379 : i32 to vector<16xi32>
      %shift_right_logical3A_381 = arith.shrui %xor3A_374, %shift_right_logical3A_380 : vector<16xi32>
      %or3A_382 = arith.ori %shift_left3A_378, %shift_right_logical3A_381 : vector<16xi32>
      %xor3A_383 = arith.xori %or3A_382, %add3A_375 : vector<16xi32>
      %add3A_384 = arith.addi %add3A_375, %xor3A_383 : vector<16xi32>
      %shift_left3A_385 = arith.constant 16 : i32
      %shift_left3A_386 = vector.broadcast %shift_left3A_385 : i32 to vector<16xi32>
      %shift_left3A_387 = arith.shli %xor3A_383, %shift_left3A_386 : vector<16xi32>
      %shift_right_logical3A_388 = arith.constant 16 : i32
      %shift_right_logical3A_389 = vector.broadcast %shift_right_logical3A_388 : i32 to vector<16xi32>
      %shift_right_logical3A_390 = arith.shrui %xor3A_383, %shift_right_logical3A_389 : vector<16xi32>
      %or3A_391 = arith.ori %shift_left3A_387, %shift_right_logical3A_390 : vector<16xi32>
      %xor3A_392 = arith.xori %or3A_391, %add3A_384 : vector<16xi32>
      %add3A_393 = arith.addi %add3A_384, %xor3A_392 : vector<16xi32>
      %shift_left3A_394 = arith.constant 24 : i32
      %shift_left3A_395 = vector.broadcast %shift_left3A_394 : i32 to vector<16xi32>
      %shift_left3A_396 = arith.shli %xor3A_392, %shift_left3A_395 : vector<16xi32>
      %shift_right_logical3A_397 = arith.constant 8 : i32
      %shift_right_logical3A_398 = vector.broadcast %shift_right_logical3A_397 : i32 to vector<16xi32>
      %shift_right_logical3A_399 = arith.shrui %xor3A_392, %shift_right_logical3A_398 : vector<16xi32>
      %or3A_400 = arith.ori %shift_left3A_396, %shift_right_logical3A_399 : vector<16xi32>
      %xor3A_401 = arith.xori %or3A_400, %add3A_393 : vector<16xi32>
      %add3A_402 = arith.constant 42 : i32
      %add3A_403 = vector.broadcast %add3A_402 : i32 to vector<16xi32>
      %add3A_404 = arith.addi %add3A_393, %add3A_403 : vector<16xi32>
      %add3A_405 = arith.constant 466689012 : i32
      %add3A_406 = vector.broadcast %add3A_405 : i32 to vector<16xi32>
      %add3A_407 = arith.addi %xor3A_401, %add3A_406 : vector<16xi32>
      %add3A_408 = arith.addi %add3A_404, %add3A_407 : vector<16xi32>
      %shift_left3A_409 = arith.constant 13 : i32
      %shift_left3A_410 = vector.broadcast %shift_left3A_409 : i32 to vector<16xi32>
      %shift_left3A_411 = arith.shli %add3A_407, %shift_left3A_410 : vector<16xi32>
      %shift_right_logical3A_412 = arith.constant 19 : i32
      %shift_right_logical3A_413 = vector.broadcast %shift_right_logical3A_412 : i32 to vector<16xi32>
      %shift_right_logical3A_414 = arith.shrui %add3A_407, %shift_right_logical3A_413 : vector<16xi32>
      %or3A_415 = arith.ori %shift_left3A_411, %shift_right_logical3A_414 : vector<16xi32>
      %xor3A_416 = arith.xori %or3A_415, %add3A_408 : vector<16xi32>
      %add3A_417 = arith.addi %add3A_408, %xor3A_416 : vector<16xi32>
      %shift_left3A_418 = arith.constant 15 : i32
      %shift_left3A_419 = vector.broadcast %shift_left3A_418 : i32 to vector<16xi32>
      %shift_left3A_420 = arith.shli %xor3A_416, %shift_left3A_419 : vector<16xi32>
      %shift_right_logical3A_421 = arith.constant 17 : i32
      %shift_right_logical3A_422 = vector.broadcast %shift_right_logical3A_421 : i32 to vector<16xi32>
      %shift_right_logical3A_423 = arith.shrui %xor3A_416, %shift_right_logical3A_422 : vector<16xi32>
      %or3A_424 = arith.ori %shift_left3A_420, %shift_right_logical3A_423 : vector<16xi32>
      %xor3A_425 = arith.xori %or3A_424, %add3A_417 : vector<16xi32>
      %add3A_426 = arith.addi %add3A_417, %xor3A_425 : vector<16xi32>
      %shift_left3A_427 = arith.constant 26 : i32
      %shift_left3A_428 = vector.broadcast %shift_left3A_427 : i32 to vector<16xi32>
      %shift_left3A_429 = arith.shli %xor3A_425, %shift_left3A_428 : vector<16xi32>
      %shift_right_logical3A_430 = arith.constant 6 : i32
      %shift_right_logical3A_431 = vector.broadcast %shift_right_logical3A_430 : i32 to vector<16xi32>
      %shift_right_logical3A_432 = arith.shrui %xor3A_425, %shift_right_logical3A_431 : vector<16xi32>
      %or3A_433 = arith.ori %shift_left3A_429, %shift_right_logical3A_432 : vector<16xi32>
      %xor3A_434 = arith.xori %or3A_433, %add3A_426 : vector<16xi32>
      %add3A_435 = arith.addi %add3A_426, %xor3A_434 : vector<16xi32>
      %shift_left3A_436 = arith.constant 6 : i32
      %shift_left3A_437 = vector.broadcast %shift_left3A_436 : i32 to vector<16xi32>
      %shift_left3A_438 = arith.shli %xor3A_434, %shift_left3A_437 : vector<16xi32>
      %shift_right_logical3A_439 = arith.constant 26 : i32
      %shift_right_logical3A_440 = vector.broadcast %shift_right_logical3A_439 : i32 to vector<16xi32>
      %shift_right_logical3A_441 = arith.shrui %xor3A_434, %shift_right_logical3A_440 : vector<16xi32>
      %or3A_442 = arith.ori %shift_left3A_438, %shift_right_logical3A_441 : vector<16xi32>
      %xor3A_443 = arith.xori %or3A_442, %add3A_435 : vector<16xi32>
      %add3A_444 = arith.constant 466689008 : i32
      %add3A_445 = vector.broadcast %add3A_444 : i32 to vector<16xi32>
      %add3A_446 = arith.addi %add3A_435, %add3A_445 : vector<16xi32>
      %add3A_447 = arith.constant 5 : i32
      %add3A_448 = vector.broadcast %add3A_447 : i32 to vector<16xi32>
      %add3A_449 = arith.addi %xor3A_443, %add3A_448 : vector<16xi32>
      %xor3A_450 = arith.xori %add3A_446, %add3A_449 : vector<16xi32>
      %swap3A_451 = arith.index_cast %scan3A_17 : i32 to index
      %swap3A_452 = arith.constant 16 : index
      %swap3A_453 = tpu.vector_load %arg3[%swap3A_451, %swap3A_452] {strides = array<i32>} : memref<832x128xi32, #tpu.memory_space<vmem>>, vector<1x16xi32>,
      %swap3A_454 = vector.shape_cast %swap3A_453 : vector<1x16xi32> to vector<16xi32>
      %swap3A_455 = vector.shape_cast %xor3A_450 : vector<16xi32> to vector<1x16xi32>
      tpu.vector_store %arg3[%swap3A_451, %swap3A_452], %swap3A_455 {strides = array<i32>} : memref<832x128xi32, #tpu.memory_space<vmem>>, vector<1x16xi32>,
      %add3A_456 = arith.constant 3200000 : i32
      %add3A_457 = vector.broadcast %add3A_456 : i32 to vector<16xi32>
      %add3A_458 = arith.addi %mul3A_5, %add3A_457 : vector<16xi32>
      %add3A_459 = vector.broadcast %add3A_20 : i32 to vector<16xi32>
      %add3A_460 = arith.addi %add3A_458, %add3A_459 : vector<16xi32>
      %shift_left3A_461 = arith.constant 13 : i32
      %shift_left3A_462 = vector.broadcast %shift_left3A_461 : i32 to vector<16xi32>
      %shift_left3A_463 = arith.shli %add3A_460, %shift_left3A_462 : vector<16xi32>
      %shift_right_logical3A_464 = arith.constant 19 : i32
      %shift_right_logical3A_465 = vector.broadcast %shift_right_logical3A_464 : i32 to vector<16xi32>
      %shift_right_logical3A_466 = arith.shrui %add3A_460, %shift_right_logical3A_465 : vector<16xi32>
      %or3A_467 = arith.ori %shift_left3A_463, %shift_right_logical3A_466 : vector<16xi32>
      %xor3A_468 = arith.xori %or3A_467, %add3A_460 : vector<16xi32>
      %add3A_469 = arith.addi %add3A_460, %xor3A_468 : vector<16xi32>
      %shift_left3A_470 = arith.constant 15 : i32
      %shift_left3A_471 = vector.broadcast %shift_left3A_470 : i32 to vector<16xi32>
      %shift_left3A_472 = arith.shli %xor3A_468, %shift_left3A_471 : vector<16xi32>
      %shift_right_logical3A_473 = arith.constant 17 : i32
      %shift_right_logical3A_474 = vector.broadcast %shift_right_logical3A_473 : i32 to vector<16xi32>
      %shift_right_logical3A_475 = arith.shrui %xor3A_468, %shift_right_logical3A_474 : vector<16xi32>
      %or3A_476 = arith.ori %shift_left3A_472, %shift_right_logical3A_475 : vector<16xi32>
      %xor3A_477 = arith.xori %or3A_476, %add3A_469 : vector<16xi32>
      %add3A_478 = arith.addi %add3A_469, %xor3A_477 : vector<16xi32>
      %shift_left3A_479 = arith.constant 26 : i32
      %shift_left3A_480 = vector.broadcast %shift_left3A_479 : i32 to vector<16xi32>
      %shift_left3A_481 = arith.shli %xor3A_477, %shift_left3A_480 : vector<16xi32>
      %shift_right_logical3A_482 = arith.constant 6 : i32
      %shift_right_logical3A_483 = vector.broadcast %shift_right_logical3A_482 : i32 to vector<16xi32>
      %shift_right_logical3A_484 = arith.shrui %xor3A_477, %shift_right_logical3A_483 : vector<16xi32>
      %or3A_485 = arith.ori %shift_left3A_481, %shift_right_logical3A_484 : vector<16xi32>
      %xor3A_486 = arith.xori %or3A_485, %add3A_478 : vector<16xi32>
      %add3A_487 = arith.addi %add3A_478, %xor3A_486 : vector<16xi32>
      %shift_left3A_488 = arith.constant 6 : i32
      %shift_left3A_489 = vector.broadcast %shift_left3A_488 : i32 to vector<16xi32>
      %shift_left3A_490 = arith.shli %xor3A_486, %shift_left3A_489 : vector<16xi32>
      %shift_right_logical3A_491 = arith.constant 26 : i32
      %shift_right_logical3A_492 = vector.broadcast %shift_right_logical3A_491 : i32 to vector<16xi32>
      %shift_right_logical3A_493 = arith.shrui %xor3A_486, %shift_right_logical3A_492 : vector<16xi32>
      %or3A_494 = arith.ori %shift_left3A_490, %shift_right_logical3A_493 : vector<16xi32>
      %xor3A_495 = arith.xori %or3A_494, %add3A_487 : vector<16xi32>
      %add3A_496 = arith.constant 42 : i32
      %add3A_497 = vector.broadcast %add3A_496 : i32 to vector<16xi32>
      %add3A_498 = arith.addi %add3A_487, %add3A_497 : vector<16xi32>
      %add3A_499 = arith.constant 466689009 : i32
      %add3A_500 = vector.broadcast %add3A_499 : i32 to vector<16xi32>
      %add3A_501 = arith.addi %xor3A_495, %add3A_500 : vector<16xi32>
      %add3A_502 = arith.addi %add3A_498, %add3A_501 : vector<16xi32>
      %shift_left3A_503 = arith.constant 17 : i32
      %shift_left3A_504 = vector.broadcast %shift_left3A_503 : i32 to vector<16xi32>
      %shift_left3A_505 = arith.shli %add3A_501, %shift_left3A_504 : vector<16xi32>
      %shift_right_logical3A_506 = arith.constant 15 : i32
      %shift_right_logical3A_507 = vector.broadcast %shift_right_logical3A_506 : i32 to vector<16xi32>
      %shift_right_logical3A_508 = arith.shrui %add3A_501, %shift_right_logical3A_507 : vector<16xi32>
      %or3A_509 = arith.ori %shift_left3A_505, %shift_right_logical3A_508 : vector<16xi32>
      %xor3A_510 = arith.xori %or3A_509, %add3A_502 : vector<16xi32>
      %add3A_511 = arith.addi %add3A_502, %xor3A_510 : vector<16xi32>
      %shift_left3A_512 = arith.constant 29 : i32
      %shift_left3A_513 = vector.broadcast %shift_left3A_512 : i32 to vector<16xi32>
      %shift_left3A_514 = arith.shli %xor3A_510, %shift_left3A_513 : vector<16xi32>
      %shift_right_logical3A_515 = arith.constant 3 : i32
      %shift_right_logical3A_516 = vector.broadcast %shift_right_logical3A_515 : i32 to vector<16xi32>
      %shift_right_logical3A_517 = arith.shrui %xor3A_510, %shift_right_logical3A_516 : vector<16xi32>
      %or3A_518 = arith.ori %shift_left3A_514, %shift_right_logical3A_517 : vector<16xi32>
      %xor3A_519 = arith.xori %or3A_518, %add3A_511 : vector<16xi32>
      %add3A_520 = arith.addi %add3A_511, %xor3A_519 : vector<16xi32>
      %shift_left3A_521 = arith.constant 16 : i32
      %shift_left3A_522 = vector.broadcast %shift_left3A_521 : i32 to vector<16xi32>
      %shift_left3A_523 = arith.shli %xor3A_519, %shift_left3A_522 : vector<16xi32>
      %shift_right_logical3A_524 = arith.constant 16 : i32
      %shift_right_logical3A_525 = vector.broadcast %shift_right_logical3A_524 : i32 to vector<16xi32>
      %shift_right_logical3A_526 = arith.shrui %xor3A_519, %shift_right_logical3A_525 : vector<16xi32>
      %or3A_527 = arith.ori %shift_left3A_523, %shift_right_logical3A_526 : vector<16xi32>
      %xor3A_528 = arith.xori %or3A_527, %add3A_520 : vector<16xi32>
      %add3A_529 = arith.addi %add3A_520, %xor3A_528 : vector<16xi32>
      %shift_left3A_530 = arith.constant 24 : i32
      %shift_left3A_531 = vector.broadcast %shift_left3A_530 : i32 to vector<16xi32>
      %shift_left3A_532 = arith.shli %xor3A_528, %shift_left3A_531 : vector<16xi32>
      %shift_right_logical3A_533 = arith.constant 8 : i32
      %shift_right_logical3A_534 = vector.broadcast %shift_right_logical3A_533 : i32 to vector<16xi32>
      %shift_right_logical3A_535 = arith.shrui %xor3A_528, %shift_right_logical3A_534 : vector<16xi32>
      %or3A_536 = arith.ori %shift_left3A_532, %shift_right_logical3A_535 : vector<16xi32>
      %xor3A_537 = arith.xori %or3A_536, %add3A_529 : vector<16xi32>
      %add3A_538 = arith.constant 466689008 : i32
      %add3A_539 = vector.broadcast %add3A_538 : i32 to vector<16xi32>
      %add3A_540 = arith.addi %add3A_529, %add3A_539 : vector<16xi32>
      %add3A_541 = arith.constant 2 : i32
      %add3A_542 = vector.broadcast %add3A_541 : i32 to vector<16xi32>
      %add3A_543 = arith.addi %xor3A_537, %add3A_542 : vector<16xi32>
      %add3A_544 = arith.addi %add3A_540, %add3A_543 : vector<16xi32>
      %shift_left3A_545 = arith.constant 13 : i32
      %shift_left3A_546 = vector.broadcast %shift_left3A_545 : i32 to vector<16xi32>
      %shift_left3A_547 = arith.shli %add3A_543, %shift_left3A_546 : vector<16xi32>
      %shift_right_logical3A_548 = arith.constant 19 : i32
      %shift_right_logical3A_549 = vector.broadcast %shift_right_logical3A_548 : i32 to vector<16xi32>
      %shift_right_logical3A_550 = arith.shrui %add3A_543, %shift_right_logical3A_549 : vector<16xi32>
      %or3A_551 = arith.ori %shift_left3A_547, %shift_right_logical3A_550 : vector<16xi32>
      %xor3A_552 = arith.xori %or3A_551, %add3A_544 : vector<16xi32>
      %add3A_553 = arith.addi %add3A_544, %xor3A_552 : vector<16xi32>
      %shift_left3A_554 = arith.constant 15 : i32
      %shift_left3A_555 = vector.broadcast %shift_left3A_554 : i32 to vector<16xi32>
      %shift_left3A_556 = arith.shli %xor3A_552, %shift_left3A_555 : vector<16xi32>
      %shift_right_logical3A_557 = arith.constant 17 : i32
      %shift_right_logical3A_558 = vector.broadcast %shift_right_logical3A_557 : i32 to vector<16xi32>
      %shift_right_logical3A_559 = arith.shrui %xor3A_552, %shift_right_logical3A_558 : vector<16xi32>
      %or3A_560 = arith.ori %shift_left3A_556, %shift_right_logical3A_559 : vector<16xi32>
      %xor3A_561 = arith.xori %or3A_560, %add3A_553 : vector<16xi32>
      %add3A_562 = arith.addi %add3A_553, %xor3A_561 : vector<16xi32>
      %shift_left3A_563 = arith.constant 26 : i32
      %shift_left3A_564 = vector.broadcast %shift_left3A_563 : i32 to vector<16xi32>
      %shift_left3A_565 = arith.shli %xor3A_561, %shift_left3A_564 : vector<16xi32>
      %shift_right_logical3A_566 = arith.constant 6 : i32
      %shift_right_logical3A_567 = vector.broadcast %shift_right_logical3A_566 : i32 to vector<16xi32>
      %shift_right_logical3A_568 = arith.shrui %xor3A_561, %shift_right_logical3A_567 : vector<16xi32>
      %or3A_569 = arith.ori %shift_left3A_565, %shift_right_logical3A_568 : vector<16xi32>
      %xor3A_570 = arith.xori %or3A_569, %add3A_562 : vector<16xi32>
      %add3A_571 = arith.addi %add3A_562, %xor3A_570 : vector<16xi32>
      %shift_left3A_572 = arith.constant 6 : i32
      %shift_left3A_573 = vector.broadcast %shift_left3A_572 : i32 to vector<16xi32>
      %shift_left3A_574 = arith.shli %xor3A_570, %shift_left3A_573 : vector<16xi32>
      %shift_right_logical3A_575 = arith.constant 26 : i32
      %shift_right_logical3A_576 = vector.broadcast %shift_right_logical3A_575 : i32 to vector<16xi32>
      %shift_right_logical3A_577 = arith.shrui %xor3A_570, %shift_right_logical3A_576 : vector<16xi32>
      %or3A_578 = arith.ori %shift_left3A_574, %shift_right_logical3A_577 : vector<16xi32>
      %xor3A_579 = arith.xori %or3A_578, %add3A_571 : vector<16xi32>
      %add3A_580 = arith.constant 0 : i32
      %add3A_581 = vector.broadcast %add3A_580 : i32 to vector<16xi32>
      %add3A_582 = arith.addi %add3A_571, %add3A_581 : vector<16xi32>
      %add3A_583 = arith.constant 45 : i32
      %add3A_584 = vector.broadcast %add3A_583 : i32 to vector<16xi32>
      %add3A_585 = arith.addi %xor3A_579, %add3A_584 : vector<16xi32>
      %add3A_586 = arith.addi %add3A_582, %add3A_585 : vector<16xi32>
      %shift_left3A_587 = arith.constant 17 : i32
      %shift_left3A_588 = vector.broadcast %shift_left3A_587 : i32 to vector<16xi32>
      %shift_left3A_589 = arith.shli %add3A_585, %shift_left3A_588 : vector<16xi32>
      %shift_right_logical3A_590 = arith.constant 15 : i32
      %shift_right_logical3A_591 = vector.broadcast %shift_right_logical3A_590 : i32 to vector<16xi32>
      %shift_right_logical3A_592 = arith.shrui %add3A_585, %shift_right_logical3A_591 : vector<16xi32>
      %or3A_593 = arith.ori %shift_left3A_589, %shift_right_logical3A_592 : vector<16xi32>
      %xor3A_594 = arith.xori %or3A_593, %add3A_586 : vector<16xi32>
      %add3A_595 = arith.addi %add3A_586, %xor3A_594 : vector<16xi32>
      %shift_left3A_596 = arith.constant 29 : i32
      %shift_left3A_597 = vector.broadcast %shift_left3A_596 : i32 to vector<16xi32>
      %shift_left3A_598 = arith.shli %xor3A_594, %shift_left3A_597 : vector<16xi32>
      %shift_right_logical3A_599 = arith.constant 3 : i32
      %shift_right_logical3A_600 = vector.broadcast %shift_right_logical3A_599 : i32 to vector<16xi32>
      %shift_right_logical3A_601 = arith.shrui %xor3A_594, %shift_right_logical3A_600 : vector<16xi32>
      %or3A_602 = arith.ori %shift_left3A_598, %shift_right_logical3A_601 : vector<16xi32>
      %xor3A_603 = arith.xori %or3A_602, %add3A_595 : vector<16xi32>
      %add3A_604 = arith.addi %add3A_595, %xor3A_603 : vector<16xi32>
      %shift_left3A_605 = arith.constant 16 : i32
      %shift_left3A_606 = vector.broadcast %shift_left3A_605 : i32 to vector<16xi32>
      %shift_left3A_607 = arith.shli %xor3A_603, %shift_left3A_606 : vector<16xi32>
      %shift_right_logical3A_608 = arith.constant 16 : i32
      %shift_right_logical3A_609 = vector.broadcast %shift_right_logical3A_608 : i32 to vector<16xi32>
      %shift_right_logical3A_610 = arith.shrui %xor3A_603, %shift_right_logical3A_609 : vector<16xi32>
      %or3A_611 = arith.ori %shift_left3A_607, %shift_right_logical3A_610 : vector<16xi32>
      %xor3A_612 = arith.xori %or3A_611, %add3A_604 : vector<16xi32>
      %add3A_613 = arith.addi %add3A_604, %xor3A_612 : vector<16xi32>
      %shift_left3A_614 = arith.constant 24 : i32
      %shift_left3A_615 = vector.broadcast %shift_left3A_614 : i32 to vector<16xi32>
      %shift_left3A_616 = arith.shli %xor3A_612, %shift_left3A_615 : vector<16xi32>
      %shift_right_logical3A_617 = arith.constant 8 : i32
      %shift_right_logical3A_618 = vector.broadcast %shift_right_logical3A_617 : i32 to vector<16xi32>
      %shift_right_logical3A_619 = arith.shrui %xor3A_612, %shift_right_logical3A_618 : vector<16xi32>
      %or3A_620 = arith.ori %shift_left3A_616, %shift_right_logical3A_619 : vector<16xi32>
      %xor3A_621 = arith.xori %or3A_620, %add3A_613 : vector<16xi32>
      %add3A_622 = arith.constant 42 : i32
      %add3A_623 = vector.broadcast %add3A_622 : i32 to vector<16xi32>
      %add3A_624 = arith.addi %add3A_613, %add3A_623 : vector<16xi32>
      %add3A_625 = arith.constant 466689012 : i32
      %add3A_626 = vector.broadcast %add3A_625 : i32 to vector<16xi32>
      %add3A_627 = arith.addi %xor3A_621, %add3A_626 : vector<16xi32>
      %add3A_628 = arith.addi %add3A_624, %add3A_627 : vector<16xi32>
      %shift_left3A_629 = arith.constant 13 : i32
      %shift_left3A_630 = vector.broadcast %shift_left3A_629 : i32 to vector<16xi32>
      %shift_left3A_631 = arith.shli %add3A_627, %shift_left3A_630 : vector<16xi32>
      %shift_right_logical3A_632 = arith.constant 19 : i32
      %shift_right_logical3A_633 = vector.broadcast %shift_right_logical3A_632 : i32 to vector<16xi32>
      %shift_right_logical3A_634 = arith.shrui %add3A_627, %shift_right_logical3A_633 : vector<16xi32>
      %or3A_635 = arith.ori %shift_left3A_631, %shift_right_logical3A_634 : vector<16xi32>
      %xor3A_636 = arith.xori %or3A_635, %add3A_628 : vector<16xi32>
      %add3A_637 = arith.addi %add3A_628, %xor3A_636 : vector<16xi32>
      %shift_left3A_638 = arith.constant 15 : i32
      %shift_left3A_639 = vector.broadcast %shift_left3A_638 : i32 to vector<16xi32>
      %shift_left3A_640 = arith.shli %xor3A_636, %shift_left3A_639 : vector<16xi32>
      %shift_right_logical3A_641 = arith.constant 17 : i32
      %shift_right_logical3A_642 = vector.broadcast %shift_right_logical3A_641 : i32 to vector<16xi32>
      %shift_right_logical3A_643 = arith.shrui %xor3A_636, %shift_right_logical3A_642 : vector<16xi32>
      %or3A_644 = arith.ori %shift_left3A_640, %shift_right_logical3A_643 : vector<16xi32>
      %xor3A_645 = arith.xori %or3A_644, %add3A_637 : vector<16xi32>
      %add3A_646 = arith.addi %add3A_637, %xor3A_645 : vector<16xi32>
      %shift_left3A_647 = arith.constant 26 : i32
      %shift_left3A_648 = vector.broadcast %shift_left3A_647 : i32 to vector<16xi32>
      %shift_left3A_649 = arith.shli %xor3A_645, %shift_left3A_648 : vector<16xi32>
      %shift_right_logical3A_650 = arith.constant 6 : i32
      %shift_right_logical3A_651 = vector.broadcast %shift_right_logical3A_650 : i32 to vector<16xi32>
      %shift_right_logical3A_652 = arith.shrui %xor3A_645, %shift_right_logical3A_651 : vector<16xi32>
      %or3A_653 = arith.ori %shift_left3A_649, %shift_right_logical3A_652 : vector<16xi32>
      %xor3A_654 = arith.xori %or3A_653, %add3A_646 : vector<16xi32>
      %add3A_655 = arith.addi %add3A_646, %xor3A_654 : vector<16xi32>
      %shift_left3A_656 = arith.constant 6 : i32
      %shift_left3A_657 = vector.broadcast %shift_left3A_656 : i32 to vector<16xi32>
      %shift_left3A_658 = arith.shli %xor3A_654, %shift_left3A_657 : vector<16xi32>
      %shift_right_logical3A_659 = arith.constant 26 : i32
      %shift_right_logical3A_660 = vector.broadcast %shift_right_logical3A_659 : i32 to vector<16xi32>
      %shift_right_logical3A_661 = arith.shrui %xor3A_654, %shift_right_logical3A_660 : vector<16xi32>
      %or3A_662 = arith.ori %shift_left3A_658, %shift_right_logical3A_661 : vector<16xi32>
      %xor3A_663 = arith.xori %or3A_662, %add3A_655 : vector<16xi32>
      %add3A_664 = arith.constant 466689008 : i32
      %add3A_665 = vector.broadcast %add3A_664 : i32 to vector<16xi32>
      %add3A_666 = arith.addi %add3A_655, %add3A_665 : vector<16xi32>
      %add3A_667 = arith.constant 5 : i32
      %add3A_668 = vector.broadcast %add3A_667 : i32 to vector<16xi32>
      %add3A_669 = arith.addi %xor3A_663, %add3A_668 : vector<16xi32>
      %xor3A_670 = arith.xori %add3A_666, %add3A_669 : vector<16xi32>
      %swap3A_671 = arith.index_cast %scan3A_17 : i32 to index
      %swap3A_672 = arith.constant 32 : index
      %swap3A_673 = tpu.vector_load %arg3[%swap3A_671, %swap3A_672] {strides = array<i32>} : memref<832x128xi32, #tpu.memory_space<vmem>>, vector<1x16xi32>,
      %swap3A_674 = vector.shape_cast %swap3A_673 : vector<1x16xi32> to vector<16xi32>
      %swap3A_675 = vector.shape_cast %xor3A_670 : vector<16xi32> to vector<1x16xi32>
      tpu.vector_store %arg3[%swap3A_671, %swap3A_672], %swap3A_675 {strides = array<i32>} : memref<832x128xi32, #tpu.memory_space<vmem>>, vector<1x16xi32>,
      %add3A_676 = arith.constant 4800000 : i32
      %add3A_677 = vector.broadcast %add3A_676 : i32 to vector<16xi32>
      %add3A_678 = arith.addi %mul3A_5, %add3A_677 : vector<16xi32>
      %add3A_679 = vector.broadcast %add3A_20 : i32 to vector<16xi32>
      %add3A_680 = arith.addi %add3A_678, %add3A_679 : vector<16xi32>
      %shift_left3A_681 = arith.constant 13 : i32
      %shift_left3A_682 = vector.broadcast %shift_left3A_681 : i32 to vector<16xi32>
      %shift_left3A_683 = arith.shli %add3A_680, %shift_left3A_682 : vector<16xi32>
      %shift_right_logical3A_684 = arith.constant 19 : i32
      %shift_right_logical3A_685 = vector.broadcast %shift_right_logical3A_684 : i32 to vector<16xi32>
      %shift_right_logical3A_686 = arith.shrui %add3A_680, %shift_right_logical3A_685 : vector<16xi32>
      %or3A_687 = arith.ori %shift_left3A_683, %shift_right_logical3A_686 : vector<16xi32>
      %xor3A_688 = arith.xori %or3A_687, %add3A_680 : vector<16xi32>
      %add3A_689 = arith.addi %add3A_680, %xor3A_688 : vector<16xi32>
      %shift_left3A_690 = arith.constant 15 : i32
      %shift_left3A_691 = vector.broadcast %shift_left3A_690 : i32 to vector<16xi32>
      %shift_left3A_692 = arith.shli %xor3A_688, %shift_left3A_691 : vector<16xi32>
      %shift_right_logical3A_693 = arith.constant 17 : i32
      %shift_right_logical3A_694 = vector.broadcast %shift_right_logical3A_693 : i32 to vector<16xi32>
      %shift_right_logical3A_695 = arith.shrui %xor3A_688, %shift_right_logical3A_694 : vector<16xi32>
      %or3A_696 = arith.ori %shift_left3A_692, %shift_right_logical3A_695 : vector<16xi32>
      %xor3A_697 = arith.xori %or3A_696, %add3A_689 : vector<16xi32>
      %add3A_698 = arith.addi %add3A_689, %xor3A_697 : vector<16xi32>
      %shift_left3A_699 = arith.constant 26 : i32
      %shift_left3A_700 = vector.broadcast %shift_left3A_699 : i32 to vector<16xi32>
      %shift_left3A_701 = arith.shli %xor3A_697, %shift_left3A_700 : vector<16xi32>
      %shift_right_logical3A_702 = arith.constant 6 : i32
      %shift_right_logical3A_703 = vector.broadcast %shift_right_logical3A_702 : i32 to vector<16xi32>
      %shift_right_logical3A_704 = arith.shrui %xor3A_697, %shift_right_logical3A_703 : vector<16xi32>
      %or3A_705 = arith.ori %shift_left3A_701, %shift_right_logical3A_704 : vector<16xi32>
      %xor3A_706 = arith.xori %or3A_705, %add3A_698 : vector<16xi32>
      %add3A_707 = arith.addi %add3A_698, %xor3A_706 : vector<16xi32>
      %shift_left3A_708 = arith.constant 6 : i32
      %shift_left3A_709 = vector.broadcast %shift_left3A_708 : i32 to vector<16xi32>
      %shift_left3A_710 = arith.shli %xor3A_706, %shift_left3A_709 : vector<16xi32>
      %shift_right_logical3A_711 = arith.constant 26 : i32
      %shift_right_logical3A_712 = vector.broadcast %shift_right_logical3A_711 : i32 to vector<16xi32>
      %shift_right_logical3A_713 = arith.shrui %xor3A_706, %shift_right_logical3A_712 : vector<16xi32>
      %or3A_714 = arith.ori %shift_left3A_710, %shift_right_logical3A_713 : vector<16xi32>
      %xor3A_715 = arith.xori %or3A_714, %add3A_707 : vector<16xi32>
      %add3A_716 = arith.constant 42 : i32
      %add3A_717 = vector.broadcast %add3A_716 : i32 to vector<16xi32>
      %add3A_718 = arith.addi %add3A_707, %add3A_717 : vector<16xi32>
      %add3A_719 = arith.constant 466689009 : i32
      %add3A_720 = vector.broadcast %add3A_719 : i32 to vector<16xi32>
      %add3A_721 = arith.addi %xor3A_715, %add3A_720 : vector<16xi32>
      %add3A_722 = arith.addi %add3A_718, %add3A_721 : vector<16xi32>
      %shift_left3A_723 = arith.constant 17 : i32
      %shift_left3A_724 = vector.broadcast %shift_left3A_723 : i32 to vector<16xi32>
      %shift_left3A_725 = arith.shli %add3A_721, %shift_left3A_724 : vector<16xi32>
      %shift_right_logical3A_726 = arith.constant 15 : i32
      %shift_right_logical3A_727 = vector.broadcast %shift_right_logical3A_726 : i32 to vector<16xi32>
      %shift_right_logical3A_728 = arith.shrui %add3A_721, %shift_right_logical3A_727 : vector<16xi32>
      %or3A_729 = arith.ori %shift_left3A_725, %shift_right_logical3A_728 : vector<16xi32>
      %xor3A_730 = arith.xori %or3A_729, %add3A_722 : vector<16xi32>
      %add3A_731 = arith.addi %add3A_722, %xor3A_730 : vector<16xi32>
      %shift_left3A_732 = arith.constant 29 : i32
      %shift_left3A_733 = vector.broadcast %shift_left3A_732 : i32 to vector<16xi32>
      %shift_left3A_734 = arith.shli %xor3A_730, %shift_left3A_733 : vector<16xi32>
      %shift_right_logical3A_735 = arith.constant 3 : i32
      %shift_right_logical3A_736 = vector.broadcast %shift_right_logical3A_735 : i32 to vector<16xi32>
      %shift_right_logical3A_737 = arith.shrui %xor3A_730, %shift_right_logical3A_736 : vector<16xi32>
      %or3A_738 = arith.ori %shift_left3A_734, %shift_right_logical3A_737 : vector<16xi32>
      %xor3A_739 = arith.xori %or3A_738, %add3A_731 : vector<16xi32>
      %add3A_740 = arith.addi %add3A_731, %xor3A_739 : vector<16xi32>
      %shift_left3A_741 = arith.constant 16 : i32
      %shift_left3A_742 = vector.broadcast %shift_left3A_741 : i32 to vector<16xi32>
      %shift_left3A_743 = arith.shli %xor3A_739, %shift_left3A_742 : vector<16xi32>
      %shift_right_logical3A_744 = arith.constant 16 : i32
      %shift_right_logical3A_745 = vector.broadcast %shift_right_logical3A_744 : i32 to vector<16xi32>
      %shift_right_logical3A_746 = arith.shrui %xor3A_739, %shift_right_logical3A_745 : vector<16xi32>
      %or3A_747 = arith.ori %shift_left3A_743, %shift_right_logical3A_746 : vector<16xi32>
      %xor3A_748 = arith.xori %or3A_747, %add3A_740 : vector<16xi32>
      %add3A_749 = arith.addi %add3A_740, %xor3A_748 : vector<16xi32>
      %shift_left3A_750 = arith.constant 24 : i32
      %shift_left3A_751 = vector.broadcast %shift_left3A_750 : i32 to vector<16xi32>
      %shift_left3A_752 = arith.shli %xor3A_748, %shift_left3A_751 : vector<16xi32>
      %shift_right_logical3A_753 = arith.constant 8 : i32
      %shift_right_logical3A_754 = vector.broadcast %shift_right_logical3A_753 : i32 to vector<16xi32>
      %shift_right_logical3A_755 = arith.shrui %xor3A_748, %shift_right_logical3A_754 : vector<16xi32>
      %or3A_756 = arith.ori %shift_left3A_752, %shift_right_logical3A_755 : vector<16xi32>
      %xor3A_757 = arith.xori %or3A_756, %add3A_749 : vector<16xi32>
      %add3A_758 = arith.constant 466689008 : i32
      %add3A_759 = vector.broadcast %add3A_758 : i32 to vector<16xi32>
      %add3A_760 = arith.addi %add3A_749, %add3A_759 : vector<16xi32>
      %add3A_761 = arith.constant 2 : i32
      %add3A_762 = vector.broadcast %add3A_761 : i32 to vector<16xi32>
      %add3A_763 = arith.addi %xor3A_757, %add3A_762 : vector<16xi32>
      %add3A_764 = arith.addi %add3A_760, %add3A_763 : vector<16xi32>
      %shift_left3A_765 = arith.constant 13 : i32
      %shift_left3A_766 = vector.broadcast %shift_left3A_765 : i32 to vector<16xi32>
      %shift_left3A_767 = arith.shli %add3A_763, %shift_left3A_766 : vector<16xi32>
      %shift_right_logical3A_768 = arith.constant 19 : i32
      %shift_right_logical3A_769 = vector.broadcast %shift_right_logical3A_768 : i32 to vector<16xi32>
      %shift_right_logical3A_770 = arith.shrui %add3A_763, %shift_right_logical3A_769 : vector<16xi32>
      %or3A_771 = arith.ori %shift_left3A_767, %shift_right_logical3A_770 : vector<16xi32>
      %xor3A_772 = arith.xori %or3A_771, %add3A_764 : vector<16xi32>
      %add3A_773 = arith.addi %add3A_764, %xor3A_772 : vector<16xi32>
      %shift_left3A_774 = arith.constant 15 : i32
      %shift_left3A_775 = vector.broadcast %shift_left3A_774 : i32 to vector<16xi32>
      %shift_left3A_776 = arith.shli %xor3A_772, %shift_left3A_775 : vector<16xi32>
      %shift_right_logical3A_777 = arith.constant 17 : i32
      %shift_right_logical3A_778 = vector.broadcast %shift_right_logical3A_777 : i32 to vector<16xi32>
      %shift_right_logical3A_779 = arith.shrui %xor3A_772, %shift_right_logical3A_778 : vector<16xi32>
      %or3A_780 = arith.ori %shift_left3A_776, %shift_right_logical3A_779 : vector<16xi32>
      %xor3A_781 = arith.xori %or3A_780, %add3A_773 : vector<16xi32>
      %add3A_782 = arith.addi %add3A_773, %xor3A_781 : vector<16xi32>
      %shift_left3A_783 = arith.constant 26 : i32
      %shift_left3A_784 = vector.broadcast %shift_left3A_783 : i32 to vector<16xi32>
      %shift_left3A_785 = arith.shli %xor3A_781, %shift_left3A_784 : vector<16xi32>
      %shift_right_logical3A_786 = arith.constant 6 : i32
      %shift_right_logical3A_787 = vector.broadcast %shift_right_logical3A_786 : i32 to vector<16xi32>
      %shift_right_logical3A_788 = arith.shrui %xor3A_781, %shift_right_logical3A_787 : vector<16xi32>
      %or3A_789 = arith.ori %shift_left3A_785, %shift_right_logical3A_788 : vector<16xi32>
      %xor3A_790 = arith.xori %or3A_789, %add3A_782 : vector<16xi32>
      %add3A_791 = arith.addi %add3A_782, %xor3A_790 : vector<16xi32>
      %shift_left3A_792 = arith.constant 6 : i32
      %shift_left3A_793 = vector.broadcast %shift_left3A_792 : i32 to vector<16xi32>
      %shift_left3A_794 = arith.shli %xor3A_790, %shift_left3A_793 : vector<16xi32>
      %shift_right_logical3A_795 = arith.constant 26 : i32
      %shift_right_logical3A_796 = vector.broadcast %shift_right_logical3A_795 : i32 to vector<16xi32>
      %shift_right_logical3A_797 = arith.shrui %xor3A_790, %shift_right_logical3A_796 : vector<16xi32>
      %or3A_798 = arith.ori %shift_left3A_794, %shift_right_logical3A_797 : vector<16xi32>
      %xor3A_799 = arith.xori %or3A_798, %add3A_791 : vector<16xi32>
      %add3A_800 = arith.constant 0 : i32
      %add3A_801 = vector.broadcast %add3A_800 : i32 to vector<16xi32>
      %add3A_802 = arith.addi %add3A_791, %add3A_801 : vector<16xi32>
      %add3A_803 = arith.constant 45 : i32
      %add3A_804 = vector.broadcast %add3A_803 : i32 to vector<16xi32>
      %add3A_805 = arith.addi %xor3A_799, %add3A_804 : vector<16xi32>
      %add3A_806 = arith.addi %add3A_802, %add3A_805 : vector<16xi32>
      %shift_left3A_807 = arith.constant 17 : i32
      %shift_left3A_808 = vector.broadcast %shift_left3A_807 : i32 to vector<16xi32>
      %shift_left3A_809 = arith.shli %add3A_805, %shift_left3A_808 : vector<16xi32>
      %shift_right_logical3A_810 = arith.constant 15 : i32
      %shift_right_logical3A_811 = vector.broadcast %shift_right_logical3A_810 : i32 to vector<16xi32>
      %shift_right_logical3A_812 = arith.shrui %add3A_805, %shift_right_logical3A_811 : vector<16xi32>
      %or3A_813 = arith.ori %shift_left3A_809, %shift_right_logical3A_812 : vector<16xi32>
      %xor3A_814 = arith.xori %or3A_813, %add3A_806 : vector<16xi32>
      %add3A_815 = arith.addi %add3A_806, %xor3A_814 : vector<16xi32>
      %shift_left3A_816 = arith.constant 29 : i32
      %shift_left3A_817 = vector.broadcast %shift_left3A_816 : i32 to vector<16xi32>
      %shift_left3A_818 = arith.shli %xor3A_814, %shift_left3A_817 : vector<16xi32>
      %shift_right_logical3A_819 = arith.constant 3 : i32
      %shift_right_logical3A_820 = vector.broadcast %shift_right_logical3A_819 : i32 to vector<16xi32>
      %shift_right_logical3A_821 = arith.shrui %xor3A_814, %shift_right_logical3A_820 : vector<16xi32>
      %or3A_822 = arith.ori %shift_left3A_818, %shift_right_logical3A_821 : vector<16xi32>
      %xor3A_823 = arith.xori %or3A_822, %add3A_815 : vector<16xi32>
      %add3A_824 = arith.addi %add3A_815, %xor3A_823 : vector<16xi32>
      %shift_left3A_825 = arith.constant 16 : i32
      %shift_left3A_826 = vector.broadcast %shift_left3A_825 : i32 to vector<16xi32>
      %shift_left3A_827 = arith.shli %xor3A_823, %shift_left3A_826 : vector<16xi32>
      %shift_right_logical3A_828 = arith.constant 16 : i32
      %shift_right_logical3A_829 = vector.broadcast %shift_right_logical3A_828 : i32 to vector<16xi32>
      %shift_right_logical3A_830 = arith.shrui %xor3A_823, %shift_right_logical3A_829 : vector<16xi32>
      %or3A_831 = arith.ori %shift_left3A_827, %shift_right_logical3A_830 : vector<16xi32>
      %xor3A_832 = arith.xori %or3A_831, %add3A_824 : vector<16xi32>
      %add3A_833 = arith.addi %add3A_824, %xor3A_832 : vector<16xi32>
      %shift_left3A_834 = arith.constant 24 : i32
      %shift_left3A_835 = vector.broadcast %shift_left3A_834 : i32 to vector<16xi32>
      %shift_left3A_836 = arith.shli %xor3A_832, %shift_left3A_835 : vector<16xi32>
      %shift_right_logical3A_837 = arith.constant 8 : i32
      %shift_right_logical3A_838 = vector.broadcast %shift_right_logical3A_837 : i32 to vector<16xi32>
      %shift_right_logical3A_839 = arith.shrui %xor3A_832, %shift_right_logical3A_838 : vector<16xi32>
      %or3A_840 = arith.ori %shift_left3A_836, %shift_right_logical3A_839 : vector<16xi32>
      %xor3A_841 = arith.xori %or3A_840, %add3A_833 : vector<16xi32>
      %add3A_842 = arith.constant 42 : i32
      %add3A_843 = vector.broadcast %add3A_842 : i32 to vector<16xi32>
      %add3A_844 = arith.addi %add3A_833, %add3A_843 : vector<16xi32>
      %add3A_845 = arith.constant 466689012 : i32
      %add3A_846 = vector.broadcast %add3A_845 : i32 to vector<16xi32>
      %add3A_847 = arith.addi %xor3A_841, %add3A_846 : vector<16xi32>
      %add3A_848 = arith.addi %add3A_844, %add3A_847 : vector<16xi32>
      %shift_left3A_849 = arith.constant 13 : i32
      %shift_left3A_850 = vector.broadcast %shift_left3A_849 : i32 to vector<16xi32>
      %shift_left3A_851 = arith.shli %add3A_847, %shift_left3A_850 : vector<16xi32>
      %shift_right_logical3A_852 = arith.constant 19 : i32
      %shift_right_logical3A_853 = vector.broadcast %shift_right_logical3A_852 : i32 to vector<16xi32>
      %shift_right_logical3A_854 = arith.shrui %add3A_847, %shift_right_logical3A_853 : vector<16xi32>
      %or3A_855 = arith.ori %shift_left3A_851, %shift_right_logical3A_854 : vector<16xi32>
      %xor3A_856 = arith.xori %or3A_855, %add3A_848 : vector<16xi32>
      %add3A_857 = arith.addi %add3A_848, %xor3A_856 : vector<16xi32>
      %shift_left3A_858 = arith.constant 15 : i32
      %shift_left3A_859 = vector.broadcast %shift_left3A_858 : i32 to vector<16xi32>
      %shift_left3A_860 = arith.shli %xor3A_856, %shift_left3A_859 : vector<16xi32>
      %shift_right_logical3A_861 = arith.constant 17 : i32
      %shift_right_logical3A_862 = vector.broadcast %shift_right_logical3A_861 : i32 to vector<16xi32>
      %shift_right_logical3A_863 = arith.shrui %xor3A_856, %shift_right_logical3A_862 : vector<16xi32>
      %or3A_864 = arith.ori %shift_left3A_860, %shift_right_logical3A_863 : vector<16xi32>
      %xor3A_865 = arith.xori %or3A_864, %add3A_857 : vector<16xi32>
      %add3A_866 = arith.addi %add3A_857, %xor3A_865 : vector<16xi32>
      %shift_left3A_867 = arith.constant 26 : i32
      %shift_left3A_868 = vector.broadcast %shift_left3A_867 : i32 to vector<16xi32>
      %shift_left3A_869 = arith.shli %xor3A_865, %shift_left3A_868 : vector<16xi32>
      %shift_right_logical3A_870 = arith.constant 6 : i32
      %shift_right_logical3A_871 = vector.broadcast %shift_right_logical3A_870 : i32 to vector<16xi32>
      %shift_right_logical3A_872 = arith.shrui %xor3A_865, %shift_right_logical3A_871 : vector<16xi32>
      %or3A_873 = arith.ori %shift_left3A_869, %shift_right_logical3A_872 : vector<16xi32>
      %xor3A_874 = arith.xori %or3A_873, %add3A_866 : vector<16xi32>
      %add3A_875 = arith.addi %add3A_866, %xor3A_874 : vector<16xi32>
      %shift_left3A_876 = arith.constant 6 : i32
      %shift_left3A_877 = vector.broadcast %shift_left3A_876 : i32 to vector<16xi32>
      %shift_left3A_878 = arith.shli %xor3A_874, %shift_left3A_877 : vector<16xi32>
      %shift_right_logical3A_879 = arith.constant 26 : i32
      %shift_right_logical3A_880 = vector.broadcast %shift_right_logical3A_879 : i32 to vector<16xi32>
      %shift_right_logical3A_881 = arith.shrui %xor3A_874, %shift_right_logical3A_880 : vector<16xi32>
      %or3A_882 = arith.ori %shift_left3A_878, %shift_right_logical3A_881 : vector<16xi32>
      %xor3A_883 = arith.xori %or3A_882, %add3A_875 : vector<16xi32>
      %add3A_884 = arith.constant 466689008 : i32
      %add3A_885 = vector.broadcast %add3A_884 : i32 to vector<16xi32>
      %add3A_886 = arith.addi %add3A_875, %add3A_885 : vector<16xi32>
      %add3A_887 = arith.constant 5 : i32
      %add3A_888 = vector.broadcast %add3A_887 : i32 to vector<16xi32>
      %add3A_889 = arith.addi %xor3A_883, %add3A_888 : vector<16xi32>
      %xor3A_890 = arith.xori %add3A_886, %add3A_889 : vector<16xi32>
      %swap3A_891 = arith.index_cast %scan3A_17 : i32 to index
      %swap3A_892 = arith.constant 48 : index
      %swap3A_893 = tpu.vector_load %arg3[%swap3A_891, %swap3A_892] {strides = array<i32>} : memref<832x128xi32, #tpu.memory_space<vmem>>, vector<1x16xi32>,
      %swap3A_894 = vector.shape_cast %swap3A_893 : vector<1x16xi32> to vector<16xi32>
      %swap3A_895 = vector.shape_cast %xor3A_890 : vector<16xi32> to vector<1x16xi32>
      tpu.vector_store %arg3[%swap3A_891, %swap3A_892], %swap3A_895 {strides = array<i32>} : memref<832x128xi32, #tpu.memory_space<vmem>>, vector<1x16xi32>,
      %add3A_896 = arith.constant 6400000 : i32
      %add3A_897 = vector.broadcast %add3A_896 : i32 to vector<16xi32>
      %add3A_898 = arith.addi %mul3A_5, %add3A_897 : vector<16xi32>
      %add3A_899 = vector.broadcast %add3A_20 : i32 to vector<16xi32>
      %add3A_900 = arith.addi %add3A_898, %add3A_899 : vector<16xi32>
      %shift_left3A_901 = arith.constant 13 : i32
      %shift_left3A_902 = vector.broadcast %shift_left3A_901 : i32 to vector<16xi32>
      %shift_left3A_903 = arith.shli %add3A_900, %shift_left3A_902 : vector<16xi32>
      %shift_right_logical3A_904 = arith.constant 19 : i32
      %shift_right_logical3A_905 = vector.broadcast %shift_right_logical3A_904 : i32 to vector<16xi32>
      %shift_right_logical3A_906 = arith.shrui %add3A_900, %shift_right_logical3A_905 : vector<16xi32>
      %or3A_907 = arith.ori %shift_left3A_903, %shift_right_logical3A_906 : vector<16xi32>
      %xor3A_908 = arith.xori %or3A_907, %add3A_900 : vector<16xi32>
      %add3A_909 = arith.addi %add3A_900, %xor3A_908 : vector<16xi32>
      %shift_left3A_910 = arith.constant 15 : i32
      %shift_left3A_911 = vector.broadcast %shift_left3A_910 : i32 to vector<16xi32>
      %shift_left3A_912 = arith.shli %xor3A_908, %shift_left3A_911 : vector<16xi32>
      %shift_right_logical3A_913 = arith.constant 17 : i32
      %shift_right_logical3A_914 = vector.broadcast %shift_right_logical3A_913 : i32 to vector<16xi32>
      %shift_right_logical3A_915 = arith.shrui %xor3A_908, %shift_right_logical3A_914 : vector<16xi32>
      %or3A_916 = arith.ori %shift_left3A_912, %shift_right_logical3A_915 : vector<16xi32>
      %xor3A_917 = arith.xori %or3A_916, %add3A_909 : vector<16xi32>
      %add3A_918 = arith.addi %add3A_909, %xor3A_917 : vector<16xi32>
      %shift_left3A_919 = arith.constant 26 : i32
      %shift_left3A_920 = vector.broadcast %shift_left3A_919 : i32 to vector<16xi32>
      %shift_left3A_921 = arith.shli %xor3A_917, %shift_left3A_920 : vector<16xi32>
      %shift_right_logical3A_922 = arith.constant 6 : i32
      %shift_right_logical3A_923 = vector.broadcast %shift_right_logical3A_922 : i32 to vector<16xi32>
      %shift_right_logical3A_924 = arith.shrui %xor3A_917, %shift_right_logical3A_923 : vector<16xi32>
      %or3A_925 = arith.ori %shift_left3A_921, %shift_right_logical3A_924 : vector<16xi32>
      %xor3A_926 = arith.xori %or3A_925, %add3A_918 : vector<16xi32>
      %add3A_927 = arith.addi %add3A_918, %xor3A_926 : vector<16xi32>
      %shift_left3A_928 = arith.constant 6 : i32
      %shift_left3A_929 = vector.broadcast %shift_left3A_928 : i32 to vector<16xi32>
      %shift_left3A_930 = arith.shli %xor3A_926, %shift_left3A_929 : vector<16xi32>
      %shift_right_logical3A_931 = arith.constant 26 : i32
      %shift_right_logical3A_932 = vector.broadcast %shift_right_logical3A_931 : i32 to vector<16xi32>
      %shift_right_logical3A_933 = arith.shrui %xor3A_926, %shift_right_logical3A_932 : vector<16xi32>
      %or3A_934 = arith.ori %shift_left3A_930, %shift_right_logical3A_933 : vector<16xi32>
      %xor3A_935 = arith.xori %or3A_934, %add3A_927 : vector<16xi32>
      %add3A_936 = arith.constant 42 : i32
      %add3A_937 = vector.broadcast %add3A_936 : i32 to vector<16xi32>
      %add3A_938 = arith.addi %add3A_927, %add3A_937 : vector<16xi32>
      %add3A_939 = arith.constant 466689009 : i32
      %add3A_940 = vector.broadcast %add3A_939 : i32 to vector<16xi32>
      %add3A_941 = arith.addi %xor3A_935, %add3A_940 : vector<16xi32>
      %add3A_942 = arith.addi %add3A_938, %add3A_941 : vector<16xi32>
      %shift_left3A_943 = arith.constant 17 : i32
      %shift_left3A_944 = vector.broadcast %shift_left3A_943 : i32 to vector<16xi32>
      %shift_left3A_945 = arith.shli %add3A_941, %shift_left3A_944 : vector<16xi32>
      %shift_right_logical3A_946 = arith.constant 15 : i32
      %shift_right_logical3A_947 = vector.broadcast %shift_right_logical3A_946 : i32 to vector<16xi32>
      %shift_right_logical3A_948 = arith.shrui %add3A_941, %shift_right_logical3A_947 : vector<16xi32>
      %or3A_949 = arith.ori %shift_left3A_945, %shift_right_logical3A_948 : vector<16xi32>
      %xor3A_950 = arith.xori %or3A_949, %add3A_942 : vector<16xi32>
      %add3A_951 = arith.addi %add3A_942, %xor3A_950 : vector<16xi32>
      %shift_left3A_952 = arith.constant 29 : i32
      %shift_left3A_953 = vector.broadcast %shift_left3A_952 : i32 to vector<16xi32>
      %shift_left3A_954 = arith.shli %xor3A_950, %shift_left3A_953 : vector<16xi32>
      %shift_right_logical3A_955 = arith.constant 3 : i32
      %shift_right_logical3A_956 = vector.broadcast %shift_right_logical3A_955 : i32 to vector<16xi32>
      %shift_right_logical3A_957 = arith.shrui %xor3A_950, %shift_right_logical3A_956 : vector<16xi32>
      %or3A_958 = arith.ori %shift_left3A_954, %shift_right_logical3A_957 : vector<16xi32>
      %xor3A_959 = arith.xori %or3A_958, %add3A_951 : vector<16xi32>
      %add3A_960 = arith.addi %add3A_951, %xor3A_959 : vector<16xi32>
      %shift_left3A_961 = arith.constant 16 : i32
      %shift_left3A_962 = vector.broadcast %shift_left3A_961 : i32 to vector<16xi32>
      %shift_left3A_963 = arith.shli %xor3A_959, %shift_left3A_962 : vector<16xi32>
      %shift_right_logical3A_964 = arith.constant 16 : i32
      %shift_right_logical3A_965 = vector.broadcast %shift_right_logical3A_964 : i32 to vector<16xi32>
      %shift_right_logical3A_966 = arith.shrui %xor3A_959, %shift_right_logical3A_965 : vector<16xi32>
      %or3A_967 = arith.ori %shift_left3A_963, %shift_right_logical3A_966 : vector<16xi32>
      %xor3A_968 = arith.xori %or3A_967, %add3A_960 : vector<16xi32>
      %add3A_969 = arith.addi %add3A_960, %xor3A_968 : vector<16xi32>
      %shift_left3A_970 = arith.constant 24 : i32
      %shift_left3A_971 = vector.broadcast %shift_left3A_970 : i32 to vector<16xi32>
      %shift_left3A_972 = arith.shli %xor3A_968, %shift_left3A_971 : vector<16xi32>
      %shift_right_logical3A_973 = arith.constant 8 : i32
      %shift_right_logical3A_974 = vector.broadcast %shift_right_logical3A_973 : i32 to vector<16xi32>
      %shift_right_logical3A_975 = arith.shrui %xor3A_968, %shift_right_logical3A_974 : vector<16xi32>
      %or3A_976 = arith.ori %shift_left3A_972, %shift_right_logical3A_975 : vector<16xi32>
      %xor3A_977 = arith.xori %or3A_976, %add3A_969 : vector<16xi32>
      %add3A_978 = arith.constant 466689008 : i32
      %add3A_979 = vector.broadcast %add3A_978 : i32 to vector<16xi32>
      %add3A_980 = arith.addi %add3A_969, %add3A_979 : vector<16xi32>
      %add3A_981 = arith.constant 2 : i32
      %add3A_982 = vector.broadcast %add3A_981 : i32 to vector<16xi32>
      %add3A_983 = arith.addi %xor3A_977, %add3A_982 : vector<16xi32>
      %add3A_984 = arith.addi %add3A_980, %add3A_983 : vector<16xi32>
      %shift_left3A_985 = arith.constant 13 : i32
      %shift_left3A_986 = vector.broadcast %shift_left3A_985 : i32 to vector<16xi32>
      %shift_left3A_987 = arith.shli %add3A_983, %shift_left3A_986 : vector<16xi32>
      %shift_right_logical3A_988 = arith.constant 19 : i32
      %shift_right_logical3A_989 = vector.broadcast %shift_right_logical3A_988 : i32 to vector<16xi32>
      %shift_right_logical3A_990 = arith.shrui %add3A_983, %shift_right_logical3A_989 : vector<16xi32>
      %or3A_991 = arith.ori %shift_left3A_987, %shift_right_logical3A_990 : vector<16xi32>
      %xor3A_992 = arith.xori %or3A_991, %add3A_984 : vector<16xi32>
      %add3A_993 = arith.addi %add3A_984, %xor3A_992 : vector<16xi32>
      %shift_left3A_994 = arith.constant 15 : i32
      %shift_left3A_995 = vector.broadcast %shift_left3A_994 : i32 to vector<16xi32>
      %shift_left3A_996 = arith.shli %xor3A_992, %shift_left3A_995 : vector<16xi32>
      %shift_right_logical3A_997 = arith.constant 17 : i32
      %shift_right_logical3A_998 = vector.broadcast %shift_right_logical3A_997 : i32 to vector<16xi32>
      %shift_right_logical3A_999 = arith.shrui %xor3A_992, %shift_right_logical3A_998 : vector<16xi32>
      %or3A_1000 = arith.ori %shift_left3A_996, %shift_right_logical3A_999 : vector<16xi32>
      %xor3A_1001 = arith.xori %or3A_1000, %add3A_993 : vector<16xi32>
      %add3A_1002 = arith.addi %add3A_993, %xor3A_1001 : vector<16xi32>
      %shift_left3A_1003 = arith.constant 26 : i32
      %shift_left3A_1004 = vector.broadcast %shift_left3A_1003 : i32 to vector<16xi32>
      %shift_left3A_1005 = arith.shli %xor3A_1001, %shift_left3A_1004 : vector<16xi32>
      %shift_right_logical3A_1006 = arith.constant 6 : i32
      %shift_right_logical3A_1007 = vector.broadcast %shift_right_logical3A_1006 : i32 to vector<16xi32>
      %shift_right_logical3A_1008 = arith.shrui %xor3A_1001, %shift_right_logical3A_1007 : vector<16xi32>
      %or3A_1009 = arith.ori %shift_left3A_1005, %shift_right_logical3A_1008 : vector<16xi32>
      %xor3A_1010 = arith.xori %or3A_1009, %add3A_1002 : vector<16xi32>
      %add3A_1011 = arith.addi %add3A_1002, %xor3A_1010 : vector<16xi32>
      %shift_left3A_1012 = arith.constant 6 : i32
      %shift_left3A_1013 = vector.broadcast %shift_left3A_1012 : i32 to vector<16xi32>
      %shift_left3A_1014 = arith.shli %xor3A_1010, %shift_left3A_1013 : vector<16xi32>
      %shift_right_logical3A_1015 = arith.constant 26 : i32
      %shift_right_logical3A_1016 = vector.broadcast %shift_right_logical3A_1015 : i32 to vector<16xi32>
      %shift_right_logical3A_1017 = arith.shrui %xor3A_1010, %shift_right_logical3A_1016 : vector<16xi32>
      %or3A_1018 = arith.ori %shift_left3A_1014, %shift_right_logical3A_1017 : vector<16xi32>
      %xor3A_1019 = arith.xori %or3A_1018, %add3A_1011 : vector<16xi32>
      %add3A_1020 = arith.constant 0 : i32
      %add3A_1021 = vector.broadcast %add3A_1020 : i32 to vector<16xi32>
      %add3A_1022 = arith.addi %add3A_1011, %add3A_1021 : vector<16xi32>
      %add3A_1023 = arith.constant 45 : i32
      %add3A_1024 = vector.broadcast %add3A_1023 : i32 to vector<16xi32>
      %add3A_1025 = arith.addi %xor3A_1019, %add3A_1024 : vector<16xi32>
      %add3A_1026 = arith.addi %add3A_1022, %add3A_1025 : vector<16xi32>
      %shift_left3A_1027 = arith.constant 17 : i32
      %shift_left3A_1028 = vector.broadcast %shift_left3A_1027 : i32 to vector<16xi32>
      %shift_left3A_1029 = arith.shli %add3A_1025, %shift_left3A_1028 : vector<16xi32>
      %shift_right_logical3A_1030 = arith.constant 15 : i32
      %shift_right_logical3A_1031 = vector.broadcast %shift_right_logical3A_1030 : i32 to vector<16xi32>
      %shift_right_logical3A_1032 = arith.shrui %add3A_1025, %shift_right_logical3A_1031 : vector<16xi32>
      %or3A_1033 = arith.ori %shift_left3A_1029, %shift_right_logical3A_1032 : vector<16xi32>
      %xor3A_1034 = arith.xori %or3A_1033, %add3A_1026 : vector<16xi32>
      %add3A_1035 = arith.addi %add3A_1026, %xor3A_1034 : vector<16xi32>
      %shift_left3A_1036 = arith.constant 29 : i32
      %shift_left3A_1037 = vector.broadcast %shift_left3A_1036 : i32 to vector<16xi32>
      %shift_left3A_1038 = arith.shli %xor3A_1034, %shift_left3A_1037 : vector<16xi32>
      %shift_right_logical3A_1039 = arith.constant 3 : i32
      %shift_right_logical3A_1040 = vector.broadcast %shift_right_logical3A_1039 : i32 to vector<16xi32>
      %shift_right_logical3A_1041 = arith.shrui %xor3A_1034, %shift_right_logical3A_1040 : vector<16xi32>
      %or3A_1042 = arith.ori %shift_left3A_1038, %shift_right_logical3A_1041 : vector<16xi32>
      %xor3A_1043 = arith.xori %or3A_1042, %add3A_1035 : vector<16xi32>
      %add3A_1044 = arith.addi %add3A_1035, %xor3A_1043 : vector<16xi32>
      %shift_left3A_1045 = arith.constant 16 : i32
      %shift_left3A_1046 = vector.broadcast %shift_left3A_1045 : i32 to vector<16xi32>
      %shift_left3A_1047 = arith.shli %xor3A_1043, %shift_left3A_1046 : vector<16xi32>
      %shift_right_logical3A_1048 = arith.constant 16 : i32
      %shift_right_logical3A_1049 = vector.broadcast %shift_right_logical3A_1048 : i32 to vector<16xi32>
      %shift_right_logical3A_1050 = arith.shrui %xor3A_1043, %shift_right_logical3A_1049 : vector<16xi32>
      %or3A_1051 = arith.ori %shift_left3A_1047, %shift_right_logical3A_1050 : vector<16xi32>
      %xor3A_1052 = arith.xori %or3A_1051, %add3A_1044 : vector<16xi32>
      %add3A_1053 = arith.addi %add3A_1044, %xor3A_1052 : vector<16xi32>
      %shift_left3A_1054 = arith.constant 24 : i32
      %shift_left3A_1055 = vector.broadcast %shift_left3A_1054 : i32 to vector<16xi32>
      %shift_left3A_1056 = arith.shli %xor3A_1052, %shift_left3A_1055 : vector<16xi32>
      %shift_right_logical3A_1057 = arith.constant 8 : i32
      %shift_right_logical3A_1058 = vector.broadcast %shift_right_logical3A_1057 : i32 to vector<16xi32>
      %shift_right_logical3A_1059 = arith.shrui %xor3A_1052, %shift_right_logical3A_1058 : vector<16xi32>
      %or3A_1060 = arith.ori %shift_left3A_1056, %shift_right_logical3A_1059 : vector<16xi32>
      %xor3A_1061 = arith.xori %or3A_1060, %add3A_1053 : vector<16xi32>
      %add3A_1062 = arith.constant 42 : i32
      %add3A_1063 = vector.broadcast %add3A_1062 : i32 to vector<16xi32>
      %add3A_1064 = arith.addi %add3A_1053, %add3A_1063 : vector<16xi32>
      %add3A_1065 = arith.constant 466689012 : i32
      %add3A_1066 = vector.broadcast %add3A_1065 : i32 to vector<16xi32>
      %add3A_1067 = arith.addi %xor3A_1061, %add3A_1066 : vector<16xi32>
      %add3A_1068 = arith.addi %add3A_1064, %add3A_1067 : vector<16xi32>
      %shift_left3A_1069 = arith.constant 13 : i32
      %shift_left3A_1070 = vector.broadcast %shift_left3A_1069 : i32 to vector<16xi32>
      %shift_left3A_1071 = arith.shli %add3A_1067, %shift_left3A_1070 : vector<16xi32>
      %shift_right_logical3A_1072 = arith.constant 19 : i32
      %shift_right_logical3A_1073 = vector.broadcast %shift_right_logical3A_1072 : i32 to vector<16xi32>
      %shift_right_logical3A_1074 = arith.shrui %add3A_1067, %shift_right_logical3A_1073 : vector<16xi32>
      %or3A_1075 = arith.ori %shift_left3A_1071, %shift_right_logical3A_1074 : vector<16xi32>
      %xor3A_1076 = arith.xori %or3A_1075, %add3A_1068 : vector<16xi32>
      %add3A_1077 = arith.addi %add3A_1068, %xor3A_1076 : vector<16xi32>
      %shift_left3A_1078 = arith.constant 15 : i32
      %shift_left3A_1079 = vector.broadcast %shift_left3A_1078 : i32 to vector<16xi32>
      %shift_left3A_1080 = arith.shli %xor3A_1076, %shift_left3A_1079 : vector<16xi32>
      %shift_right_logical3A_1081 = arith.constant 17 : i32
      %shift_right_logical3A_1082 = vector.broadcast %shift_right_logical3A_1081 : i32 to vector<16xi32>
      %shift_right_logical3A_1083 = arith.shrui %xor3A_1076, %shift_right_logical3A_1082 : vector<16xi32>
      %or3A_1084 = arith.ori %shift_left3A_1080, %shift_right_logical3A_1083 : vector<16xi32>
      %xor3A_1085 = arith.xori %or3A_1084, %add3A_1077 : vector<16xi32>
      %add3A_1086 = arith.addi %add3A_1077, %xor3A_1085 : vector<16xi32>
      %shift_left3A_1087 = arith.constant 26 : i32
      %shift_left3A_1088 = vector.broadcast %shift_left3A_1087 : i32 to vector<16xi32>
      %shift_left3A_1089 = arith.shli %xor3A_1085, %shift_left3A_1088 : vector<16xi32>
      %shift_right_logical3A_1090 = arith.constant 6 : i32
      %shift_right_logical3A_1091 = vector.broadcast %shift_right_logical3A_1090 : i32 to vector<16xi32>
      %shift_right_logical3A_1092 = arith.shrui %xor3A_1085, %shift_right_logical3A_1091 : vector<16xi32>
      %or3A_1093 = arith.ori %shift_left3A_1089, %shift_right_logical3A_1092 : vector<16xi32>
      %xor3A_1094 = arith.xori %or3A_1093, %add3A_1086 : vector<16xi32>
      %add3A_1095 = arith.addi %add3A_1086, %xor3A_1094 : vector<16xi32>
      %shift_left3A_1096 = arith.constant 6 : i32
      %shift_left3A_1097 = vector.broadcast %shift_left3A_1096 : i32 to vector<16xi32>
      %shift_left3A_1098 = arith.shli %xor3A_1094, %shift_left3A_1097 : vector<16xi32>
      %shift_right_logical3A_1099 = arith.constant 26 : i32
      %shift_right_logical3A_1100 = vector.broadcast %shift_right_logical3A_1099 : i32 to vector<16xi32>
      %shift_right_logical3A_1101 = arith.shrui %xor3A_1094, %shift_right_logical3A_1100 : vector<16xi32>
      %or3A_1102 = arith.ori %shift_left3A_1098, %shift_right_logical3A_1101 : vector<16xi32>
      %xor3A_1103 = arith.xori %or3A_1102, %add3A_1095 : vector<16xi32>
      %add3A_1104 = arith.constant 466689008 : i32
      %add3A_1105 = vector.broadcast %add3A_1104 : i32 to vector<16xi32>
      %add3A_1106 = arith.addi %add3A_1095, %add3A_1105 : vector<16xi32>
      %add3A_1107 = arith.constant 5 : i32
      %add3A_1108 = vector.broadcast %add3A_1107 : i32 to vector<16xi32>
      %add3A_1109 = arith.addi %xor3A_1103, %add3A_1108 : vector<16xi32>
      %xor3A_1110 = arith.xori %add3A_1106, %add3A_1109 : vector<16xi32>
      %swap3A_1111 = arith.index_cast %scan3A_17 : i32 to index
      %swap3A_1112 = arith.constant 64 : index
      %swap3A_1113 = tpu.vector_load %arg3[%swap3A_1111, %swap3A_1112] {strides = array<i32>} : memref<832x128xi32, #tpu.memory_space<vmem>>, vector<1x16xi32>,
      %swap3A_1114 = vector.shape_cast %swap3A_1113 : vector<1x16xi32> to vector<16xi32>
      %swap3A_1115 = vector.shape_cast %xor3A_1110 : vector<16xi32> to vector<1x16xi32>
      tpu.vector_store %arg3[%swap3A_1111, %swap3A_1112], %swap3A_1115 {strides = array<i32>} : memref<832x128xi32, #tpu.memory_space<vmem>>, vector<1x16xi32>,
      %add3A_1116 = arith.constant 8000000 : i32
      %add3A_1117 = vector.broadcast %add3A_1116 : i32 to vector<16xi32>
      %add3A_1118 = arith.addi %mul3A_5, %add3A_1117 : vector<16xi32>
      %add3A_1119 = vector.broadcast %add3A_20 : i32 to vector<16xi32>
      %add3A_1120 = arith.addi %add3A_1118, %add3A_1119 : vector<16xi32>
      %shift_left3A_1121 = arith.constant 13 : i32
      %shift_left3A_1122 = vector.broadcast %shift_left3A_1121 : i32 to vector<16xi32>
      %shift_left3A_1123 = arith.shli %add3A_1120, %shift_left3A_1122 : vector<16xi32>
      %shift_right_logical3A_1124 = arith.constant 19 : i32
      %shift_right_logical3A_1125 = vector.broadcast %shift_right_logical3A_1124 : i32 to vector<16xi32>
      %shift_right_logical3A_1126 = arith.shrui %add3A_1120, %shift_right_logical3A_1125 : vector<16xi32>
      %or3A_1127 = arith.ori %shift_left3A_1123, %shift_right_logical3A_1126 : vector<16xi32>
      %xor3A_1128 = arith.xori %or3A_1127, %add3A_1120 : vector<16xi32>
      %add3A_1129 = arith.addi %add3A_1120, %xor3A_1128 : vector<16xi32>
      %shift_left3A_1130 = arith.constant 15 : i32
      %shift_left3A_1131 = vector.broadcast %shift_left3A_1130 : i32 to vector<16xi32>
      %shift_left3A_1132 = arith.shli %xor3A_1128, %shift_left3A_1131 : vector<16xi32>
      %shift_right_logical3A_1133 = arith.constant 17 : i32
      %shift_right_logical3A_1134 = vector.broadcast %shift_right_logical3A_1133 : i32 to vector<16xi32>
      %shift_right_logical3A_1135 = arith.shrui %xor3A_1128, %shift_right_logical3A_1134 : vector<16xi32>
      %or3A_1136 = arith.ori %shift_left3A_1132, %shift_right_logical3A_1135 : vector<16xi32>
      %xor3A_1137 = arith.xori %or3A_1136, %add3A_1129 : vector<16xi32>
      %add3A_1138 = arith.addi %add3A_1129, %xor3A_1137 : vector<16xi32>
      %shift_left3A_1139 = arith.constant 26 : i32
      %shift_left3A_1140 = vector.broadcast %shift_left3A_1139 : i32 to vector<16xi32>
      %shift_left3A_1141 = arith.shli %xor3A_1137, %shift_left3A_1140 : vector<16xi32>
      %shift_right_logical3A_1142 = arith.constant 6 : i32
      %shift_right_logical3A_1143 = vector.broadcast %shift_right_logical3A_1142 : i32 to vector<16xi32>
      %shift_right_logical3A_1144 = arith.shrui %xor3A_1137, %shift_right_logical3A_1143 : vector<16xi32>
      %or3A_1145 = arith.ori %shift_left3A_1141, %shift_right_logical3A_1144 : vector<16xi32>
      %xor3A_1146 = arith.xori %or3A_1145, %add3A_1138 : vector<16xi32>
      %add3A_1147 = arith.addi %add3A_1138, %xor3A_1146 : vector<16xi32>
      %shift_left3A_1148 = arith.constant 6 : i32
      %shift_left3A_1149 = vector.broadcast %shift_left3A_1148 : i32 to vector<16xi32>
      %shift_left3A_1150 = arith.shli %xor3A_1146, %shift_left3A_1149 : vector<16xi32>
      %shift_right_logical3A_1151 = arith.constant 26 : i32
      %shift_right_logical3A_1152 = vector.broadcast %shift_right_logical3A_1151 : i32 to vector<16xi32>
      %shift_right_logical3A_1153 = arith.shrui %xor3A_1146, %shift_right_logical3A_1152 : vector<16xi32>
      %or3A_1154 = arith.ori %shift_left3A_1150, %shift_right_logical3A_1153 : vector<16xi32>
      %xor3A_1155 = arith.xori %or3A_1154, %add3A_1147 : vector<16xi32>
      %add3A_1156 = arith.constant 42 : i32
      %add3A_1157 = vector.broadcast %add3A_1156 : i32 to vector<16xi32>
      %add3A_1158 = arith.addi %add3A_1147, %add3A_1157 : vector<16xi32>
      %add3A_1159 = arith.constant 466689009 : i32
      %add3A_1160 = vector.broadcast %add3A_1159 : i32 to vector<16xi32>
      %add3A_1161 = arith.addi %xor3A_1155, %add3A_1160 : vector<16xi32>
      %add3A_1162 = arith.addi %add3A_1158, %add3A_1161 : vector<16xi32>
      %shift_left3A_1163 = arith.constant 17 : i32
      %shift_left3A_1164 = vector.broadcast %shift_left3A_1163 : i32 to vector<16xi32>
      %shift_left3A_1165 = arith.shli %add3A_1161, %shift_left3A_1164 : vector<16xi32>
      %shift_right_logical3A_1166 = arith.constant 15 : i32
      %shift_right_logical3A_1167 = vector.broadcast %shift_right_logical3A_1166 : i32 to vector<16xi32>
      %shift_right_logical3A_1168 = arith.shrui %add3A_1161, %shift_right_logical3A_1167 : vector<16xi32>
      %or3A_1169 = arith.ori %shift_left3A_1165, %shift_right_logical3A_1168 : vector<16xi32>
      %xor3A_1170 = arith.xori %or3A_1169, %add3A_1162 : vector<16xi32>
      %add3A_1171 = arith.addi %add3A_1162, %xor3A_1170 : vector<16xi32>
      %shift_left3A_1172 = arith.constant 29 : i32
      %shift_left3A_1173 = vector.broadcast %shift_left3A_1172 : i32 to vector<16xi32>
      %shift_left3A_1174 = arith.shli %xor3A_1170, %shift_left3A_1173 : vector<16xi32>
      %shift_right_logical3A_1175 = arith.constant 3 : i32
      %shift_right_logical3A_1176 = vector.broadcast %shift_right_logical3A_1175 : i32 to vector<16xi32>
      %shift_right_logical3A_1177 = arith.shrui %xor3A_1170, %shift_right_logical3A_1176 : vector<16xi32>
      %or3A_1178 = arith.ori %shift_left3A_1174, %shift_right_logical3A_1177 : vector<16xi32>
      %xor3A_1179 = arith.xori %or3A_1178, %add3A_1171 : vector<16xi32>
      %add3A_1180 = arith.addi %add3A_1171, %xor3A_1179 : vector<16xi32>
      %shift_left3A_1181 = arith.constant 16 : i32
      %shift_left3A_1182 = vector.broadcast %shift_left3A_1181 : i32 to vector<16xi32>
      %shift_left3A_1183 = arith.shli %xor3A_1179, %shift_left3A_1182 : vector<16xi32>
      %shift_right_logical3A_1184 = arith.constant 16 : i32
      %shift_right_logical3A_1185 = vector.broadcast %shift_right_logical3A_1184 : i32 to vector<16xi32>
      %shift_right_logical3A_1186 = arith.shrui %xor3A_1179, %shift_right_logical3A_1185 : vector<16xi32>
      %or3A_1187 = arith.ori %shift_left3A_1183, %shift_right_logical3A_1186 : vector<16xi32>
      %xor3A_1188 = arith.xori %or3A_1187, %add3A_1180 : vector<16xi32>
      %add3A_1189 = arith.addi %add3A_1180, %xor3A_1188 : vector<16xi32>
      %shift_left3A_1190 = arith.constant 24 : i32
      %shift_left3A_1191 = vector.broadcast %shift_left3A_1190 : i32 to vector<16xi32>
      %shift_left3A_1192 = arith.shli %xor3A_1188, %shift_left3A_1191 : vector<16xi32>
      %shift_right_logical3A_1193 = arith.constant 8 : i32
      %shift_right_logical3A_1194 = vector.broadcast %shift_right_logical3A_1193 : i32 to vector<16xi32>
      %shift_right_logical3A_1195 = arith.shrui %xor3A_1188, %shift_right_logical3A_1194 : vector<16xi32>
      %or3A_1196 = arith.ori %shift_left3A_1192, %shift_right_logical3A_1195 : vector<16xi32>
      %xor3A_1197 = arith.xori %or3A_1196, %add3A_1189 : vector<16xi32>
      %add3A_1198 = arith.constant 466689008 : i32
      %add3A_1199 = vector.broadcast %add3A_1198 : i32 to vector<16xi32>
      %add3A_1200 = arith.addi %add3A_1189, %add3A_1199 : vector<16xi32>
      %add3A_1201 = arith.constant 2 : i32
      %add3A_1202 = vector.broadcast %add3A_1201 : i32 to vector<16xi32>
      %add3A_1203 = arith.addi %xor3A_1197, %add3A_1202 : vector<16xi32>
      %add3A_1204 = arith.addi %add3A_1200, %add3A_1203 : vector<16xi32>
      %shift_left3A_1205 = arith.constant 13 : i32
      %shift_left3A_1206 = vector.broadcast %shift_left3A_1205 : i32 to vector<16xi32>
      %shift_left3A_1207 = arith.shli %add3A_1203, %shift_left3A_1206 : vector<16xi32>
      %shift_right_logical3A_1208 = arith.constant 19 : i32
      %shift_right_logical3A_1209 = vector.broadcast %shift_right_logical3A_1208 : i32 to vector<16xi32>
      %shift_right_logical3A_1210 = arith.shrui %add3A_1203, %shift_right_logical3A_1209 : vector<16xi32>
      %or3A_1211 = arith.ori %shift_left3A_1207, %shift_right_logical3A_1210 : vector<16xi32>
      %xor3A_1212 = arith.xori %or3A_1211, %add3A_1204 : vector<16xi32>
      %add3A_1213 = arith.addi %add3A_1204, %xor3A_1212 : vector<16xi32>
      %shift_left3A_1214 = arith.constant 15 : i32
      %shift_left3A_1215 = vector.broadcast %shift_left3A_1214 : i32 to vector<16xi32>
      %shift_left3A_1216 = arith.shli %xor3A_1212, %shift_left3A_1215 : vector<16xi32>
      %shift_right_logical3A_1217 = arith.constant 17 : i32
      %shift_right_logical3A_1218 = vector.broadcast %shift_right_logical3A_1217 : i32 to vector<16xi32>
      %shift_right_logical3A_1219 = arith.shrui %xor3A_1212, %shift_right_logical3A_1218 : vector<16xi32>
      %or3A_1220 = arith.ori %shift_left3A_1216, %shift_right_logical3A_1219 : vector<16xi32>
      %xor3A_1221 = arith.xori %or3A_1220, %add3A_1213 : vector<16xi32>
      %add3A_1222 = arith.addi %add3A_1213, %xor3A_1221 : vector<16xi32>
      %shift_left3A_1223 = arith.constant 26 : i32
      %shift_left3A_1224 = vector.broadcast %shift_left3A_1223 : i32 to vector<16xi32>
      %shift_left3A_1225 = arith.shli %xor3A_1221, %shift_left3A_1224 : vector<16xi32>
      %shift_right_logical3A_1226 = arith.constant 6 : i32
      %shift_right_logical3A_1227 = vector.broadcast %shift_right_logical3A_1226 : i32 to vector<16xi32>
      %shift_right_logical3A_1228 = arith.shrui %xor3A_1221, %shift_right_logical3A_1227 : vector<16xi32>
      %or3A_1229 = arith.ori %shift_left3A_1225, %shift_right_logical3A_1228 : vector<16xi32>
      %xor3A_1230 = arith.xori %or3A_1229, %add3A_1222 : vector<16xi32>
      %add3A_1231 = arith.addi %add3A_1222, %xor3A_1230 : vector<16xi32>
      %shift_left3A_1232 = arith.constant 6 : i32
      %shift_left3A_1233 = vector.broadcast %shift_left3A_1232 : i32 to vector<16xi32>
      %shift_left3A_1234 = arith.shli %xor3A_1230, %shift_left3A_1233 : vector<16xi32>
      %shift_right_logical3A_1235 = arith.constant 26 : i32
      %shift_right_logical3A_1236 = vector.broadcast %shift_right_logical3A_1235 : i32 to vector<16xi32>
      %shift_right_logical3A_1237 = arith.shrui %xor3A_1230, %shift_right_logical3A_1236 : vector<16xi32>
      %or3A_1238 = arith.ori %shift_left3A_1234, %shift_right_logical3A_1237 : vector<16xi32>
      %xor3A_1239 = arith.xori %or3A_1238, %add3A_1231 : vector<16xi32>
      %add3A_1240 = arith.constant 0 : i32
      %add3A_1241 = vector.broadcast %add3A_1240 : i32 to vector<16xi32>
      %add3A_1242 = arith.addi %add3A_1231, %add3A_1241 : vector<16xi32>
      %add3A_1243 = arith.constant 45 : i32
      %add3A_1244 = vector.broadcast %add3A_1243 : i32 to vector<16xi32>
      %add3A_1245 = arith.addi %xor3A_1239, %add3A_1244 : vector<16xi32>
      %add3A_1246 = arith.addi %add3A_1242, %add3A_1245 : vector<16xi32>
      %shift_left3A_1247 = arith.constant 17 : i32
      %shift_left3A_1248 = vector.broadcast %shift_left3A_1247 : i32 to vector<16xi32>
      %shift_left3A_1249 = arith.shli %add3A_1245, %shift_left3A_1248 : vector<16xi32>
      %shift_right_logical3A_1250 = arith.constant 15 : i32
      %shift_right_logical3A_1251 = vector.broadcast %shift_right_logical3A_1250 : i32 to vector<16xi32>
      %shift_right_logical3A_1252 = arith.shrui %add3A_1245, %shift_right_logical3A_1251 : vector<16xi32>
      %or3A_1253 = arith.ori %shift_left3A_1249, %shift_right_logical3A_1252 : vector<16xi32>
      %xor3A_1254 = arith.xori %or3A_1253, %add3A_1246 : vector<16xi32>
      %add3A_1255 = arith.addi %add3A_1246, %xor3A_1254 : vector<16xi32>
      %shift_left3A_1256 = arith.constant 29 : i32
      %shift_left3A_1257 = vector.broadcast %shift_left3A_1256 : i32 to vector<16xi32>
      %shift_left3A_1258 = arith.shli %xor3A_1254, %shift_left3A_1257 : vector<16xi32>
      %shift_right_logical3A_1259 = arith.constant 3 : i32
      %shift_right_logical3A_1260 = vector.broadcast %shift_right_logical3A_1259 : i32 to vector<16xi32>
      %shift_right_logical3A_1261 = arith.shrui %xor3A_1254, %shift_right_logical3A_1260 : vector<16xi32>
      %or3A_1262 = arith.ori %shift_left3A_1258, %shift_right_logical3A_1261 : vector<16xi32>
      %xor3A_1263 = arith.xori %or3A_1262, %add3A_1255 : vector<16xi32>
      %add3A_1264 = arith.addi %add3A_1255, %xor3A_1263 : vector<16xi32>
      %shift_left3A_1265 = arith.constant 16 : i32
      %shift_left3A_1266 = vector.broadcast %shift_left3A_1265 : i32 to vector<16xi32>
      %shift_left3A_1267 = arith.shli %xor3A_1263, %shift_left3A_1266 : vector<16xi32>
      %shift_right_logical3A_1268 = arith.constant 16 : i32
      %shift_right_logical3A_1269 = vector.broadcast %shift_right_logical3A_1268 : i32 to vector<16xi32>
      %shift_right_logical3A_1270 = arith.shrui %xor3A_1263, %shift_right_logical3A_1269 : vector<16xi32>
      %or3A_1271 = arith.ori %shift_left3A_1267, %shift_right_logical3A_1270 : vector<16xi32>
      %xor3A_1272 = arith.xori %or3A_1271, %add3A_1264 : vector<16xi32>
      %add3A_1273 = arith.addi %add3A_1264, %xor3A_1272 : vector<16xi32>
      %shift_left3A_1274 = arith.constant 24 : i32
      %shift_left3A_1275 = vector.broadcast %shift_left3A_1274 : i32 to vector<16xi32>
      %shift_left3A_1276 = arith.shli %xor3A_1272, %shift_left3A_1275 : vector<16xi32>
      %shift_right_logical3A_1277 = arith.constant 8 : i32
      %shift_right_logical3A_1278 = vector.broadcast %shift_right_logical3A_1277 : i32 to vector<16xi32>
      %shift_right_logical3A_1279 = arith.shrui %xor3A_1272, %shift_right_logical3A_1278 : vector<16xi32>
      %or3A_1280 = arith.ori %shift_left3A_1276, %shift_right_logical3A_1279 : vector<16xi32>
      %xor3A_1281 = arith.xori %or3A_1280, %add3A_1273 : vector<16xi32>
      %add3A_1282 = arith.constant 42 : i32
      %add3A_1283 = vector.broadcast %add3A_1282 : i32 to vector<16xi32>
      %add3A_1284 = arith.addi %add3A_1273, %add3A_1283 : vector<16xi32>
      %add3A_1285 = arith.constant 466689012 : i32
      %add3A_1286 = vector.broadcast %add3A_1285 : i32 to vector<16xi32>
      %add3A_1287 = arith.addi %xor3A_1281, %add3A_1286 : vector<16xi32>
      %add3A_1288 = arith.addi %add3A_1284, %add3A_1287 : vector<16xi32>
      %shift_left3A_1289 = arith.constant 13 : i32
      %shift_left3A_1290 = vector.broadcast %shift_left3A_1289 : i32 to vector<16xi32>
      %shift_left3A_1291 = arith.shli %add3A_1287, %shift_left3A_1290 : vector<16xi32>
      %shift_right_logical3A_1292 = arith.constant 19 : i32
      %shift_right_logical3A_1293 = vector.broadcast %shift_right_logical3A_1292 : i32 to vector<16xi32>
      %shift_right_logical3A_1294 = arith.shrui %add3A_1287, %shift_right_logical3A_1293 : vector<16xi32>
      %or3A_1295 = arith.ori %shift_left3A_1291, %shift_right_logical3A_1294 : vector<16xi32>
      %xor3A_1296 = arith.xori %or3A_1295, %add3A_1288 : vector<16xi32>
      %add3A_1297 = arith.addi %add3A_1288, %xor3A_1296 : vector<16xi32>
      %shift_left3A_1298 = arith.constant 15 : i32
      %shift_left3A_1299 = vector.broadcast %shift_left3A_1298 : i32 to vector<16xi32>
      %shift_left3A_1300 = arith.shli %xor3A_1296, %shift_left3A_1299 : vector<16xi32>
      %shift_right_logical3A_1301 = arith.constant 17 : i32
      %shift_right_logical3A_1302 = vector.broadcast %shift_right_logical3A_1301 : i32 to vector<16xi32>
      %shift_right_logical3A_1303 = arith.shrui %xor3A_1296, %shift_right_logical3A_1302 : vector<16xi32>
      %or3A_1304 = arith.ori %shift_left3A_1300, %shift_right_logical3A_1303 : vector<16xi32>
      %xor3A_1305 = arith.xori %or3A_1304, %add3A_1297 : vector<16xi32>
      %add3A_1306 = arith.addi %add3A_1297, %xor3A_1305 : vector<16xi32>
      %shift_left3A_1307 = arith.constant 26 : i32
      %shift_left3A_1308 = vector.broadcast %shift_left3A_1307 : i32 to vector<16xi32>
      %shift_left3A_1309 = arith.shli %xor3A_1305, %shift_left3A_1308 : vector<16xi32>
      %shift_right_logical3A_1310 = arith.constant 6 : i32
      %shift_right_logical3A_1311 = vector.broadcast %shift_right_logical3A_1310 : i32 to vector<16xi32>
      %shift_right_logical3A_1312 = arith.shrui %xor3A_1305, %shift_right_logical3A_1311 : vector<16xi32>
      %or3A_1313 = arith.ori %shift_left3A_1309, %shift_right_logical3A_1312 : vector<16xi32>
      %xor3A_1314 = arith.xori %or3A_1313, %add3A_1306 : vector<16xi32>
      %add3A_1315 = arith.addi %add3A_1306, %xor3A_1314 : vector<16xi32>
      %shift_left3A_1316 = arith.constant 6 : i32
      %shift_left3A_1317 = vector.broadcast %shift_left3A_1316 : i32 to vector<16xi32>
      %shift_left3A_1318 = arith.shli %xor3A_1314, %shift_left3A_1317 : vector<16xi32>
      %shift_right_logical3A_1319 = arith.constant 26 : i32
      %shift_right_logical3A_1320 = vector.broadcast %shift_right_logical3A_1319 : i32 to vector<16xi32>
      %shift_right_logical3A_1321 = arith.shrui %xor3A_1314, %shift_right_logical3A_1320 : vector<16xi32>
      %or3A_1322 = arith.ori %shift_left3A_1318, %shift_right_logical3A_1321 : vector<16xi32>
      %xor3A_1323 = arith.xori %or3A_1322, %add3A_1315 : vector<16xi32>
      %add3A_1324 = arith.constant 466689008 : i32
      %add3A_1325 = vector.broadcast %add3A_1324 : i32 to vector<16xi32>
      %add3A_1326 = arith.addi %add3A_1315, %add3A_1325 : vector<16xi32>
      %add3A_1327 = arith.constant 5 : i32
      %add3A_1328 = vector.broadcast %add3A_1327 : i32 to vector<16xi32>
      %add3A_1329 = arith.addi %xor3A_1323, %add3A_1328 : vector<16xi32>
      %xor3A_1330 = arith.xori %add3A_1326, %add3A_1329 : vector<16xi32>
      %swap3A_1331 = arith.index_cast %scan3A_17 : i32 to index
      %swap3A_1332 = arith.constant 80 : index
      %swap3A_1333 = tpu.vector_load %arg3[%swap3A_1331, %swap3A_1332] {strides = array<i32>} : memref<832x128xi32, #tpu.memory_space<vmem>>, vector<1x16xi32>,
      %swap3A_1334 = vector.shape_cast %swap3A_1333 : vector<1x16xi32> to vector<16xi32>
      %swap3A_1335 = vector.shape_cast %xor3A_1330 : vector<16xi32> to vector<1x16xi32>
      tpu.vector_store %arg3[%swap3A_1331, %swap3A_1332], %swap3A_1335 {strides = array<i32>} : memref<832x128xi32, #tpu.memory_space<vmem>>, vector<1x16xi32>,
      %add3A_1336 = arith.constant 9600000 : i32
      %add3A_1337 = vector.broadcast %add3A_1336 : i32 to vector<16xi32>
      %add3A_1338 = arith.addi %mul3A_5, %add3A_1337 : vector<16xi32>
      %add3A_1339 = vector.broadcast %add3A_20 : i32 to vector<16xi32>
      %add3A_1340 = arith.addi %add3A_1338, %add3A_1339 : vector<16xi32>
      %shift_left3A_1341 = arith.constant 13 : i32
      %shift_left3A_1342 = vector.broadcast %shift_left3A_1341 : i32 to vector<16xi32>
      %shift_left3A_1343 = arith.shli %add3A_1340, %shift_left3A_1342 : vector<16xi32>
      %shift_right_logical3A_1344 = arith.constant 19 : i32
      %shift_right_logical3A_1345 = vector.broadcast %shift_right_logical3A_1344 : i32 to vector<16xi32>
      %shift_right_logical3A_1346 = arith.shrui %add3A_1340, %shift_right_logical3A_1345 : vector<16xi32>
      %or3A_1347 = arith.ori %shift_left3A_1343, %shift_right_logical3A_1346 : vector<16xi32>
      %xor3A_1348 = arith.xori %or3A_1347, %add3A_1340 : vector<16xi32>
      %add3A_1349 = arith.addi %add3A_1340, %xor3A_1348 : vector<16xi32>
      %shift_left3A_1350 = arith.constant 15 : i32
      %shift_left3A_1351 = vector.broadcast %shift_left3A_1350 : i32 to vector<16xi32>
      %shift_left3A_1352 = arith.shli %xor3A_1348, %shift_left3A_1351 : vector<16xi32>
      %shift_right_logical3A_1353 = arith.constant 17 : i32
      %shift_right_logical3A_1354 = vector.broadcast %shift_right_logical3A_1353 : i32 to vector<16xi32>
      %shift_right_logical3A_1355 = arith.shrui %xor3A_1348, %shift_right_logical3A_1354 : vector<16xi32>
      %or3A_1356 = arith.ori %shift_left3A_1352, %shift_right_logical3A_1355 : vector<16xi32>
      %xor3A_1357 = arith.xori %or3A_1356, %add3A_1349 : vector<16xi32>
      %add3A_1358 = arith.addi %add3A_1349, %xor3A_1357 : vector<16xi32>
      %shift_left3A_1359 = arith.constant 26 : i32
      %shift_left3A_1360 = vector.broadcast %shift_left3A_1359 : i32 to vector<16xi32>
      %shift_left3A_1361 = arith.shli %xor3A_1357, %shift_left3A_1360 : vector<16xi32>
      %shift_right_logical3A_1362 = arith.constant 6 : i32
      %shift_right_logical3A_1363 = vector.broadcast %shift_right_logical3A_1362 : i32 to vector<16xi32>
      %shift_right_logical3A_1364 = arith.shrui %xor3A_1357, %shift_right_logical3A_1363 : vector<16xi32>
      %or3A_1365 = arith.ori %shift_left3A_1361, %shift_right_logical3A_1364 : vector<16xi32>
      %xor3A_1366 = arith.xori %or3A_1365, %add3A_1358 : vector<16xi32>
      %add3A_1367 = arith.addi %add3A_1358, %xor3A_1366 : vector<16xi32>
      %shift_left3A_1368 = arith.constant 6 : i32
      %shift_left3A_1369 = vector.broadcast %shift_left3A_1368 : i32 to vector<16xi32>
      %shift_left3A_1370 = arith.shli %xor3A_1366, %shift_left3A_1369 : vector<16xi32>
      %shift_right_logical3A_1371 = arith.constant 26 : i32
      %shift_right_logical3A_1372 = vector.broadcast %shift_right_logical3A_1371 : i32 to vector<16xi32>
      %shift_right_logical3A_1373 = arith.shrui %xor3A_1366, %shift_right_logical3A_1372 : vector<16xi32>
      %or3A_1374 = arith.ori %shift_left3A_1370, %shift_right_logical3A_1373 : vector<16xi32>
      %xor3A_1375 = arith.xori %or3A_1374, %add3A_1367 : vector<16xi32>
      %add3A_1376 = arith.constant 42 : i32
      %add3A_1377 = vector.broadcast %add3A_1376 : i32 to vector<16xi32>
      %add3A_1378 = arith.addi %add3A_1367, %add3A_1377 : vector<16xi32>
      %add3A_1379 = arith.constant 466689009 : i32
      %add3A_1380 = vector.broadcast %add3A_1379 : i32 to vector<16xi32>
      %add3A_1381 = arith.addi %xor3A_1375, %add3A_1380 : vector<16xi32>
      %add3A_1382 = arith.addi %add3A_1378, %add3A_1381 : vector<16xi32>
      %shift_left3A_1383 = arith.constant 17 : i32
      %shift_left3A_1384 = vector.broadcast %shift_left3A_1383 : i32 to vector<16xi32>
      %shift_left3A_1385 = arith.shli %add3A_1381, %shift_left3A_1384 : vector<16xi32>
      %shift_right_logical3A_1386 = arith.constant 15 : i32
      %shift_right_logical3A_1387 = vector.broadcast %shift_right_logical3A_1386 : i32 to vector<16xi32>
      %shift_right_logical3A_1388 = arith.shrui %add3A_1381, %shift_right_logical3A_1387 : vector<16xi32>
      %or3A_1389 = arith.ori %shift_left3A_1385, %shift_right_logical3A_1388 : vector<16xi32>
      %xor3A_1390 = arith.xori %or3A_1389, %add3A_1382 : vector<16xi32>
      %add3A_1391 = arith.addi %add3A_1382, %xor3A_1390 : vector<16xi32>
      %shift_left3A_1392 = arith.constant 29 : i32
      %shift_left3A_1393 = vector.broadcast %shift_left3A_1392 : i32 to vector<16xi32>
      %shift_left3A_1394 = arith.shli %xor3A_1390, %shift_left3A_1393 : vector<16xi32>
      %shift_right_logical3A_1395 = arith.constant 3 : i32
      %shift_right_logical3A_1396 = vector.broadcast %shift_right_logical3A_1395 : i32 to vector<16xi32>
      %shift_right_logical3A_1397 = arith.shrui %xor3A_1390, %shift_right_logical3A_1396 : vector<16xi32>
      %or3A_1398 = arith.ori %shift_left3A_1394, %shift_right_logical3A_1397 : vector<16xi32>
      %xor3A_1399 = arith.xori %or3A_1398, %add3A_1391 : vector<16xi32>
      %add3A_1400 = arith.addi %add3A_1391, %xor3A_1399 : vector<16xi32>
      %shift_left3A_1401 = arith.constant 16 : i32
      %shift_left3A_1402 = vector.broadcast %shift_left3A_1401 : i32 to vector<16xi32>
      %shift_left3A_1403 = arith.shli %xor3A_1399, %shift_left3A_1402 : vector<16xi32>
      %shift_right_logical3A_1404 = arith.constant 16 : i32
      %shift_right_logical3A_1405 = vector.broadcast %shift_right_logical3A_1404 : i32 to vector<16xi32>
      %shift_right_logical3A_1406 = arith.shrui %xor3A_1399, %shift_right_logical3A_1405 : vector<16xi32>
      %or3A_1407 = arith.ori %shift_left3A_1403, %shift_right_logical3A_1406 : vector<16xi32>
      %xor3A_1408 = arith.xori %or3A_1407, %add3A_1400 : vector<16xi32>
      %add3A_1409 = arith.addi %add3A_1400, %xor3A_1408 : vector<16xi32>
      %shift_left3A_1410 = arith.constant 24 : i32
      %shift_left3A_1411 = vector.broadcast %shift_left3A_1410 : i32 to vector<16xi32>
      %shift_left3A_1412 = arith.shli %xor3A_1408, %shift_left3A_1411 : vector<16xi32>
      %shift_right_logical3A_1413 = arith.constant 8 : i32
      %shift_right_logical3A_1414 = vector.broadcast %shift_right_logical3A_1413 : i32 to vector<16xi32>
      %shift_right_logical3A_1415 = arith.shrui %xor3A_1408, %shift_right_logical3A_1414 : vector<16xi32>
      %or3A_1416 = arith.ori %shift_left3A_1412, %shift_right_logical3A_1415 : vector<16xi32>
      %xor3A_1417 = arith.xori %or3A_1416, %add3A_1409 : vector<16xi32>
      %add3A_1418 = arith.constant 466689008 : i32
      %add3A_1419 = vector.broadcast %add3A_1418 : i32 to vector<16xi32>
      %add3A_1420 = arith.addi %add3A_1409, %add3A_1419 : vector<16xi32>
      %add3A_1421 = arith.constant 2 : i32
      %add3A_1422 = vector.broadcast %add3A_1421 : i32 to vector<16xi32>
      %add3A_1423 = arith.addi %xor3A_1417, %add3A_1422 : vector<16xi32>
      %add3A_1424 = arith.addi %add3A_1420, %add3A_1423 : vector<16xi32>
      %shift_left3A_1425 = arith.constant 13 : i32
      %shift_left3A_1426 = vector.broadcast %shift_left3A_1425 : i32 to vector<16xi32>
      %shift_left3A_1427 = arith.shli %add3A_1423, %shift_left3A_1426 : vector<16xi32>
      %shift_right_logical3A_1428 = arith.constant 19 : i32
      %shift_right_logical3A_1429 = vector.broadcast %shift_right_logical3A_1428 : i32 to vector<16xi32>
      %shift_right_logical3A_1430 = arith.shrui %add3A_1423, %shift_right_logical3A_1429 : vector<16xi32>
      %or3A_1431 = arith.ori %shift_left3A_1427, %shift_right_logical3A_1430 : vector<16xi32>
      %xor3A_1432 = arith.xori %or3A_1431, %add3A_1424 : vector<16xi32>
      %add3A_1433 = arith.addi %add3A_1424, %xor3A_1432 : vector<16xi32>
      %shift_left3A_1434 = arith.constant 15 : i32
      %shift_left3A_1435 = vector.broadcast %shift_left3A_1434 : i32 to vector<16xi32>
      %shift_left3A_1436 = arith.shli %xor3A_1432, %shift_left3A_1435 : vector<16xi32>
      %shift_right_logical3A_1437 = arith.constant 17 : i32
      %shift_right_logical3A_1438 = vector.broadcast %shift_right_logical3A_1437 : i32 to vector<16xi32>
      %shift_right_logical3A_1439 = arith.shrui %xor3A_1432, %shift_right_logical3A_1438 : vector<16xi32>
      %or3A_1440 = arith.ori %shift_left3A_1436, %shift_right_logical3A_1439 : vector<16xi32>
      %xor3A_1441 = arith.xori %or3A_1440, %add3A_1433 : vector<16xi32>
      %add3A_1442 = arith.addi %add3A_1433, %xor3A_1441 : vector<16xi32>
      %shift_left3A_1443 = arith.constant 26 : i32
      %shift_left3A_1444 = vector.broadcast %shift_left3A_1443 : i32 to vector<16xi32>
      %shift_left3A_1445 = arith.shli %xor3A_1441, %shift_left3A_1444 : vector<16xi32>
      %shift_right_logical3A_1446 = arith.constant 6 : i32
      %shift_right_logical3A_1447 = vector.broadcast %shift_right_logical3A_1446 : i32 to vector<16xi32>
      %shift_right_logical3A_1448 = arith.shrui %xor3A_1441, %shift_right_logical3A_1447 : vector<16xi32>
      %or3A_1449 = arith.ori %shift_left3A_1445, %shift_right_logical3A_1448 : vector<16xi32>
      %xor3A_1450 = arith.xori %or3A_1449, %add3A_1442 : vector<16xi32>
      %add3A_1451 = arith.addi %add3A_1442, %xor3A_1450 : vector<16xi32>
      %shift_left3A_1452 = arith.constant 6 : i32
      %shift_left3A_1453 = vector.broadcast %shift_left3A_1452 : i32 to vector<16xi32>
      %shift_left3A_1454 = arith.shli %xor3A_1450, %shift_left3A_1453 : vector<16xi32>
      %shift_right_logical3A_1455 = arith.constant 26 : i32
      %shift_right_logical3A_1456 = vector.broadcast %shift_right_logical3A_1455 : i32 to vector<16xi32>
      %shift_right_logical3A_1457 = arith.shrui %xor3A_1450, %shift_right_logical3A_1456 : vector<16xi32>
      %or3A_1458 = arith.ori %shift_left3A_1454, %shift_right_logical3A_1457 : vector<16xi32>
      %xor3A_1459 = arith.xori %or3A_1458, %add3A_1451 : vector<16xi32>
      %add3A_1460 = arith.constant 0 : i32
      %add3A_1461 = vector.broadcast %add3A_1460 : i32 to vector<16xi32>
      %add3A_1462 = arith.addi %add3A_1451, %add3A_1461 : vector<16xi32>
      %add3A_1463 = arith.constant 45 : i32
      %add3A_1464 = vector.broadcast %add3A_1463 : i32 to vector<16xi32>
      %add3A_1465 = arith.addi %xor3A_1459, %add3A_1464 : vector<16xi32>
      %add3A_1466 = arith.addi %add3A_1462, %add3A_1465 : vector<16xi32>
      %shift_left3A_1467 = arith.constant 17 : i32
      %shift_left3A_1468 = vector.broadcast %shift_left3A_1467 : i32 to vector<16xi32>
      %shift_left3A_1469 = arith.shli %add3A_1465, %shift_left3A_1468 : vector<16xi32>
      %shift_right_logical3A_1470 = arith.constant 15 : i32
      %shift_right_logical3A_1471 = vector.broadcast %shift_right_logical3A_1470 : i32 to vector<16xi32>
      %shift_right_logical3A_1472 = arith.shrui %add3A_1465, %shift_right_logical3A_1471 : vector<16xi32>
      %or3A_1473 = arith.ori %shift_left3A_1469, %shift_right_logical3A_1472 : vector<16xi32>
      %xor3A_1474 = arith.xori %or3A_1473, %add3A_1466 : vector<16xi32>
      %add3A_1475 = arith.addi %add3A_1466, %xor3A_1474 : vector<16xi32>
      %shift_left3A_1476 = arith.constant 29 : i32
      %shift_left3A_1477 = vector.broadcast %shift_left3A_1476 : i32 to vector<16xi32>
      %shift_left3A_1478 = arith.shli %xor3A_1474, %shift_left3A_1477 : vector<16xi32>
      %shift_right_logical3A_1479 = arith.constant 3 : i32
      %shift_right_logical3A_1480 = vector.broadcast %shift_right_logical3A_1479 : i32 to vector<16xi32>
      %shift_right_logical3A_1481 = arith.shrui %xor3A_1474, %shift_right_logical3A_1480 : vector<16xi32>
      %or3A_1482 = arith.ori %shift_left3A_1478, %shift_right_logical3A_1481 : vector<16xi32>
      %xor3A_1483 = arith.xori %or3A_1482, %add3A_1475 : vector<16xi32>
      %add3A_1484 = arith.addi %add3A_1475, %xor3A_1483 : vector<16xi32>
      %shift_left3A_1485 = arith.constant 16 : i32
      %shift_left3A_1486 = vector.broadcast %shift_left3A_1485 : i32 to vector<16xi32>
      %shift_left3A_1487 = arith.shli %xor3A_1483, %shift_left3A_1486 : vector<16xi32>
      %shift_right_logical3A_1488 = arith.constant 16 : i32
      %shift_right_logical3A_1489 = vector.broadcast %shift_right_logical3A_1488 : i32 to vector<16xi32>
      %shift_right_logical3A_1490 = arith.shrui %xor3A_1483, %shift_right_logical3A_1489 : vector<16xi32>
      %or3A_1491 = arith.ori %shift_left3A_1487, %shift_right_logical3A_1490 : vector<16xi32>
      %xor3A_1492 = arith.xori %or3A_1491, %add3A_1484 : vector<16xi32>
      %add3A_1493 = arith.addi %add3A_1484, %xor3A_1492 : vector<16xi32>
      %shift_left3A_1494 = arith.constant 24 : i32
      %shift_left3A_1495 = vector.broadcast %shift_left3A_1494 : i32 to vector<16xi32>
      %shift_left3A_1496 = arith.shli %xor3A_1492, %shift_left3A_1495 : vector<16xi32>
      %shift_right_logical3A_1497 = arith.constant 8 : i32
      %shift_right_logical3A_1498 = vector.broadcast %shift_right_logical3A_1497 : i32 to vector<16xi32>
      %shift_right_logical3A_1499 = arith.shrui %xor3A_1492, %shift_right_logical3A_1498 : vector<16xi32>
      %or3A_1500 = arith.ori %shift_left3A_1496, %shift_right_logical3A_1499 : vector<16xi32>
      %xor3A_1501 = arith.xori %or3A_1500, %add3A_1493 : vector<16xi32>
      %add3A_1502 = arith.constant 42 : i32
      %add3A_1503 = vector.broadcast %add3A_1502 : i32 to vector<16xi32>
      %add3A_1504 = arith.addi %add3A_1493, %add3A_1503 : vector<16xi32>
      %add3A_1505 = arith.constant 466689012 : i32
      %add3A_1506 = vector.broadcast %add3A_1505 : i32 to vector<16xi32>
      %add3A_1507 = arith.addi %xor3A_1501, %add3A_1506 : vector<16xi32>
      %add3A_1508 = arith.addi %add3A_1504, %add3A_1507 : vector<16xi32>
      %shift_left3A_1509 = arith.constant 13 : i32
      %shift_left3A_1510 = vector.broadcast %shift_left3A_1509 : i32 to vector<16xi32>
      %shift_left3A_1511 = arith.shli %add3A_1507, %shift_left3A_1510 : vector<16xi32>
      %shift_right_logical3A_1512 = arith.constant 19 : i32
      %shift_right_logical3A_1513 = vector.broadcast %shift_right_logical3A_1512 : i32 to vector<16xi32>
      %shift_right_logical3A_1514 = arith.shrui %add3A_1507, %shift_right_logical3A_1513 : vector<16xi32>
      %or3A_1515 = arith.ori %shift_left3A_1511, %shift_right_logical3A_1514 : vector<16xi32>
      %xor3A_1516 = arith.xori %or3A_1515, %add3A_1508 : vector<16xi32>
      %add3A_1517 = arith.addi %add3A_1508, %xor3A_1516 : vector<16xi32>
      %shift_left3A_1518 = arith.constant 15 : i32
      %shift_left3A_1519 = vector.broadcast %shift_left3A_1518 : i32 to vector<16xi32>
      %shift_left3A_1520 = arith.shli %xor3A_1516, %shift_left3A_1519 : vector<16xi32>
      %shift_right_logical3A_1521 = arith.constant 17 : i32
      %shift_right_logical3A_1522 = vector.broadcast %shift_right_logical3A_1521 : i32 to vector<16xi32>
      %shift_right_logical3A_1523 = arith.shrui %xor3A_1516, %shift_right_logical3A_1522 : vector<16xi32>
      %or3A_1524 = arith.ori %shift_left3A_1520, %shift_right_logical3A_1523 : vector<16xi32>
      %xor3A_1525 = arith.xori %or3A_1524, %add3A_1517 : vector<16xi32>
      %add3A_1526 = arith.addi %add3A_1517, %xor3A_1525 : vector<16xi32>
      %shift_left3A_1527 = arith.constant 26 : i32
      %shift_left3A_1528 = vector.broadcast %shift_left3A_1527 : i32 to vector<16xi32>
      %shift_left3A_1529 = arith.shli %xor3A_1525, %shift_left3A_1528 : vector<16xi32>
      %shift_right_logical3A_1530 = arith.constant 6 : i32
      %shift_right_logical3A_1531 = vector.broadcast %shift_right_logical3A_1530 : i32 to vector<16xi32>
      %shift_right_logical3A_1532 = arith.shrui %xor3A_1525, %shift_right_logical3A_1531 : vector<16xi32>
      %or3A_1533 = arith.ori %shift_left3A_1529, %shift_right_logical3A_1532 : vector<16xi32>
      %xor3A_1534 = arith.xori %or3A_1533, %add3A_1526 : vector<16xi32>
      %add3A_1535 = arith.addi %add3A_1526, %xor3A_1534 : vector<16xi32>
      %shift_left3A_1536 = arith.constant 6 : i32
      %shift_left3A_1537 = vector.broadcast %shift_left3A_1536 : i32 to vector<16xi32>
      %shift_left3A_1538 = arith.shli %xor3A_1534, %shift_left3A_1537 : vector<16xi32>
      %shift_right_logical3A_1539 = arith.constant 26 : i32
      %shift_right_logical3A_1540 = vector.broadcast %shift_right_logical3A_1539 : i32 to vector<16xi32>
      %shift_right_logical3A_1541 = arith.shrui %xor3A_1534, %shift_right_logical3A_1540 : vector<16xi32>
      %or3A_1542 = arith.ori %shift_left3A_1538, %shift_right_logical3A_1541 : vector<16xi32>
      %xor3A_1543 = arith.xori %or3A_1542, %add3A_1535 : vector<16xi32>
      %add3A_1544 = arith.constant 466689008 : i32
      %add3A_1545 = vector.broadcast %add3A_1544 : i32 to vector<16xi32>
      %add3A_1546 = arith.addi %add3A_1535, %add3A_1545 : vector<16xi32>
      %add3A_1547 = arith.constant 5 : i32
      %add3A_1548 = vector.broadcast %add3A_1547 : i32 to vector<16xi32>
      %add3A_1549 = arith.addi %xor3A_1543, %add3A_1548 : vector<16xi32>
      %xor3A_1550 = arith.xori %add3A_1546, %add3A_1549 : vector<16xi32>
      %swap3A_1551 = arith.index_cast %scan3A_17 : i32 to index
      %swap3A_1552 = arith.constant 96 : index
      %swap3A_1553 = tpu.vector_load %arg3[%swap3A_1551, %swap3A_1552] {strides = array<i32>} : memref<832x128xi32, #tpu.memory_space<vmem>>, vector<1x16xi32>,
      %swap3A_1554 = vector.shape_cast %swap3A_1553 : vector<1x16xi32> to vector<16xi32>
      %swap3A_1555 = vector.shape_cast %xor3A_1550 : vector<16xi32> to vector<1x16xi32>
      tpu.vector_store %arg3[%swap3A_1551, %swap3A_1552], %swap3A_1555 {strides = array<i32>} : memref<832x128xi32, #tpu.memory_space<vmem>>, vector<1x16xi32>,
      %add3A_1556 = arith.constant 11200000 : i32
      %add3A_1557 = vector.broadcast %add3A_1556 : i32 to vector<16xi32>
      %add3A_1558 = arith.addi %mul3A_5, %add3A_1557 : vector<16xi32>
      %add3A_1559 = vector.broadcast %add3A_20 : i32 to vector<16xi32>
      %add3A_1560 = arith.addi %add3A_1558, %add3A_1559 : vector<16xi32>
      %shift_left3A_1561 = arith.constant 13 : i32
      %shift_left3A_1562 = vector.broadcast %shift_left3A_1561 : i32 to vector<16xi32>
      %shift_left3A_1563 = arith.shli %add3A_1560, %shift_left3A_1562 : vector<16xi32>
      %shift_right_logical3A_1564 = arith.constant 19 : i32
      %shift_right_logical3A_1565 = vector.broadcast %shift_right_logical3A_1564 : i32 to vector<16xi32>
      %shift_right_logical3A_1566 = arith.shrui %add3A_1560, %shift_right_logical3A_1565 : vector<16xi32>
      %or3A_1567 = arith.ori %shift_left3A_1563, %shift_right_logical3A_1566 : vector<16xi32>
      %xor3A_1568 = arith.xori %or3A_1567, %add3A_1560 : vector<16xi32>
      %add3A_1569 = arith.addi %add3A_1560, %xor3A_1568 : vector<16xi32>
      %shift_left3A_1570 = arith.constant 15 : i32
      %shift_left3A_1571 = vector.broadcast %shift_left3A_1570 : i32 to vector<16xi32>
      %shift_left3A_1572 = arith.shli %xor3A_1568, %shift_left3A_1571 : vector<16xi32>
      %shift_right_logical3A_1573 = arith.constant 17 : i32
      %shift_right_logical3A_1574 = vector.broadcast %shift_right_logical3A_1573 : i32 to vector<16xi32>
      %shift_right_logical3A_1575 = arith.shrui %xor3A_1568, %shift_right_logical3A_1574 : vector<16xi32>
      %or3A_1576 = arith.ori %shift_left3A_1572, %shift_right_logical3A_1575 : vector<16xi32>
      %xor3A_1577 = arith.xori %or3A_1576, %add3A_1569 : vector<16xi32>
      %add3A_1578 = arith.addi %add3A_1569, %xor3A_1577 : vector<16xi32>
      %shift_left3A_1579 = arith.constant 26 : i32
      %shift_left3A_1580 = vector.broadcast %shift_left3A_1579 : i32 to vector<16xi32>
      %shift_left3A_1581 = arith.shli %xor3A_1577, %shift_left3A_1580 : vector<16xi32>
      %shift_right_logical3A_1582 = arith.constant 6 : i32
      %shift_right_logical3A_1583 = vector.broadcast %shift_right_logical3A_1582 : i32 to vector<16xi32>
      %shift_right_logical3A_1584 = arith.shrui %xor3A_1577, %shift_right_logical3A_1583 : vector<16xi32>
      %or3A_1585 = arith.ori %shift_left3A_1581, %shift_right_logical3A_1584 : vector<16xi32>
      %xor3A_1586 = arith.xori %or3A_1585, %add3A_1578 : vector<16xi32>
      %add3A_1587 = arith.addi %add3A_1578, %xor3A_1586 : vector<16xi32>
      %shift_left3A_1588 = arith.constant 6 : i32
      %shift_left3A_1589 = vector.broadcast %shift_left3A_1588 : i32 to vector<16xi32>
      %shift_left3A_1590 = arith.shli %xor3A_1586, %shift_left3A_1589 : vector<16xi32>
      %shift_right_logical3A_1591 = arith.constant 26 : i32
      %shift_right_logical3A_1592 = vector.broadcast %shift_right_logical3A_1591 : i32 to vector<16xi32>
      %shift_right_logical3A_1593 = arith.shrui %xor3A_1586, %shift_right_logical3A_1592 : vector<16xi32>
      %or3A_1594 = arith.ori %shift_left3A_1590, %shift_right_logical3A_1593 : vector<16xi32>
      %xor3A_1595 = arith.xori %or3A_1594, %add3A_1587 : vector<16xi32>
      %add3A_1596 = arith.constant 42 : i32
      %add3A_1597 = vector.broadcast %add3A_1596 : i32 to vector<16xi32>
      %add3A_1598 = arith.addi %add3A_1587, %add3A_1597 : vector<16xi32>
      %add3A_1599 = arith.constant 466689009 : i32
      %add3A_1600 = vector.broadcast %add3A_1599 : i32 to vector<16xi32>
      %add3A_1601 = arith.addi %xor3A_1595, %add3A_1600 : vector<16xi32>
      %add3A_1602 = arith.addi %add3A_1598, %add3A_1601 : vector<16xi32>
      %shift_left3A_1603 = arith.constant 17 : i32
      %shift_left3A_1604 = vector.broadcast %shift_left3A_1603 : i32 to vector<16xi32>
      %shift_left3A_1605 = arith.shli %add3A_1601, %shift_left3A_1604 : vector<16xi32>
      %shift_right_logical3A_1606 = arith.constant 15 : i32
      %shift_right_logical3A_1607 = vector.broadcast %shift_right_logical3A_1606 : i32 to vector<16xi32>
      %shift_right_logical3A_1608 = arith.shrui %add3A_1601, %shift_right_logical3A_1607 : vector<16xi32>
      %or3A_1609 = arith.ori %shift_left3A_1605, %shift_right_logical3A_1608 : vector<16xi32>
      %xor3A_1610 = arith.xori %or3A_1609, %add3A_1602 : vector<16xi32>
      %add3A_1611 = arith.addi %add3A_1602, %xor3A_1610 : vector<16xi32>
      %shift_left3A_1612 = arith.constant 29 : i32
      %shift_left3A_1613 = vector.broadcast %shift_left3A_1612 : i32 to vector<16xi32>
      %shift_left3A_1614 = arith.shli %xor3A_1610, %shift_left3A_1613 : vector<16xi32>
      %shift_right_logical3A_1615 = arith.constant 3 : i32
      %shift_right_logical3A_1616 = vector.broadcast %shift_right_logical3A_1615 : i32 to vector<16xi32>
      %shift_right_logical3A_1617 = arith.shrui %xor3A_1610, %shift_right_logical3A_1616 : vector<16xi32>
      %or3A_1618 = arith.ori %shift_left3A_1614, %shift_right_logical3A_1617 : vector<16xi32>
      %xor3A_1619 = arith.xori %or3A_1618, %add3A_1611 : vector<16xi32>
      %add3A_1620 = arith.addi %add3A_1611, %xor3A_1619 : vector<16xi32>
      %shift_left3A_1621 = arith.constant 16 : i32
      %shift_left3A_1622 = vector.broadcast %shift_left3A_1621 : i32 to vector<16xi32>
      %shift_left3A_1623 = arith.shli %xor3A_1619, %shift_left3A_1622 : vector<16xi32>
      %shift_right_logical3A_1624 = arith.constant 16 : i32
      %shift_right_logical3A_1625 = vector.broadcast %shift_right_logical3A_1624 : i32 to vector<16xi32>
      %shift_right_logical3A_1626 = arith.shrui %xor3A_1619, %shift_right_logical3A_1625 : vector<16xi32>
      %or3A_1627 = arith.ori %shift_left3A_1623, %shift_right_logical3A_1626 : vector<16xi32>
      %xor3A_1628 = arith.xori %or3A_1627, %add3A_1620 : vector<16xi32>
      %add3A_1629 = arith.addi %add3A_1620, %xor3A_1628 : vector<16xi32>
      %shift_left3A_1630 = arith.constant 24 : i32
      %shift_left3A_1631 = vector.broadcast %shift_left3A_1630 : i32 to vector<16xi32>
      %shift_left3A_1632 = arith.shli %xor3A_1628, %shift_left3A_1631 : vector<16xi32>
      %shift_right_logical3A_1633 = arith.constant 8 : i32
      %shift_right_logical3A_1634 = vector.broadcast %shift_right_logical3A_1633 : i32 to vector<16xi32>
      %shift_right_logical3A_1635 = arith.shrui %xor3A_1628, %shift_right_logical3A_1634 : vector<16xi32>
      %or3A_1636 = arith.ori %shift_left3A_1632, %shift_right_logical3A_1635 : vector<16xi32>
      %xor3A_1637 = arith.xori %or3A_1636, %add3A_1629 : vector<16xi32>
      %add3A_1638 = arith.constant 466689008 : i32
      %add3A_1639 = vector.broadcast %add3A_1638 : i32 to vector<16xi32>
      %add3A_1640 = arith.addi %add3A_1629, %add3A_1639 : vector<16xi32>
      %add3A_1641 = arith.constant 2 : i32
      %add3A_1642 = vector.broadcast %add3A_1641 : i32 to vector<16xi32>
      %add3A_1643 = arith.addi %xor3A_1637, %add3A_1642 : vector<16xi32>
      %add3A_1644 = arith.addi %add3A_1640, %add3A_1643 : vector<16xi32>
      %shift_left3A_1645 = arith.constant 13 : i32
      %shift_left3A_1646 = vector.broadcast %shift_left3A_1645 : i32 to vector<16xi32>
      %shift_left3A_1647 = arith.shli %add3A_1643, %shift_left3A_1646 : vector<16xi32>
      %shift_right_logical3A_1648 = arith.constant 19 : i32
      %shift_right_logical3A_1649 = vector.broadcast %shift_right_logical3A_1648 : i32 to vector<16xi32>
      %shift_right_logical3A_1650 = arith.shrui %add3A_1643, %shift_right_logical3A_1649 : vector<16xi32>
      %or3A_1651 = arith.ori %shift_left3A_1647, %shift_right_logical3A_1650 : vector<16xi32>
      %xor3A_1652 = arith.xori %or3A_1651, %add3A_1644 : vector<16xi32>
      %add3A_1653 = arith.addi %add3A_1644, %xor3A_1652 : vector<16xi32>
      %shift_left3A_1654 = arith.constant 15 : i32
      %shift_left3A_1655 = vector.broadcast %shift_left3A_1654 : i32 to vector<16xi32>
      %shift_left3A_1656 = arith.shli %xor3A_1652, %shift_left3A_1655 : vector<16xi32>
      %shift_right_logical3A_1657 = arith.constant 17 : i32
      %shift_right_logical3A_1658 = vector.broadcast %shift_right_logical3A_1657 : i32 to vector<16xi32>
      %shift_right_logical3A_1659 = arith.shrui %xor3A_1652, %shift_right_logical3A_1658 : vector<16xi32>
      %or3A_1660 = arith.ori %shift_left3A_1656, %shift_right_logical3A_1659 : vector<16xi32>
      %xor3A_1661 = arith.xori %or3A_1660, %add3A_1653 : vector<16xi32>
      %add3A_1662 = arith.addi %add3A_1653, %xor3A_1661 : vector<16xi32>
      %shift_left3A_1663 = arith.constant 26 : i32
      %shift_left3A_1664 = vector.broadcast %shift_left3A_1663 : i32 to vector<16xi32>
      %shift_left3A_1665 = arith.shli %xor3A_1661, %shift_left3A_1664 : vector<16xi32>
      %shift_right_logical3A_1666 = arith.constant 6 : i32
      %shift_right_logical3A_1667 = vector.broadcast %shift_right_logical3A_1666 : i32 to vector<16xi32>
      %shift_right_logical3A_1668 = arith.shrui %xor3A_1661, %shift_right_logical3A_1667 : vector<16xi32>
      %or3A_1669 = arith.ori %shift_left3A_1665, %shift_right_logical3A_1668 : vector<16xi32>
      %xor3A_1670 = arith.xori %or3A_1669, %add3A_1662 : vector<16xi32>
      %add3A_1671 = arith.addi %add3A_1662, %xor3A_1670 : vector<16xi32>
      %shift_left3A_1672 = arith.constant 6 : i32
      %shift_left3A_1673 = vector.broadcast %shift_left3A_1672 : i32 to vector<16xi32>
      %shift_left3A_1674 = arith.shli %xor3A_1670, %shift_left3A_1673 : vector<16xi32>
      %shift_right_logical3A_1675 = arith.constant 26 : i32
      %shift_right_logical3A_1676 = vector.broadcast %shift_right_logical3A_1675 : i32 to vector<16xi32>
      %shift_right_logical3A_1677 = arith.shrui %xor3A_1670, %shift_right_logical3A_1676 : vector<16xi32>
      %or3A_1678 = arith.ori %shift_left3A_1674, %shift_right_logical3A_1677 : vector<16xi32>
      %xor3A_1679 = arith.xori %or3A_1678, %add3A_1671 : vector<16xi32>
      %add3A_1680 = arith.constant 0 : i32
      %add3A_1681 = vector.broadcast %add3A_1680 : i32 to vector<16xi32>
      %add3A_1682 = arith.addi %add3A_1671, %add3A_1681 : vector<16xi32>
      %add3A_1683 = arith.constant 45 : i32
      %add3A_1684 = vector.broadcast %add3A_1683 : i32 to vector<16xi32>
      %add3A_1685 = arith.addi %xor3A_1679, %add3A_1684 : vector<16xi32>
      %add3A_1686 = arith.addi %add3A_1682, %add3A_1685 : vector<16xi32>
      %shift_left3A_1687 = arith.constant 17 : i32
      %shift_left3A_1688 = vector.broadcast %shift_left3A_1687 : i32 to vector<16xi32>
      %shift_left3A_1689 = arith.shli %add3A_1685, %shift_left3A_1688 : vector<16xi32>
      %shift_right_logical3A_1690 = arith.constant 15 : i32
      %shift_right_logical3A_1691 = vector.broadcast %shift_right_logical3A_1690 : i32 to vector<16xi32>
      %shift_right_logical3A_1692 = arith.shrui %add3A_1685, %shift_right_logical3A_1691 : vector<16xi32>
      %or3A_1693 = arith.ori %shift_left3A_1689, %shift_right_logical3A_1692 : vector<16xi32>
      %xor3A_1694 = arith.xori %or3A_1693, %add3A_1686 : vector<16xi32>
      %add3A_1695 = arith.addi %add3A_1686, %xor3A_1694 : vector<16xi32>
      %shift_left3A_1696 = arith.constant 29 : i32
      %shift_left3A_1697 = vector.broadcast %shift_left3A_1696 : i32 to vector<16xi32>
      %shift_left3A_1698 = arith.shli %xor3A_1694, %shift_left3A_1697 : vector<16xi32>
      %shift_right_logical3A_1699 = arith.constant 3 : i32
      %shift_right_logical3A_1700 = vector.broadcast %shift_right_logical3A_1699 : i32 to vector<16xi32>
      %shift_right_logical3A_1701 = arith.shrui %xor3A_1694, %shift_right_logical3A_1700 : vector<16xi32>
      %or3A_1702 = arith.ori %shift_left3A_1698, %shift_right_logical3A_1701 : vector<16xi32>
      %xor3A_1703 = arith.xori %or3A_1702, %add3A_1695 : vector<16xi32>
      %add3A_1704 = arith.addi %add3A_1695, %xor3A_1703 : vector<16xi32>
      %shift_left3A_1705 = arith.constant 16 : i32
      %shift_left3A_1706 = vector.broadcast %shift_left3A_1705 : i32 to vector<16xi32>
      %shift_left3A_1707 = arith.shli %xor3A_1703, %shift_left3A_1706 : vector<16xi32>
      %shift_right_logical3A_1708 = arith.constant 16 : i32
      %shift_right_logical3A_1709 = vector.broadcast %shift_right_logical3A_1708 : i32 to vector<16xi32>
      %shift_right_logical3A_1710 = arith.shrui %xor3A_1703, %shift_right_logical3A_1709 : vector<16xi32>
      %or3A_1711 = arith.ori %shift_left3A_1707, %shift_right_logical3A_1710 : vector<16xi32>
      %xor3A_1712 = arith.xori %or3A_1711, %add3A_1704 : vector<16xi32>
      %add3A_1713 = arith.addi %add3A_1704, %xor3A_1712 : vector<16xi32>
      %shift_left3A_1714 = arith.constant 24 : i32
      %shift_left3A_1715 = vector.broadcast %shift_left3A_1714 : i32 to vector<16xi32>
      %shift_left3A_1716 = arith.shli %xor3A_1712, %shift_left3A_1715 : vector<16xi32>
      %shift_right_logical3A_1717 = arith.constant 8 : i32
      %shift_right_logical3A_1718 = vector.broadcast %shift_right_logical3A_1717 : i32 to vector<16xi32>
      %shift_right_logical3A_1719 = arith.shrui %xor3A_1712, %shift_right_logical3A_1718 : vector<16xi32>
      %or3A_1720 = arith.ori %shift_left3A_1716, %shift_right_logical3A_1719 : vector<16xi32>
      %xor3A_1721 = arith.xori %or3A_1720, %add3A_1713 : vector<16xi32>
      %add3A_1722 = arith.constant 42 : i32
      %add3A_1723 = vector.broadcast %add3A_1722 : i32 to vector<16xi32>
      %add3A_1724 = arith.addi %add3A_1713, %add3A_1723 : vector<16xi32>
      %add3A_1725 = arith.constant 466689012 : i32
      %add3A_1726 = vector.broadcast %add3A_1725 : i32 to vector<16xi32>
      %add3A_1727 = arith.addi %xor3A_1721, %add3A_1726 : vector<16xi32>
      %add3A_1728 = arith.addi %add3A_1724, %add3A_1727 : vector<16xi32>
      %shift_left3A_1729 = arith.constant 13 : i32
      %shift_left3A_1730 = vector.broadcast %shift_left3A_1729 : i32 to vector<16xi32>
      %shift_left3A_1731 = arith.shli %add3A_1727, %shift_left3A_1730 : vector<16xi32>
      %shift_right_logical3A_1732 = arith.constant 19 : i32
      %shift_right_logical3A_1733 = vector.broadcast %shift_right_logical3A_1732 : i32 to vector<16xi32>
      %shift_right_logical3A_1734 = arith.shrui %add3A_1727, %shift_right_logical3A_1733 : vector<16xi32>
      %or3A_1735 = arith.ori %shift_left3A_1731, %shift_right_logical3A_1734 : vector<16xi32>
      %xor3A_1736 = arith.xori %or3A_1735, %add3A_1728 : vector<16xi32>
      %add3A_1737 = arith.addi %add3A_1728, %xor3A_1736 : vector<16xi32>
      %shift_left3A_1738 = arith.constant 15 : i32
      %shift_left3A_1739 = vector.broadcast %shift_left3A_1738 : i32 to vector<16xi32>
      %shift_left3A_1740 = arith.shli %xor3A_1736, %shift_left3A_1739 : vector<16xi32>
      %shift_right_logical3A_1741 = arith.constant 17 : i32
      %shift_right_logical3A_1742 = vector.broadcast %shift_right_logical3A_1741 : i32 to vector<16xi32>
      %shift_right_logical3A_1743 = arith.shrui %xor3A_1736, %shift_right_logical3A_1742 : vector<16xi32>
      %or3A_1744 = arith.ori %shift_left3A_1740, %shift_right_logical3A_1743 : vector<16xi32>
      %xor3A_1745 = arith.xori %or3A_1744, %add3A_1737 : vector<16xi32>
      %add3A_1746 = arith.addi %add3A_1737, %xor3A_1745 : vector<16xi32>
      %shift_left3A_1747 = arith.constant 26 : i32
      %shift_left3A_1748 = vector.broadcast %shift_left3A_1747 : i32 to vector<16xi32>
      %shift_left3A_1749 = arith.shli %xor3A_1745, %shift_left3A_1748 : vector<16xi32>
      %shift_right_logical3A_1750 = arith.constant 6 : i32
      %shift_right_logical3A_1751 = vector.broadcast %shift_right_logical3A_1750 : i32 to vector<16xi32>
      %shift_right_logical3A_1752 = arith.shrui %xor3A_1745, %shift_right_logical3A_1751 : vector<16xi32>
      %or3A_1753 = arith.ori %shift_left3A_1749, %shift_right_logical3A_1752 : vector<16xi32>
      %xor3A_1754 = arith.xori %or3A_1753, %add3A_1746 : vector<16xi32>
      %add3A_1755 = arith.addi %add3A_1746, %xor3A_1754 : vector<16xi32>
      %shift_left3A_1756 = arith.constant 6 : i32
      %shift_left3A_1757 = vector.broadcast %shift_left3A_1756 : i32 to vector<16xi32>
      %shift_left3A_1758 = arith.shli %xor3A_1754, %shift_left3A_1757 : vector<16xi32>
      %shift_right_logical3A_1759 = arith.constant 26 : i32
      %shift_right_logical3A_1760 = vector.broadcast %shift_right_logical3A_1759 : i32 to vector<16xi32>
      %shift_right_logical3A_1761 = arith.shrui %xor3A_1754, %shift_right_logical3A_1760 : vector<16xi32>
      %or3A_1762 = arith.ori %shift_left3A_1758, %shift_right_logical3A_1761 : vector<16xi32>
      %xor3A_1763 = arith.xori %or3A_1762, %add3A_1755 : vector<16xi32>
      %add3A_1764 = arith.constant 466689008 : i32
      %add3A_1765 = vector.broadcast %add3A_1764 : i32 to vector<16xi32>
      %add3A_1766 = arith.addi %add3A_1755, %add3A_1765 : vector<16xi32>
      %add3A_1767 = arith.constant 5 : i32
      %add3A_1768 = vector.broadcast %add3A_1767 : i32 to vector<16xi32>
      %add3A_1769 = arith.addi %xor3A_1763, %add3A_1768 : vector<16xi32>
      %xor3A_1770 = arith.xori %add3A_1766, %add3A_1769 : vector<16xi32>
      %swap3A_1771 = arith.index_cast %scan3A_17 : i32 to index
      %swap3A_1772 = arith.constant 112 : index
      %swap3A_1773 = tpu.vector_load %arg3[%swap3A_1771, %swap3A_1772] {strides = array<i32>} : memref<832x128xi32, #tpu.memory_space<vmem>>, vector<1x16xi32>,
      %swap3A_1774 = vector.shape_cast %swap3A_1773 : vector<1x16xi32> to vector<16xi32>
      %swap3A_1775 = vector.shape_cast %xor3A_1770 : vector<16xi32> to vector<1x16xi32>
      tpu.vector_store %arg3[%swap3A_1771, %swap3A_1772], %swap3A_1775 {strides = array<i32>} : memref<832x128xi32, #tpu.memory_space<vmem>>, vector<1x16xi32>,
    }
    %scan3A_10 = arith.constant 832 : i32
    %dma_start3A = arith.constant 0 : i32
    %dma_start3A_11 = tpu.memref_slice %arg2[%mul3A_2, %dma_start3A] : memref<26624x128xi32, #tpu.memory_space<hbm>> -> memref<832x128xi32, #tpu.memory_space<hbm>>
    %dma_start3A_12 = arith.constant 0 : i32
    %dma_start3A_13 = tpu.memref_slice %arg2[%mul3A_2, %dma_start3A_12] : memref<26624x128xi32, #tpu.memory_space<hbm>> -> memref<832x128xi32, #tpu.memory_space<hbm>>
    tpu.enqueue_dma source(%arg3 : memref<832x128xi32, #tpu.memory_space<vmem>>) target(%dma_start3A_13 : memref<832x128xi32, #tpu.memory_space<hbm>>) target_semaphore(%arg4 : memref<!tpu.dma_semaphore, #tpu.memory_space<semaphore_mem>>)
    %dma_wait3A = arith.constant 0 : i32
    %dma_wait3A_14 = tpu.memref_slice %arg2[%mul3A_2, %dma_wait3A] : memref<26624x128xi32, #tpu.memory_space<hbm>> -> memref<832x128xi32, #tpu.memory_space<hbm>>
    %dma_wait3A_15 = arith.constant 0 : i32
    %dma_wait3A_16 = tpu.memref_slice %arg2[%mul3A_2, %dma_wait3A_15] : memref<26624x128xi32, #tpu.memory_space<hbm>> -> memref<832x128xi32, #tpu.memory_space<hbm>>
    tpu.wait_dma2 semaphore(%arg4 : memref<!tpu.dma_semaphore, #tpu.memory_space<semaphore_mem>>) src(%arg3 : memref<832x128xi32, #tpu.memory_space<vmem>>) dst(%dma_wait3A_16 : memref<832x128xi32, #tpu.memory_space<hbm>>)
    return
  }
}

module attributes {stable_mosaic.version = 14 : i64} {
  func.func @_finish_kernel(%arg0: i32, %arg1: memref<2048x128xf32, #tpu.memory_space<vmem>>, %arg2: memref<2048x128xi32, #tpu.memory_space<vmem>>, %arg3: memref<128x1xf32, #tpu.memory_space<vmem>>, %arg4: memref<128x1xi32, #tpu.memory_space<vmem>>, %arg5: memref<128x1xf32, #tpu.memory_space<vmem>>, %arg6: memref<128x1xi32, #tpu.memory_space<vmem>>) attributes {dimension_semantics = [#tpu.dimension_semantics<arbitrary>], iteration_bounds = array<i64: 14>, scalar_prefetch = 0 : i64, scratch_operands = 0 : i64, tpu.core_type = #tpu.core_type<tc>, window_params = [{transform_indices = @transform_0, window_bounds = array<i64: 2048, 128>}, {transform_indices = @transform_1, window_bounds = array<i64: 2048, 128>}, {pipeline_mode = #tpu.pipeline_mode<synchronous>, transform_indices = @transform_2, window_bounds = array<i64: 128, 1>}, {pipeline_mode = #tpu.pipeline_mode<synchronous>, transform_indices = @transform_3, window_bounds = array<i64: 128, 1>}, {pipeline_mode = #tpu.pipeline_mode<synchronous>, transform_indices = @transform_4, window_bounds = array<i64: 128, 1>}, {pipeline_mode = #tpu.pipeline_mode<synchronous>, transform_indices = @transform_5, window_bounds = array<i64: 128, 1>}]} {
    %iota3A = tpu.iota {dimensions = array<i32: 1>} : vector<128x2048xi32>
    %mul3A = arith.constant 2048 : i32
    %mul3A_0 = arith.muli %arg0, %mul3A : i32
    %add3A = arith.constant 71680 : i32
    %add3A_1 = arith.addi %mul3A_0, %add3A : i32
    %add3A_2 = vector.broadcast %add3A_1 : i32 to vector<128x2048xi32>
    %add3A_3 = arith.addi %iota3A, %add3A_2 : vector<128x2048xi32>
    %eq3A = arith.constant 0 : i32
    %eq3A_4 = arith.cmpi eq, %arg0, %eq3A : i32
    %convert_element_type3A = arith.extui %eq3A_4 : i1 to i32
    %cond3A = arith.constant 0 : i32
    %cond3A_5 = arith.cmpi ne, %convert_element_type3A, %cond3A : i32
    scf.if %cond3A_5 {
      %get3A = arith.constant 0 : index
      %get3A_15 = arith.constant 0 : index
      %get3A_16 = vector.load %arg3[%get3A, %get3A_15] : memref<128x1xf32, #tpu.memory_space<vmem>>, vector<128x1xf32>
      %swap3A = arith.constant 0 : index
      %swap3A_17 = arith.constant 0 : index
      %swap3A_18 = vector.load %arg5[%swap3A, %swap3A_17] : memref<128x1xf32, #tpu.memory_space<vmem>>, vector<128x1xf32>
      tpu.vector_store %arg5[%swap3A, %swap3A_17], %get3A_16 {strides = array<i32>} : memref<128x1xf32, #tpu.memory_space<vmem>>, vector<128x1xf32>,
      %get3A_19 = arith.constant 0 : index
      %get3A_20 = arith.constant 0 : index
      %get3A_21 = vector.load %arg4[%get3A_19, %get3A_20] : memref<128x1xi32, #tpu.memory_space<vmem>>, vector<128x1xi32>
      %swap3A_22 = arith.constant 0 : index
      %swap3A_23 = arith.constant 0 : index
      %swap3A_24 = vector.load %arg6[%swap3A_22, %swap3A_23] : memref<128x1xi32, #tpu.memory_space<vmem>>, vector<128x1xi32>
      tpu.vector_store %arg6[%swap3A_22, %swap3A_23], %get3A_21 {strides = array<i32>} : memref<128x1xi32, #tpu.memory_space<vmem>>, vector<128x1xi32>,
    } else {
    }
    %lt3A = arith.constant 13 : i32
    %lt3A_6 = arith.cmpi slt, %arg0, %lt3A : i32
    %convert_element_type3A_7 = arith.extui %lt3A_6 : i1 to i32
    %cond3A_8 = arith.constant 0 : i32
    %cond3A_9 = arith.cmpi ne, %convert_element_type3A_7, %cond3A_8 : i32
    scf.if %cond3A_9 {
      %get3A = arith.constant 0 : index
      %get3A_15 = arith.constant 0 : index
      %get3A_16 = vector.load %arg2[%get3A, %get3A_15] : memref<2048x128xi32, #tpu.memory_space<vmem>>, vector<2048x128xi32>
      %transpose3A = tpu.transpose %get3A_16, [1, 0] : vector<2048x128xi32> -> vector<128x2048xi32>
      %shift_right_logical3A = arith.constant 9 : i32
      %shift_right_logical3A_17 = vector.broadcast %shift_right_logical3A : i32 to vector<128x2048xi32>
      %shift_right_logical3A_18 = arith.shrui %transpose3A, %shift_right_logical3A_17 : vector<128x2048xi32>
      %or3A = arith.constant 1065353216 : i32
      %or3A_19 = vector.broadcast %or3A : i32 to vector<128x2048xi32>
      %or3A_20 = arith.ori %shift_right_logical3A_18, %or3A_19 : vector<128x2048xi32>
      %bitcast_convert_type3A = tpu.bitcast %or3A_20 : vector<128x2048xi32> -> vector<128x2048xf32>
      %sub3A = arith.constant 1.000000e+00 : f32
      %sub3A_21 = vector.broadcast %sub3A : f32 to vector<128x2048xf32>
      %sub3A_22 = arith.subf %bitcast_convert_type3A, %sub3A_21 : vector<128x2048xf32>
      %max3A = arith.constant 1.17549435E-38 : f32
      %max3A_23 = vector.broadcast %max3A : f32 to vector<128x2048xf32>
      %max3A_24 = arith.maximumf %sub3A_22, %max3A_23 : vector<128x2048xf32>
      %log3A = math.log %max3A_24 : vector<128x2048xf32>
      %neg3A = arith.constant 0.000000e+00 : f32
      %neg3A_25 = vector.broadcast %neg3A : f32 to vector<128x2048xf32>
      %neg3A_26 = arith.subf %neg3A_25, %log3A : vector<128x2048xf32>
      %log3A_27 = math.log %neg3A_26 : vector<128x2048xf32>
      %neg3A_28 = arith.constant 0.000000e+00 : f32
      %neg3A_29 = vector.broadcast %neg3A_28 : f32 to vector<128x2048xf32>
      %neg3A_30 = arith.subf %neg3A_29, %log3A_27 : vector<128x2048xf32>
      %get3A_31 = arith.constant 0 : index
      %get3A_32 = arith.constant 0 : index
      %get3A_33 = vector.load %arg1[%get3A_31, %get3A_32] : memref<2048x128xf32, #tpu.memory_space<vmem>>, vector<2048x128xf32>
      %transpose3A_34 = tpu.transpose %get3A_33, [1, 0] : vector<2048x128xf32> -> vector<128x2048xf32>
      %add3A_35 = arith.addf %neg3A_30, %transpose3A_34 : vector<128x2048xf32>
      %reduce_max3A = arith.constant dense<0xFF800000> : vector<128xf32>
      %reduce_max3A_36 = vector.multi_reduction <maximumf>, %add3A_35, %reduce_max3A [1] : vector<128x2048xf32> to vector<128xf32>
      %broadcast_in_dim3A = vector.shape_cast %reduce_max3A_36 : vector<128xf32> to vector<128x1xf32>
      %eq3A_37 = vector.broadcast %broadcast_in_dim3A : vector<128x1xf32> to vector<128x2048xf32>
      %eq3A_38 = arith.cmpf oeq, %add3A_35, %eq3A_37 : vector<128x2048xf32>
      %jit3A = arith.constant 2147483647 : i32
      %broadcast_in_dim3A_39 = vector.broadcast %jit3A : i32 to vector<128x2048xi32>
      %select_n3A = arith.select %eq3A_38, %add3A_3, %broadcast_in_dim3A_39 : vector<128x2048xi1>, vector<128x2048xi32>
      %reduce_min3A = arith.constant dense<2147483647> : vector<128xi32>
      %reduce_min3A_40 = vector.multi_reduction <minsi>, %select_n3A, %reduce_min3A [1] : vector<128x2048xi32> to vector<128xi32>
      %broadcast_in_dim3A_41 = vector.shape_cast %reduce_min3A_40 : vector<128xi32> to vector<128x1xi32>
      %get3A_42 = arith.constant 0 : index
      %get3A_43 = arith.constant 0 : index
      %get3A_44 = vector.load %arg5[%get3A_42, %get3A_43] : memref<128x1xf32, #tpu.memory_space<vmem>>, vector<128x1xf32>
      %gt3A = arith.cmpf ogt, %broadcast_in_dim3A, %get3A_44 : vector<128x1xf32>
      %get3A_45 = arith.constant 0 : index
      %get3A_46 = arith.constant 0 : index
      %get3A_47 = vector.load %arg5[%get3A_45, %get3A_46] : memref<128x1xf32, #tpu.memory_space<vmem>>, vector<128x1xf32>
      %select_n3A_48 = arith.select %gt3A, %broadcast_in_dim3A, %get3A_47 : vector<128x1xi1>, vector<128x1xf32>
      %swap3A = arith.constant 0 : index
      %swap3A_49 = arith.constant 0 : index
      %swap3A_50 = vector.load %arg5[%swap3A, %swap3A_49] : memref<128x1xf32, #tpu.memory_space<vmem>>, vector<128x1xf32>
      tpu.vector_store %arg5[%swap3A, %swap3A_49], %select_n3A_48 {strides = array<i32>} : memref<128x1xf32, #tpu.memory_space<vmem>>, vector<128x1xf32>,
      %get3A_51 = arith.constant 0 : index
      %get3A_52 = arith.constant 0 : index
      %get3A_53 = vector.load %arg6[%get3A_51, %get3A_52] : memref<128x1xi32, #tpu.memory_space<vmem>>, vector<128x1xi32>
      %select_n3A_54 = arith.select %gt3A, %broadcast_in_dim3A_41, %get3A_53 : vector<128x1xi1>, vector<128x1xi32>
      %swap3A_55 = arith.constant 0 : index
      %swap3A_56 = arith.constant 0 : index
      %swap3A_57 = vector.load %arg6[%swap3A_55, %swap3A_56] : memref<128x1xi32, #tpu.memory_space<vmem>>, vector<128x1xi32>
      tpu.vector_store %arg6[%swap3A_55, %swap3A_56], %select_n3A_54 {strides = array<i32>} : memref<128x1xi32, #tpu.memory_space<vmem>>, vector<128x1xi32>,
    } else {
    }
    %eq3A_10 = arith.constant 13 : i32
    %eq3A_11 = arith.cmpi eq, %arg0, %eq3A_10 : i32
    %convert_element_type3A_12 = arith.extui %eq3A_11 : i1 to i32
    %cond3A_13 = arith.constant 0 : i32
    %cond3A_14 = arith.cmpi ne, %convert_element_type3A_12, %cond3A_13 : i32
    scf.if %cond3A_14 {
      %iota3A_15 = tpu.iota {dimensions = array<i32: 0>} : vector<128x2048xi32>
      %mul3A_16 = arith.constant 100000 : i32
      %mul3A_17 = vector.broadcast %mul3A_16 : i32 to vector<128x2048xi32>
      %mul3A_18 = arith.muli %iota3A_15, %mul3A_17 : vector<128x2048xi32>
      %add3A_19 = arith.constant 42 : i32
      %add3A_20 = vector.broadcast %add3A_19 : i32 to vector<128x2048xi32>
      %add3A_21 = arith.addi %mul3A_18, %add3A_20 : vector<128x2048xi32>
      %add3A_22 = arith.addi %add3A_21, %add3A_3 : vector<128x2048xi32>
      %shift_left3A = arith.constant 13 : i32
      %shift_left3A_23 = vector.broadcast %shift_left3A : i32 to vector<128x2048xi32>
      %shift_left3A_24 = arith.shli %add3A_22, %shift_left3A_23 : vector<128x2048xi32>
      %shift_right_logical3A = arith.constant 19 : i32
      %shift_right_logical3A_25 = vector.broadcast %shift_right_logical3A : i32 to vector<128x2048xi32>
      %shift_right_logical3A_26 = arith.shrui %add3A_22, %shift_right_logical3A_25 : vector<128x2048xi32>
      %or3A = arith.ori %shift_left3A_24, %shift_right_logical3A_26 : vector<128x2048xi32>
      %xor3A = arith.xori %or3A, %add3A_22 : vector<128x2048xi32>
      %add3A_27 = arith.addi %add3A_22, %xor3A : vector<128x2048xi32>
      %shift_left3A_28 = arith.constant 15 : i32
      %shift_left3A_29 = vector.broadcast %shift_left3A_28 : i32 to vector<128x2048xi32>
      %shift_left3A_30 = arith.shli %xor3A, %shift_left3A_29 : vector<128x2048xi32>
      %shift_right_logical3A_31 = arith.constant 17 : i32
      %shift_right_logical3A_32 = vector.broadcast %shift_right_logical3A_31 : i32 to vector<128x2048xi32>
      %shift_right_logical3A_33 = arith.shrui %xor3A, %shift_right_logical3A_32 : vector<128x2048xi32>
      %or3A_34 = arith.ori %shift_left3A_30, %shift_right_logical3A_33 : vector<128x2048xi32>
      %xor3A_35 = arith.xori %or3A_34, %add3A_27 : vector<128x2048xi32>
      %add3A_36 = arith.addi %add3A_27, %xor3A_35 : vector<128x2048xi32>
      %shift_left3A_37 = arith.constant 26 : i32
      %shift_left3A_38 = vector.broadcast %shift_left3A_37 : i32 to vector<128x2048xi32>
      %shift_left3A_39 = arith.shli %xor3A_35, %shift_left3A_38 : vector<128x2048xi32>
      %shift_right_logical3A_40 = arith.constant 6 : i32
      %shift_right_logical3A_41 = vector.broadcast %shift_right_logical3A_40 : i32 to vector<128x2048xi32>
      %shift_right_logical3A_42 = arith.shrui %xor3A_35, %shift_right_logical3A_41 : vector<128x2048xi32>
      %or3A_43 = arith.ori %shift_left3A_39, %shift_right_logical3A_42 : vector<128x2048xi32>
      %xor3A_44 = arith.xori %or3A_43, %add3A_36 : vector<128x2048xi32>
      %add3A_45 = arith.addi %add3A_36, %xor3A_44 : vector<128x2048xi32>
      %shift_left3A_46 = arith.constant 6 : i32
      %shift_left3A_47 = vector.broadcast %shift_left3A_46 : i32 to vector<128x2048xi32>
      %shift_left3A_48 = arith.shli %xor3A_44, %shift_left3A_47 : vector<128x2048xi32>
      %shift_right_logical3A_49 = arith.constant 26 : i32
      %shift_right_logical3A_50 = vector.broadcast %shift_right_logical3A_49 : i32 to vector<128x2048xi32>
      %shift_right_logical3A_51 = arith.shrui %xor3A_44, %shift_right_logical3A_50 : vector<128x2048xi32>
      %or3A_52 = arith.ori %shift_left3A_48, %shift_right_logical3A_51 : vector<128x2048xi32>
      %xor3A_53 = arith.xori %or3A_52, %add3A_45 : vector<128x2048xi32>
      %add3A_54 = arith.constant 42 : i32
      %add3A_55 = vector.broadcast %add3A_54 : i32 to vector<128x2048xi32>
      %add3A_56 = arith.addi %add3A_45, %add3A_55 : vector<128x2048xi32>
      %add3A_57 = arith.constant 466689009 : i32
      %add3A_58 = vector.broadcast %add3A_57 : i32 to vector<128x2048xi32>
      %add3A_59 = arith.addi %xor3A_53, %add3A_58 : vector<128x2048xi32>
      %add3A_60 = arith.addi %add3A_56, %add3A_59 : vector<128x2048xi32>
      %shift_left3A_61 = arith.constant 17 : i32
      %shift_left3A_62 = vector.broadcast %shift_left3A_61 : i32 to vector<128x2048xi32>
      %shift_left3A_63 = arith.shli %add3A_59, %shift_left3A_62 : vector<128x2048xi32>
      %shift_right_logical3A_64 = arith.constant 15 : i32
      %shift_right_logical3A_65 = vector.broadcast %shift_right_logical3A_64 : i32 to vector<128x2048xi32>
      %shift_right_logical3A_66 = arith.shrui %add3A_59, %shift_right_logical3A_65 : vector<128x2048xi32>
      %or3A_67 = arith.ori %shift_left3A_63, %shift_right_logical3A_66 : vector<128x2048xi32>
      %xor3A_68 = arith.xori %or3A_67, %add3A_60 : vector<128x2048xi32>
      %add3A_69 = arith.addi %add3A_60, %xor3A_68 : vector<128x2048xi32>
      %shift_left3A_70 = arith.constant 29 : i32
      %shift_left3A_71 = vector.broadcast %shift_left3A_70 : i32 to vector<128x2048xi32>
      %shift_left3A_72 = arith.shli %xor3A_68, %shift_left3A_71 : vector<128x2048xi32>
      %shift_right_logical3A_73 = arith.constant 3 : i32
      %shift_right_logical3A_74 = vector.broadcast %shift_right_logical3A_73 : i32 to vector<128x2048xi32>
      %shift_right_logical3A_75 = arith.shrui %xor3A_68, %shift_right_logical3A_74 : vector<128x2048xi32>
      %or3A_76 = arith.ori %shift_left3A_72, %shift_right_logical3A_75 : vector<128x2048xi32>
      %xor3A_77 = arith.xori %or3A_76, %add3A_69 : vector<128x2048xi32>
      %add3A_78 = arith.addi %add3A_69, %xor3A_77 : vector<128x2048xi32>
      %shift_left3A_79 = arith.constant 16 : i32
      %shift_left3A_80 = vector.broadcast %shift_left3A_79 : i32 to vector<128x2048xi32>
      %shift_left3A_81 = arith.shli %xor3A_77, %shift_left3A_80 : vector<128x2048xi32>
      %shift_right_logical3A_82 = arith.constant 16 : i32
      %shift_right_logical3A_83 = vector.broadcast %shift_right_logical3A_82 : i32 to vector<128x2048xi32>
      %shift_right_logical3A_84 = arith.shrui %xor3A_77, %shift_right_logical3A_83 : vector<128x2048xi32>
      %or3A_85 = arith.ori %shift_left3A_81, %shift_right_logical3A_84 : vector<128x2048xi32>
      %xor3A_86 = arith.xori %or3A_85, %add3A_78 : vector<128x2048xi32>
      %add3A_87 = arith.addi %add3A_78, %xor3A_86 : vector<128x2048xi32>
      %shift_left3A_88 = arith.constant 24 : i32
      %shift_left3A_89 = vector.broadcast %shift_left3A_88 : i32 to vector<128x2048xi32>
      %shift_left3A_90 = arith.shli %xor3A_86, %shift_left3A_89 : vector<128x2048xi32>
      %shift_right_logical3A_91 = arith.constant 8 : i32
      %shift_right_logical3A_92 = vector.broadcast %shift_right_logical3A_91 : i32 to vector<128x2048xi32>
      %shift_right_logical3A_93 = arith.shrui %xor3A_86, %shift_right_logical3A_92 : vector<128x2048xi32>
      %or3A_94 = arith.ori %shift_left3A_90, %shift_right_logical3A_93 : vector<128x2048xi32>
      %xor3A_95 = arith.xori %or3A_94, %add3A_87 : vector<128x2048xi32>
      %add3A_96 = arith.constant 466689008 : i32
      %add3A_97 = vector.broadcast %add3A_96 : i32 to vector<128x2048xi32>
      %add3A_98 = arith.addi %add3A_87, %add3A_97 : vector<128x2048xi32>
      %add3A_99 = arith.constant 2 : i32
      %add3A_100 = vector.broadcast %add3A_99 : i32 to vector<128x2048xi32>
      %add3A_101 = arith.addi %xor3A_95, %add3A_100 : vector<128x2048xi32>
      %add3A_102 = arith.addi %add3A_98, %add3A_101 : vector<128x2048xi32>
      %shift_left3A_103 = arith.constant 13 : i32
      %shift_left3A_104 = vector.broadcast %shift_left3A_103 : i32 to vector<128x2048xi32>
      %shift_left3A_105 = arith.shli %add3A_101, %shift_left3A_104 : vector<128x2048xi32>
      %shift_right_logical3A_106 = arith.constant 19 : i32
      %shift_right_logical3A_107 = vector.broadcast %shift_right_logical3A_106 : i32 to vector<128x2048xi32>
      %shift_right_logical3A_108 = arith.shrui %add3A_101, %shift_right_logical3A_107 : vector<128x2048xi32>
      %or3A_109 = arith.ori %shift_left3A_105, %shift_right_logical3A_108 : vector<128x2048xi32>
      %xor3A_110 = arith.xori %or3A_109, %add3A_102 : vector<128x2048xi32>
      %add3A_111 = arith.addi %add3A_102, %xor3A_110 : vector<128x2048xi32>
      %shift_left3A_112 = arith.constant 15 : i32
      %shift_left3A_113 = vector.broadcast %shift_left3A_112 : i32 to vector<128x2048xi32>
      %shift_left3A_114 = arith.shli %xor3A_110, %shift_left3A_113 : vector<128x2048xi32>
      %shift_right_logical3A_115 = arith.constant 17 : i32
      %shift_right_logical3A_116 = vector.broadcast %shift_right_logical3A_115 : i32 to vector<128x2048xi32>
      %shift_right_logical3A_117 = arith.shrui %xor3A_110, %shift_right_logical3A_116 : vector<128x2048xi32>
      %or3A_118 = arith.ori %shift_left3A_114, %shift_right_logical3A_117 : vector<128x2048xi32>
      %xor3A_119 = arith.xori %or3A_118, %add3A_111 : vector<128x2048xi32>
      %add3A_120 = arith.addi %add3A_111, %xor3A_119 : vector<128x2048xi32>
      %shift_left3A_121 = arith.constant 26 : i32
      %shift_left3A_122 = vector.broadcast %shift_left3A_121 : i32 to vector<128x2048xi32>
      %shift_left3A_123 = arith.shli %xor3A_119, %shift_left3A_122 : vector<128x2048xi32>
      %shift_right_logical3A_124 = arith.constant 6 : i32
      %shift_right_logical3A_125 = vector.broadcast %shift_right_logical3A_124 : i32 to vector<128x2048xi32>
      %shift_right_logical3A_126 = arith.shrui %xor3A_119, %shift_right_logical3A_125 : vector<128x2048xi32>
      %or3A_127 = arith.ori %shift_left3A_123, %shift_right_logical3A_126 : vector<128x2048xi32>
      %xor3A_128 = arith.xori %or3A_127, %add3A_120 : vector<128x2048xi32>
      %add3A_129 = arith.addi %add3A_120, %xor3A_128 : vector<128x2048xi32>
      %shift_left3A_130 = arith.constant 6 : i32
      %shift_left3A_131 = vector.broadcast %shift_left3A_130 : i32 to vector<128x2048xi32>
      %shift_left3A_132 = arith.shli %xor3A_128, %shift_left3A_131 : vector<128x2048xi32>
      %shift_right_logical3A_133 = arith.constant 26 : i32
      %shift_right_logical3A_134 = vector.broadcast %shift_right_logical3A_133 : i32 to vector<128x2048xi32>
      %shift_right_logical3A_135 = arith.shrui %xor3A_128, %shift_right_logical3A_134 : vector<128x2048xi32>
      %or3A_136 = arith.ori %shift_left3A_132, %shift_right_logical3A_135 : vector<128x2048xi32>
      %xor3A_137 = arith.xori %or3A_136, %add3A_129 : vector<128x2048xi32>
      %add3A_138 = arith.constant 0 : i32
      %add3A_139 = vector.broadcast %add3A_138 : i32 to vector<128x2048xi32>
      %add3A_140 = arith.addi %add3A_129, %add3A_139 : vector<128x2048xi32>
      %add3A_141 = arith.constant 45 : i32
      %add3A_142 = vector.broadcast %add3A_141 : i32 to vector<128x2048xi32>
      %add3A_143 = arith.addi %xor3A_137, %add3A_142 : vector<128x2048xi32>
      %add3A_144 = arith.addi %add3A_140, %add3A_143 : vector<128x2048xi32>
      %shift_left3A_145 = arith.constant 17 : i32
      %shift_left3A_146 = vector.broadcast %shift_left3A_145 : i32 to vector<128x2048xi32>
      %shift_left3A_147 = arith.shli %add3A_143, %shift_left3A_146 : vector<128x2048xi32>
      %shift_right_logical3A_148 = arith.constant 15 : i32
      %shift_right_logical3A_149 = vector.broadcast %shift_right_logical3A_148 : i32 to vector<128x2048xi32>
      %shift_right_logical3A_150 = arith.shrui %add3A_143, %shift_right_logical3A_149 : vector<128x2048xi32>
      %or3A_151 = arith.ori %shift_left3A_147, %shift_right_logical3A_150 : vector<128x2048xi32>
      %xor3A_152 = arith.xori %or3A_151, %add3A_144 : vector<128x2048xi32>
      %add3A_153 = arith.addi %add3A_144, %xor3A_152 : vector<128x2048xi32>
      %shift_left3A_154 = arith.constant 29 : i32
      %shift_left3A_155 = vector.broadcast %shift_left3A_154 : i32 to vector<128x2048xi32>
      %shift_left3A_156 = arith.shli %xor3A_152, %shift_left3A_155 : vector<128x2048xi32>
      %shift_right_logical3A_157 = arith.constant 3 : i32
      %shift_right_logical3A_158 = vector.broadcast %shift_right_logical3A_157 : i32 to vector<128x2048xi32>
      %shift_right_logical3A_159 = arith.shrui %xor3A_152, %shift_right_logical3A_158 : vector<128x2048xi32>
      %or3A_160 = arith.ori %shift_left3A_156, %shift_right_logical3A_159 : vector<128x2048xi32>
      %xor3A_161 = arith.xori %or3A_160, %add3A_153 : vector<128x2048xi32>
      %add3A_162 = arith.addi %add3A_153, %xor3A_161 : vector<128x2048xi32>
      %shift_left3A_163 = arith.constant 16 : i32
      %shift_left3A_164 = vector.broadcast %shift_left3A_163 : i32 to vector<128x2048xi32>
      %shift_left3A_165 = arith.shli %xor3A_161, %shift_left3A_164 : vector<128x2048xi32>
      %shift_right_logical3A_166 = arith.constant 16 : i32
      %shift_right_logical3A_167 = vector.broadcast %shift_right_logical3A_166 : i32 to vector<128x2048xi32>
      %shift_right_logical3A_168 = arith.shrui %xor3A_161, %shift_right_logical3A_167 : vector<128x2048xi32>
      %or3A_169 = arith.ori %shift_left3A_165, %shift_right_logical3A_168 : vector<128x2048xi32>
      %xor3A_170 = arith.xori %or3A_169, %add3A_162 : vector<128x2048xi32>
      %add3A_171 = arith.addi %add3A_162, %xor3A_170 : vector<128x2048xi32>
      %shift_left3A_172 = arith.constant 24 : i32
      %shift_left3A_173 = vector.broadcast %shift_left3A_172 : i32 to vector<128x2048xi32>
      %shift_left3A_174 = arith.shli %xor3A_170, %shift_left3A_173 : vector<128x2048xi32>
      %shift_right_logical3A_175 = arith.constant 8 : i32
      %shift_right_logical3A_176 = vector.broadcast %shift_right_logical3A_175 : i32 to vector<128x2048xi32>
      %shift_right_logical3A_177 = arith.shrui %xor3A_170, %shift_right_logical3A_176 : vector<128x2048xi32>
      %or3A_178 = arith.ori %shift_left3A_174, %shift_right_logical3A_177 : vector<128x2048xi32>
      %xor3A_179 = arith.xori %or3A_178, %add3A_171 : vector<128x2048xi32>
      %add3A_180 = arith.constant 42 : i32
      %add3A_181 = vector.broadcast %add3A_180 : i32 to vector<128x2048xi32>
      %add3A_182 = arith.addi %add3A_171, %add3A_181 : vector<128x2048xi32>
      %add3A_183 = arith.constant 466689012 : i32
      %add3A_184 = vector.broadcast %add3A_183 : i32 to vector<128x2048xi32>
      %add3A_185 = arith.addi %xor3A_179, %add3A_184 : vector<128x2048xi32>
      %add3A_186 = arith.addi %add3A_182, %add3A_185 : vector<128x2048xi32>
      %shift_left3A_187 = arith.constant 13 : i32
      %shift_left3A_188 = vector.broadcast %shift_left3A_187 : i32 to vector<128x2048xi32>
      %shift_left3A_189 = arith.shli %add3A_185, %shift_left3A_188 : vector<128x2048xi32>
      %shift_right_logical3A_190 = arith.constant 19 : i32
      %shift_right_logical3A_191 = vector.broadcast %shift_right_logical3A_190 : i32 to vector<128x2048xi32>
      %shift_right_logical3A_192 = arith.shrui %add3A_185, %shift_right_logical3A_191 : vector<128x2048xi32>
      %or3A_193 = arith.ori %shift_left3A_189, %shift_right_logical3A_192 : vector<128x2048xi32>
      %xor3A_194 = arith.xori %or3A_193, %add3A_186 : vector<128x2048xi32>
      %add3A_195 = arith.addi %add3A_186, %xor3A_194 : vector<128x2048xi32>
      %shift_left3A_196 = arith.constant 15 : i32
      %shift_left3A_197 = vector.broadcast %shift_left3A_196 : i32 to vector<128x2048xi32>
      %shift_left3A_198 = arith.shli %xor3A_194, %shift_left3A_197 : vector<128x2048xi32>
      %shift_right_logical3A_199 = arith.constant 17 : i32
      %shift_right_logical3A_200 = vector.broadcast %shift_right_logical3A_199 : i32 to vector<128x2048xi32>
      %shift_right_logical3A_201 = arith.shrui %xor3A_194, %shift_right_logical3A_200 : vector<128x2048xi32>
      %or3A_202 = arith.ori %shift_left3A_198, %shift_right_logical3A_201 : vector<128x2048xi32>
      %xor3A_203 = arith.xori %or3A_202, %add3A_195 : vector<128x2048xi32>
      %add3A_204 = arith.addi %add3A_195, %xor3A_203 : vector<128x2048xi32>
      %shift_left3A_205 = arith.constant 26 : i32
      %shift_left3A_206 = vector.broadcast %shift_left3A_205 : i32 to vector<128x2048xi32>
      %shift_left3A_207 = arith.shli %xor3A_203, %shift_left3A_206 : vector<128x2048xi32>
      %shift_right_logical3A_208 = arith.constant 6 : i32
      %shift_right_logical3A_209 = vector.broadcast %shift_right_logical3A_208 : i32 to vector<128x2048xi32>
      %shift_right_logical3A_210 = arith.shrui %xor3A_203, %shift_right_logical3A_209 : vector<128x2048xi32>
      %or3A_211 = arith.ori %shift_left3A_207, %shift_right_logical3A_210 : vector<128x2048xi32>
      %xor3A_212 = arith.xori %or3A_211, %add3A_204 : vector<128x2048xi32>
      %add3A_213 = arith.addi %add3A_204, %xor3A_212 : vector<128x2048xi32>
      %shift_left3A_214 = arith.constant 6 : i32
      %shift_left3A_215 = vector.broadcast %shift_left3A_214 : i32 to vector<128x2048xi32>
      %shift_left3A_216 = arith.shli %xor3A_212, %shift_left3A_215 : vector<128x2048xi32>
      %shift_right_logical3A_217 = arith.constant 26 : i32
      %shift_right_logical3A_218 = vector.broadcast %shift_right_logical3A_217 : i32 to vector<128x2048xi32>
      %shift_right_logical3A_219 = arith.shrui %xor3A_212, %shift_right_logical3A_218 : vector<128x2048xi32>
      %or3A_220 = arith.ori %shift_left3A_216, %shift_right_logical3A_219 : vector<128x2048xi32>
      %xor3A_221 = arith.xori %or3A_220, %add3A_213 : vector<128x2048xi32>
      %add3A_222 = arith.constant 466689008 : i32
      %add3A_223 = vector.broadcast %add3A_222 : i32 to vector<128x2048xi32>
      %add3A_224 = arith.addi %add3A_213, %add3A_223 : vector<128x2048xi32>
      %add3A_225 = arith.constant 5 : i32
      %add3A_226 = vector.broadcast %add3A_225 : i32 to vector<128x2048xi32>
      %add3A_227 = arith.addi %xor3A_221, %add3A_226 : vector<128x2048xi32>
      %xor3A_228 = arith.xori %add3A_224, %add3A_227 : vector<128x2048xi32>
      %shift_right_logical3A_229 = arith.constant 9 : i32
      %shift_right_logical3A_230 = vector.broadcast %shift_right_logical3A_229 : i32 to vector<128x2048xi32>
      %shift_right_logical3A_231 = arith.shrui %xor3A_228, %shift_right_logical3A_230 : vector<128x2048xi32>
      %or3A_232 = arith.constant 1065353216 : i32
      %or3A_233 = vector.broadcast %or3A_232 : i32 to vector<128x2048xi32>
      %or3A_234 = arith.ori %shift_right_logical3A_231, %or3A_233 : vector<128x2048xi32>
      %bitcast_convert_type3A = tpu.bitcast %or3A_234 : vector<128x2048xi32> -> vector<128x2048xf32>
      %sub3A = arith.constant 1.000000e+00 : f32
      %sub3A_235 = vector.broadcast %sub3A : f32 to vector<128x2048xf32>
      %sub3A_236 = arith.subf %bitcast_convert_type3A, %sub3A_235 : vector<128x2048xf32>
      %max3A = arith.constant 1.17549435E-38 : f32
      %max3A_237 = vector.broadcast %max3A : f32 to vector<128x2048xf32>
      %max3A_238 = arith.maximumf %sub3A_236, %max3A_237 : vector<128x2048xf32>
      %log3A = math.log %max3A_238 : vector<128x2048xf32>
      %neg3A = arith.constant 0.000000e+00 : f32
      %neg3A_239 = vector.broadcast %neg3A : f32 to vector<128x2048xf32>
      %neg3A_240 = arith.subf %neg3A_239, %log3A : vector<128x2048xf32>
      %log3A_241 = math.log %neg3A_240 : vector<128x2048xf32>
      %neg3A_242 = arith.constant 0.000000e+00 : f32
      %neg3A_243 = vector.broadcast %neg3A_242 : f32 to vector<128x2048xf32>
      %neg3A_244 = arith.subf %neg3A_243, %log3A_241 : vector<128x2048xf32>
      %get3A = arith.constant 0 : index
      %get3A_245 = arith.constant 0 : index
      %get3A_246 = vector.load %arg1[%get3A, %get3A_245] : memref<2048x128xf32, #tpu.memory_space<vmem>>, vector<2048x128xf32>
      %transpose3A = tpu.transpose %get3A_246, [1, 0] : vector<2048x128xf32> -> vector<128x2048xf32>
      %add3A_247 = arith.addf %neg3A_244, %transpose3A : vector<128x2048xf32>
      %lt3A_248 = arith.constant 100000 : i32
      %lt3A_249 = vector.broadcast %lt3A_248 : i32 to vector<128x2048xi32>
      %lt3A_250 = arith.cmpi slt, %add3A_3, %lt3A_249 : vector<128x2048xi32>
      %jit3A = arith.constant 0xFF800000 : f32
      %broadcast_in_dim3A = vector.broadcast %jit3A : f32 to vector<128x2048xf32>
      %select_n3A = arith.select %lt3A_250, %add3A_247, %broadcast_in_dim3A : vector<128x2048xi1>, vector<128x2048xf32>
      %reduce_max3A = arith.constant dense<0xFF800000> : vector<128xf32>
      %reduce_max3A_251 = vector.multi_reduction <maximumf>, %select_n3A, %reduce_max3A [1] : vector<128x2048xf32> to vector<128xf32>
      %broadcast_in_dim3A_252 = vector.shape_cast %reduce_max3A_251 : vector<128xf32> to vector<128x1xf32>
      %eq3A_253 = vector.broadcast %broadcast_in_dim3A_252 : vector<128x1xf32> to vector<128x2048xf32>
      %eq3A_254 = arith.cmpf oeq, %select_n3A, %eq3A_253 : vector<128x2048xf32>
      %jit3A_255 = arith.constant 2147483647 : i32
      %broadcast_in_dim3A_256 = vector.broadcast %jit3A_255 : i32 to vector<128x2048xi32>
      %select_n3A_257 = arith.select %eq3A_254, %add3A_3, %broadcast_in_dim3A_256 : vector<128x2048xi1>, vector<128x2048xi32>
      %reduce_min3A = arith.constant dense<2147483647> : vector<128xi32>
      %reduce_min3A_258 = vector.multi_reduction <minsi>, %select_n3A_257, %reduce_min3A [1] : vector<128x2048xi32> to vector<128xi32>
      %broadcast_in_dim3A_259 = vector.shape_cast %reduce_min3A_258 : vector<128xi32> to vector<128x1xi32>
      %get3A_260 = arith.constant 0 : index
      %get3A_261 = arith.constant 0 : index
      %get3A_262 = vector.load %arg5[%get3A_260, %get3A_261] : memref<128x1xf32, #tpu.memory_space<vmem>>, vector<128x1xf32>
      %gt3A = arith.cmpf ogt, %broadcast_in_dim3A_252, %get3A_262 : vector<128x1xf32>
      %get3A_263 = arith.constant 0 : index
      %get3A_264 = arith.constant 0 : index
      %get3A_265 = vector.load %arg5[%get3A_263, %get3A_264] : memref<128x1xf32, #tpu.memory_space<vmem>>, vector<128x1xf32>
      %select_n3A_266 = arith.select %gt3A, %broadcast_in_dim3A_252, %get3A_265 : vector<128x1xi1>, vector<128x1xf32>
      %swap3A = arith.constant 0 : index
      %swap3A_267 = arith.constant 0 : index
      %swap3A_268 = vector.load %arg5[%swap3A, %swap3A_267] : memref<128x1xf32, #tpu.memory_space<vmem>>, vector<128x1xf32>
      tpu.vector_store %arg5[%swap3A, %swap3A_267], %select_n3A_266 {strides = array<i32>} : memref<128x1xf32, #tpu.memory_space<vmem>>, vector<128x1xf32>,
      %get3A_269 = arith.constant 0 : index
      %get3A_270 = arith.constant 0 : index
      %get3A_271 = vector.load %arg6[%get3A_269, %get3A_270] : memref<128x1xi32, #tpu.memory_space<vmem>>, vector<128x1xi32>
      %select_n3A_272 = arith.select %gt3A, %broadcast_in_dim3A_259, %get3A_271 : vector<128x1xi1>, vector<128x1xi32>
      %swap3A_273 = arith.constant 0 : index
      %swap3A_274 = arith.constant 0 : index
      %swap3A_275 = vector.load %arg6[%swap3A_273, %swap3A_274] : memref<128x1xi32, #tpu.memory_space<vmem>>, vector<128x1xi32>
      tpu.vector_store %arg6[%swap3A_273, %swap3A_274], %select_n3A_272 {strides = array<i32>} : memref<128x1xi32, #tpu.memory_space<vmem>>, vector<128x1xi32>,
    } else {
    }
    return
  }
  func.func @transform_0(%arg0: i32) -> (i32, i32) {
    %add3A = arith.constant 35 : i32
    %add3A_0 = arith.addi %arg0, %add3A : i32
    %c0_i32 = arith.constant 0 : i32
    %c0_i32_1 = arith.constant 0 : i32
    return %add3A_0, %c0_i32 : i32, i32
  }
  func.func @transform_1(%arg0: i32) -> (i32, i32) {
    %min3A = arith.constant 12 : i32
    %min3A_0 = arith.minsi %arg0, %min3A : i32
    %c0_i32 = arith.constant 0 : i32
    %c0_i32_1 = arith.constant 0 : i32
    return %min3A_0, %c0_i32 : i32, i32
  }
  func.func @transform_2(%arg0: i32) -> (i32, i32) {
    %c0_i32 = arith.constant 0 : i32
    %c0_i32_0 = arith.constant 0 : i32
    %c0_i32_1 = arith.constant 0 : i32
    return %c0_i32, %c0_i32_0 : i32, i32
  }
  func.func @transform_3(%arg0: i32) -> (i32, i32) {
    %c0_i32 = arith.constant 0 : i32
    %c0_i32_0 = arith.constant 0 : i32
    %c0_i32_1 = arith.constant 0 : i32
    return %c0_i32, %c0_i32_0 : i32, i32
  }
  func.func @transform_4(%arg0: i32) -> (i32, i32) {
    %c0_i32 = arith.constant 0 : i32
    %c0_i32_0 = arith.constant 0 : i32
    %c0_i32_1 = arith.constant 0 : i32
    return %c0_i32, %c0_i32_0 : i32, i32
  }
  func.func @transform_5(%arg0: i32) -> (i32, i32) {
    %c0_i32 = arith.constant 0 : i32
    %c0_i32_0 = arith.constant 0 : i32
    %c0_i32_1 = arith.constant 0 : i32
    return %c0_i32, %c0_i32_0 : i32, i32
  }
}

module attributes {stable_mosaic.version = 14 : i64} {
  func.func @_main_kernel(%arg0: i32, %arg1: memref<2048x128xf32, #tpu.memory_space<vmem>>, %arg2: memref<128x1xf32, #tpu.memory_space<vmem>>, %arg3: memref<128x1xi32, #tpu.memory_space<vmem>>) attributes {dimension_semantics = [#tpu.dimension_semantics<arbitrary>], iteration_bounds = array<i64: 35>, scalar_prefetch = 0 : i64, scratch_operands = 0 : i64, tpu.core_type = #tpu.core_type<tc>, window_params = [{transform_indices = @transform_0, window_bounds = array<i64: 2048, 128>}, {pipeline_mode = #tpu.pipeline_mode<synchronous>, transform_indices = @transform_1, window_bounds = array<i64: 128, 1>}, {pipeline_mode = #tpu.pipeline_mode<synchronous>, transform_indices = @transform_2, window_bounds = array<i64: 128, 1>}]} {
    %iota3A = tpu.iota {dimensions = array<i32: 0>} : vector<128x2048xi32>
    %iota3A_0 = tpu.iota {dimensions = array<i32: 1>} : vector<128x2048xi32>
    %mul3A = arith.constant 2048 : i32
    %mul3A_1 = arith.muli %arg0, %mul3A : i32
    %add3A = vector.broadcast %mul3A_1 : i32 to vector<128x2048xi32>
    %add3A_2 = arith.addi %iota3A_0, %add3A : vector<128x2048xi32>
    %mul3A_3 = arith.constant 100000 : i32
    %mul3A_4 = vector.broadcast %mul3A_3 : i32 to vector<128x2048xi32>
    %mul3A_5 = arith.muli %iota3A, %mul3A_4 : vector<128x2048xi32>
    %add3A_6 = arith.constant 42 : i32
    %add3A_7 = vector.broadcast %add3A_6 : i32 to vector<128x2048xi32>
    %add3A_8 = arith.addi %mul3A_5, %add3A_7 : vector<128x2048xi32>
    %add3A_9 = arith.addi %add3A_8, %add3A_2 : vector<128x2048xi32>
    %shift_left3A = arith.constant 13 : i32
    %shift_left3A_10 = vector.broadcast %shift_left3A : i32 to vector<128x2048xi32>
    %shift_left3A_11 = arith.shli %add3A_9, %shift_left3A_10 : vector<128x2048xi32>
    %shift_right_logical3A = arith.constant 19 : i32
    %shift_right_logical3A_12 = vector.broadcast %shift_right_logical3A : i32 to vector<128x2048xi32>
    %shift_right_logical3A_13 = arith.shrui %add3A_9, %shift_right_logical3A_12 : vector<128x2048xi32>
    %or3A = arith.ori %shift_left3A_11, %shift_right_logical3A_13 : vector<128x2048xi32>
    %xor3A = arith.xori %or3A, %add3A_9 : vector<128x2048xi32>
    %add3A_14 = arith.addi %add3A_9, %xor3A : vector<128x2048xi32>
    %shift_left3A_15 = arith.constant 15 : i32
    %shift_left3A_16 = vector.broadcast %shift_left3A_15 : i32 to vector<128x2048xi32>
    %shift_left3A_17 = arith.shli %xor3A, %shift_left3A_16 : vector<128x2048xi32>
    %shift_right_logical3A_18 = arith.constant 17 : i32
    %shift_right_logical3A_19 = vector.broadcast %shift_right_logical3A_18 : i32 to vector<128x2048xi32>
    %shift_right_logical3A_20 = arith.shrui %xor3A, %shift_right_logical3A_19 : vector<128x2048xi32>
    %or3A_21 = arith.ori %shift_left3A_17, %shift_right_logical3A_20 : vector<128x2048xi32>
    %xor3A_22 = arith.xori %or3A_21, %add3A_14 : vector<128x2048xi32>
    %add3A_23 = arith.addi %add3A_14, %xor3A_22 : vector<128x2048xi32>
    %shift_left3A_24 = arith.constant 26 : i32
    %shift_left3A_25 = vector.broadcast %shift_left3A_24 : i32 to vector<128x2048xi32>
    %shift_left3A_26 = arith.shli %xor3A_22, %shift_left3A_25 : vector<128x2048xi32>
    %shift_right_logical3A_27 = arith.constant 6 : i32
    %shift_right_logical3A_28 = vector.broadcast %shift_right_logical3A_27 : i32 to vector<128x2048xi32>
    %shift_right_logical3A_29 = arith.shrui %xor3A_22, %shift_right_logical3A_28 : vector<128x2048xi32>
    %or3A_30 = arith.ori %shift_left3A_26, %shift_right_logical3A_29 : vector<128x2048xi32>
    %xor3A_31 = arith.xori %or3A_30, %add3A_23 : vector<128x2048xi32>
    %add3A_32 = arith.addi %add3A_23, %xor3A_31 : vector<128x2048xi32>
    %shift_left3A_33 = arith.constant 6 : i32
    %shift_left3A_34 = vector.broadcast %shift_left3A_33 : i32 to vector<128x2048xi32>
    %shift_left3A_35 = arith.shli %xor3A_31, %shift_left3A_34 : vector<128x2048xi32>
    %shift_right_logical3A_36 = arith.constant 26 : i32
    %shift_right_logical3A_37 = vector.broadcast %shift_right_logical3A_36 : i32 to vector<128x2048xi32>
    %shift_right_logical3A_38 = arith.shrui %xor3A_31, %shift_right_logical3A_37 : vector<128x2048xi32>
    %or3A_39 = arith.ori %shift_left3A_35, %shift_right_logical3A_38 : vector<128x2048xi32>
    %xor3A_40 = arith.xori %or3A_39, %add3A_32 : vector<128x2048xi32>
    %add3A_41 = arith.constant 42 : i32
    %add3A_42 = vector.broadcast %add3A_41 : i32 to vector<128x2048xi32>
    %add3A_43 = arith.addi %add3A_32, %add3A_42 : vector<128x2048xi32>
    %add3A_44 = arith.constant 466689009 : i32
    %add3A_45 = vector.broadcast %add3A_44 : i32 to vector<128x2048xi32>
    %add3A_46 = arith.addi %xor3A_40, %add3A_45 : vector<128x2048xi32>
    %add3A_47 = arith.addi %add3A_43, %add3A_46 : vector<128x2048xi32>
    %shift_left3A_48 = arith.constant 17 : i32
    %shift_left3A_49 = vector.broadcast %shift_left3A_48 : i32 to vector<128x2048xi32>
    %shift_left3A_50 = arith.shli %add3A_46, %shift_left3A_49 : vector<128x2048xi32>
    %shift_right_logical3A_51 = arith.constant 15 : i32
    %shift_right_logical3A_52 = vector.broadcast %shift_right_logical3A_51 : i32 to vector<128x2048xi32>
    %shift_right_logical3A_53 = arith.shrui %add3A_46, %shift_right_logical3A_52 : vector<128x2048xi32>
    %or3A_54 = arith.ori %shift_left3A_50, %shift_right_logical3A_53 : vector<128x2048xi32>
    %xor3A_55 = arith.xori %or3A_54, %add3A_47 : vector<128x2048xi32>
    %add3A_56 = arith.addi %add3A_47, %xor3A_55 : vector<128x2048xi32>
    %shift_left3A_57 = arith.constant 29 : i32
    %shift_left3A_58 = vector.broadcast %shift_left3A_57 : i32 to vector<128x2048xi32>
    %shift_left3A_59 = arith.shli %xor3A_55, %shift_left3A_58 : vector<128x2048xi32>
    %shift_right_logical3A_60 = arith.constant 3 : i32
    %shift_right_logical3A_61 = vector.broadcast %shift_right_logical3A_60 : i32 to vector<128x2048xi32>
    %shift_right_logical3A_62 = arith.shrui %xor3A_55, %shift_right_logical3A_61 : vector<128x2048xi32>
    %or3A_63 = arith.ori %shift_left3A_59, %shift_right_logical3A_62 : vector<128x2048xi32>
    %xor3A_64 = arith.xori %or3A_63, %add3A_56 : vector<128x2048xi32>
    %add3A_65 = arith.addi %add3A_56, %xor3A_64 : vector<128x2048xi32>
    %shift_left3A_66 = arith.constant 16 : i32
    %shift_left3A_67 = vector.broadcast %shift_left3A_66 : i32 to vector<128x2048xi32>
    %shift_left3A_68 = arith.shli %xor3A_64, %shift_left3A_67 : vector<128x2048xi32>
    %shift_right_logical3A_69 = arith.constant 16 : i32
    %shift_right_logical3A_70 = vector.broadcast %shift_right_logical3A_69 : i32 to vector<128x2048xi32>
    %shift_right_logical3A_71 = arith.shrui %xor3A_64, %shift_right_logical3A_70 : vector<128x2048xi32>
    %or3A_72 = arith.ori %shift_left3A_68, %shift_right_logical3A_71 : vector<128x2048xi32>
    %xor3A_73 = arith.xori %or3A_72, %add3A_65 : vector<128x2048xi32>
    %add3A_74 = arith.addi %add3A_65, %xor3A_73 : vector<128x2048xi32>
    %shift_left3A_75 = arith.constant 24 : i32
    %shift_left3A_76 = vector.broadcast %shift_left3A_75 : i32 to vector<128x2048xi32>
    %shift_left3A_77 = arith.shli %xor3A_73, %shift_left3A_76 : vector<128x2048xi32>
    %shift_right_logical3A_78 = arith.constant 8 : i32
    %shift_right_logical3A_79 = vector.broadcast %shift_right_logical3A_78 : i32 to vector<128x2048xi32>
    %shift_right_logical3A_80 = arith.shrui %xor3A_73, %shift_right_logical3A_79 : vector<128x2048xi32>
    %or3A_81 = arith.ori %shift_left3A_77, %shift_right_logical3A_80 : vector<128x2048xi32>
    %xor3A_82 = arith.xori %or3A_81, %add3A_74 : vector<128x2048xi32>
    %add3A_83 = arith.constant 466689008 : i32
    %add3A_84 = vector.broadcast %add3A_83 : i32 to vector<128x2048xi32>
    %add3A_85 = arith.addi %add3A_74, %add3A_84 : vector<128x2048xi32>
    %add3A_86 = arith.constant 2 : i32
    %add3A_87 = vector.broadcast %add3A_86 : i32 to vector<128x2048xi32>
    %add3A_88 = arith.addi %xor3A_82, %add3A_87 : vector<128x2048xi32>
    %add3A_89 = arith.addi %add3A_85, %add3A_88 : vector<128x2048xi32>
    %shift_left3A_90 = arith.constant 13 : i32
    %shift_left3A_91 = vector.broadcast %shift_left3A_90 : i32 to vector<128x2048xi32>
    %shift_left3A_92 = arith.shli %add3A_88, %shift_left3A_91 : vector<128x2048xi32>
    %shift_right_logical3A_93 = arith.constant 19 : i32
    %shift_right_logical3A_94 = vector.broadcast %shift_right_logical3A_93 : i32 to vector<128x2048xi32>
    %shift_right_logical3A_95 = arith.shrui %add3A_88, %shift_right_logical3A_94 : vector<128x2048xi32>
    %or3A_96 = arith.ori %shift_left3A_92, %shift_right_logical3A_95 : vector<128x2048xi32>
    %xor3A_97 = arith.xori %or3A_96, %add3A_89 : vector<128x2048xi32>
    %add3A_98 = arith.addi %add3A_89, %xor3A_97 : vector<128x2048xi32>
    %shift_left3A_99 = arith.constant 15 : i32
    %shift_left3A_100 = vector.broadcast %shift_left3A_99 : i32 to vector<128x2048xi32>
    %shift_left3A_101 = arith.shli %xor3A_97, %shift_left3A_100 : vector<128x2048xi32>
    %shift_right_logical3A_102 = arith.constant 17 : i32
    %shift_right_logical3A_103 = vector.broadcast %shift_right_logical3A_102 : i32 to vector<128x2048xi32>
    %shift_right_logical3A_104 = arith.shrui %xor3A_97, %shift_right_logical3A_103 : vector<128x2048xi32>
    %or3A_105 = arith.ori %shift_left3A_101, %shift_right_logical3A_104 : vector<128x2048xi32>
    %xor3A_106 = arith.xori %or3A_105, %add3A_98 : vector<128x2048xi32>
    %add3A_107 = arith.addi %add3A_98, %xor3A_106 : vector<128x2048xi32>
    %shift_left3A_108 = arith.constant 26 : i32
    %shift_left3A_109 = vector.broadcast %shift_left3A_108 : i32 to vector<128x2048xi32>
    %shift_left3A_110 = arith.shli %xor3A_106, %shift_left3A_109 : vector<128x2048xi32>
    %shift_right_logical3A_111 = arith.constant 6 : i32
    %shift_right_logical3A_112 = vector.broadcast %shift_right_logical3A_111 : i32 to vector<128x2048xi32>
    %shift_right_logical3A_113 = arith.shrui %xor3A_106, %shift_right_logical3A_112 : vector<128x2048xi32>
    %or3A_114 = arith.ori %shift_left3A_110, %shift_right_logical3A_113 : vector<128x2048xi32>
    %xor3A_115 = arith.xori %or3A_114, %add3A_107 : vector<128x2048xi32>
    %add3A_116 = arith.addi %add3A_107, %xor3A_115 : vector<128x2048xi32>
    %shift_left3A_117 = arith.constant 6 : i32
    %shift_left3A_118 = vector.broadcast %shift_left3A_117 : i32 to vector<128x2048xi32>
    %shift_left3A_119 = arith.shli %xor3A_115, %shift_left3A_118 : vector<128x2048xi32>
    %shift_right_logical3A_120 = arith.constant 26 : i32
    %shift_right_logical3A_121 = vector.broadcast %shift_right_logical3A_120 : i32 to vector<128x2048xi32>
    %shift_right_logical3A_122 = arith.shrui %xor3A_115, %shift_right_logical3A_121 : vector<128x2048xi32>
    %or3A_123 = arith.ori %shift_left3A_119, %shift_right_logical3A_122 : vector<128x2048xi32>
    %xor3A_124 = arith.xori %or3A_123, %add3A_116 : vector<128x2048xi32>
    %add3A_125 = arith.constant 0 : i32
    %add3A_126 = vector.broadcast %add3A_125 : i32 to vector<128x2048xi32>
    %add3A_127 = arith.addi %add3A_116, %add3A_126 : vector<128x2048xi32>
    %add3A_128 = arith.constant 45 : i32
    %add3A_129 = vector.broadcast %add3A_128 : i32 to vector<128x2048xi32>
    %add3A_130 = arith.addi %xor3A_124, %add3A_129 : vector<128x2048xi32>
    %add3A_131 = arith.addi %add3A_127, %add3A_130 : vector<128x2048xi32>
    %shift_left3A_132 = arith.constant 17 : i32
    %shift_left3A_133 = vector.broadcast %shift_left3A_132 : i32 to vector<128x2048xi32>
    %shift_left3A_134 = arith.shli %add3A_130, %shift_left3A_133 : vector<128x2048xi32>
    %shift_right_logical3A_135 = arith.constant 15 : i32
    %shift_right_logical3A_136 = vector.broadcast %shift_right_logical3A_135 : i32 to vector<128x2048xi32>
    %shift_right_logical3A_137 = arith.shrui %add3A_130, %shift_right_logical3A_136 : vector<128x2048xi32>
    %or3A_138 = arith.ori %shift_left3A_134, %shift_right_logical3A_137 : vector<128x2048xi32>
    %xor3A_139 = arith.xori %or3A_138, %add3A_131 : vector<128x2048xi32>
    %add3A_140 = arith.addi %add3A_131, %xor3A_139 : vector<128x2048xi32>
    %shift_left3A_141 = arith.constant 29 : i32
    %shift_left3A_142 = vector.broadcast %shift_left3A_141 : i32 to vector<128x2048xi32>
    %shift_left3A_143 = arith.shli %xor3A_139, %shift_left3A_142 : vector<128x2048xi32>
    %shift_right_logical3A_144 = arith.constant 3 : i32
    %shift_right_logical3A_145 = vector.broadcast %shift_right_logical3A_144 : i32 to vector<128x2048xi32>
    %shift_right_logical3A_146 = arith.shrui %xor3A_139, %shift_right_logical3A_145 : vector<128x2048xi32>
    %or3A_147 = arith.ori %shift_left3A_143, %shift_right_logical3A_146 : vector<128x2048xi32>
    %xor3A_148 = arith.xori %or3A_147, %add3A_140 : vector<128x2048xi32>
    %add3A_149 = arith.addi %add3A_140, %xor3A_148 : vector<128x2048xi32>
    %shift_left3A_150 = arith.constant 16 : i32
    %shift_left3A_151 = vector.broadcast %shift_left3A_150 : i32 to vector<128x2048xi32>
    %shift_left3A_152 = arith.shli %xor3A_148, %shift_left3A_151 : vector<128x2048xi32>
    %shift_right_logical3A_153 = arith.constant 16 : i32
    %shift_right_logical3A_154 = vector.broadcast %shift_right_logical3A_153 : i32 to vector<128x2048xi32>
    %shift_right_logical3A_155 = arith.shrui %xor3A_148, %shift_right_logical3A_154 : vector<128x2048xi32>
    %or3A_156 = arith.ori %shift_left3A_152, %shift_right_logical3A_155 : vector<128x2048xi32>
    %xor3A_157 = arith.xori %or3A_156, %add3A_149 : vector<128x2048xi32>
    %add3A_158 = arith.addi %add3A_149, %xor3A_157 : vector<128x2048xi32>
    %shift_left3A_159 = arith.constant 24 : i32
    %shift_left3A_160 = vector.broadcast %shift_left3A_159 : i32 to vector<128x2048xi32>
    %shift_left3A_161 = arith.shli %xor3A_157, %shift_left3A_160 : vector<128x2048xi32>
    %shift_right_logical3A_162 = arith.constant 8 : i32
    %shift_right_logical3A_163 = vector.broadcast %shift_right_logical3A_162 : i32 to vector<128x2048xi32>
    %shift_right_logical3A_164 = arith.shrui %xor3A_157, %shift_right_logical3A_163 : vector<128x2048xi32>
    %or3A_165 = arith.ori %shift_left3A_161, %shift_right_logical3A_164 : vector<128x2048xi32>
    %xor3A_166 = arith.xori %or3A_165, %add3A_158 : vector<128x2048xi32>
    %add3A_167 = arith.constant 42 : i32
    %add3A_168 = vector.broadcast %add3A_167 : i32 to vector<128x2048xi32>
    %add3A_169 = arith.addi %add3A_158, %add3A_168 : vector<128x2048xi32>
    %add3A_170 = arith.constant 466689012 : i32
    %add3A_171 = vector.broadcast %add3A_170 : i32 to vector<128x2048xi32>
    %add3A_172 = arith.addi %xor3A_166, %add3A_171 : vector<128x2048xi32>
    %add3A_173 = arith.addi %add3A_169, %add3A_172 : vector<128x2048xi32>
    %shift_left3A_174 = arith.constant 13 : i32
    %shift_left3A_175 = vector.broadcast %shift_left3A_174 : i32 to vector<128x2048xi32>
    %shift_left3A_176 = arith.shli %add3A_172, %shift_left3A_175 : vector<128x2048xi32>
    %shift_right_logical3A_177 = arith.constant 19 : i32
    %shift_right_logical3A_178 = vector.broadcast %shift_right_logical3A_177 : i32 to vector<128x2048xi32>
    %shift_right_logical3A_179 = arith.shrui %add3A_172, %shift_right_logical3A_178 : vector<128x2048xi32>
    %or3A_180 = arith.ori %shift_left3A_176, %shift_right_logical3A_179 : vector<128x2048xi32>
    %xor3A_181 = arith.xori %or3A_180, %add3A_173 : vector<128x2048xi32>
    %add3A_182 = arith.addi %add3A_173, %xor3A_181 : vector<128x2048xi32>
    %shift_left3A_183 = arith.constant 15 : i32
    %shift_left3A_184 = vector.broadcast %shift_left3A_183 : i32 to vector<128x2048xi32>
    %shift_left3A_185 = arith.shli %xor3A_181, %shift_left3A_184 : vector<128x2048xi32>
    %shift_right_logical3A_186 = arith.constant 17 : i32
    %shift_right_logical3A_187 = vector.broadcast %shift_right_logical3A_186 : i32 to vector<128x2048xi32>
    %shift_right_logical3A_188 = arith.shrui %xor3A_181, %shift_right_logical3A_187 : vector<128x2048xi32>
    %or3A_189 = arith.ori %shift_left3A_185, %shift_right_logical3A_188 : vector<128x2048xi32>
    %xor3A_190 = arith.xori %or3A_189, %add3A_182 : vector<128x2048xi32>
    %add3A_191 = arith.addi %add3A_182, %xor3A_190 : vector<128x2048xi32>
    %shift_left3A_192 = arith.constant 26 : i32
    %shift_left3A_193 = vector.broadcast %shift_left3A_192 : i32 to vector<128x2048xi32>
    %shift_left3A_194 = arith.shli %xor3A_190, %shift_left3A_193 : vector<128x2048xi32>
    %shift_right_logical3A_195 = arith.constant 6 : i32
    %shift_right_logical3A_196 = vector.broadcast %shift_right_logical3A_195 : i32 to vector<128x2048xi32>
    %shift_right_logical3A_197 = arith.shrui %xor3A_190, %shift_right_logical3A_196 : vector<128x2048xi32>
    %or3A_198 = arith.ori %shift_left3A_194, %shift_right_logical3A_197 : vector<128x2048xi32>
    %xor3A_199 = arith.xori %or3A_198, %add3A_191 : vector<128x2048xi32>
    %add3A_200 = arith.addi %add3A_191, %xor3A_199 : vector<128x2048xi32>
    %shift_left3A_201 = arith.constant 6 : i32
    %shift_left3A_202 = vector.broadcast %shift_left3A_201 : i32 to vector<128x2048xi32>
    %shift_left3A_203 = arith.shli %xor3A_199, %shift_left3A_202 : vector<128x2048xi32>
    %shift_right_logical3A_204 = arith.constant 26 : i32
    %shift_right_logical3A_205 = vector.broadcast %shift_right_logical3A_204 : i32 to vector<128x2048xi32>
    %shift_right_logical3A_206 = arith.shrui %xor3A_199, %shift_right_logical3A_205 : vector<128x2048xi32>
    %or3A_207 = arith.ori %shift_left3A_203, %shift_right_logical3A_206 : vector<128x2048xi32>
    %xor3A_208 = arith.xori %or3A_207, %add3A_200 : vector<128x2048xi32>
    %add3A_209 = arith.constant 466689008 : i32
    %add3A_210 = vector.broadcast %add3A_209 : i32 to vector<128x2048xi32>
    %add3A_211 = arith.addi %add3A_200, %add3A_210 : vector<128x2048xi32>
    %add3A_212 = arith.constant 5 : i32
    %add3A_213 = vector.broadcast %add3A_212 : i32 to vector<128x2048xi32>
    %add3A_214 = arith.addi %xor3A_208, %add3A_213 : vector<128x2048xi32>
    %xor3A_215 = arith.xori %add3A_211, %add3A_214 : vector<128x2048xi32>
    %shift_right_logical3A_216 = arith.constant 9 : i32
    %shift_right_logical3A_217 = vector.broadcast %shift_right_logical3A_216 : i32 to vector<128x2048xi32>
    %shift_right_logical3A_218 = arith.shrui %xor3A_215, %shift_right_logical3A_217 : vector<128x2048xi32>
    %or3A_219 = arith.constant 1065353216 : i32
    %or3A_220 = vector.broadcast %or3A_219 : i32 to vector<128x2048xi32>
    %or3A_221 = arith.ori %shift_right_logical3A_218, %or3A_220 : vector<128x2048xi32>
    %bitcast_convert_type3A = tpu.bitcast %or3A_221 : vector<128x2048xi32> -> vector<128x2048xf32>
    %sub3A = arith.constant 1.000000e+00 : f32
    %sub3A_222 = vector.broadcast %sub3A : f32 to vector<128x2048xf32>
    %sub3A_223 = arith.subf %bitcast_convert_type3A, %sub3A_222 : vector<128x2048xf32>
    %max3A = arith.constant 1.17549435E-38 : f32
    %max3A_224 = vector.broadcast %max3A : f32 to vector<128x2048xf32>
    %max3A_225 = arith.maximumf %sub3A_223, %max3A_224 : vector<128x2048xf32>
    %log3A = math.log %max3A_225 : vector<128x2048xf32>
    %neg3A = arith.constant 0.000000e+00 : f32
    %neg3A_226 = vector.broadcast %neg3A : f32 to vector<128x2048xf32>
    %neg3A_227 = arith.subf %neg3A_226, %log3A : vector<128x2048xf32>
    %log3A_228 = math.log %neg3A_227 : vector<128x2048xf32>
    %neg3A_229 = arith.constant 0.000000e+00 : f32
    %neg3A_230 = vector.broadcast %neg3A_229 : f32 to vector<128x2048xf32>
    %neg3A_231 = arith.subf %neg3A_230, %log3A_228 : vector<128x2048xf32>
    %get3A = arith.constant 0 : index
    %get3A_232 = arith.constant 0 : index
    %get3A_233 = vector.load %arg1[%get3A, %get3A_232] : memref<2048x128xf32, #tpu.memory_space<vmem>>, vector<2048x128xf32>
    %transpose3A = tpu.transpose %get3A_233, [1, 0] : vector<2048x128xf32> -> vector<128x2048xf32>
    %add3A_234 = arith.addf %neg3A_231, %transpose3A : vector<128x2048xf32>
    %reduce_max3A = arith.constant dense<0xFF800000> : vector<128xf32>
    %reduce_max3A_235 = vector.multi_reduction <maximumf>, %add3A_234, %reduce_max3A [1] : vector<128x2048xf32> to vector<128xf32>
    %broadcast_in_dim3A = vector.shape_cast %reduce_max3A_235 : vector<128xf32> to vector<128x1xf32>
    %eq3A = vector.broadcast %broadcast_in_dim3A : vector<128x1xf32> to vector<128x2048xf32>
    %eq3A_236 = arith.cmpf oeq, %add3A_234, %eq3A : vector<128x2048xf32>
    %jit3A = arith.constant 2147483647 : i32
    %broadcast_in_dim3A_237 = vector.broadcast %jit3A : i32 to vector<128x2048xi32>
    %select_n3A = arith.select %eq3A_236, %add3A_2, %broadcast_in_dim3A_237 : vector<128x2048xi1>, vector<128x2048xi32>
    %reduce_min3A = arith.constant dense<2147483647> : vector<128xi32>
    %reduce_min3A_238 = vector.multi_reduction <minsi>, %select_n3A, %reduce_min3A [1] : vector<128x2048xi32> to vector<128xi32>
    %broadcast_in_dim3A_239 = vector.shape_cast %reduce_min3A_238 : vector<128xi32> to vector<128x1xi32>
    %eq3A_240 = arith.constant 0 : i32
    %eq3A_241 = arith.cmpi eq, %arg0, %eq3A_240 : i32
    %convert_element_type3A = arith.extui %eq3A_241 : i1 to i32
    %cond3A = arith.constant 0 : i32
    %cond3A_242 = arith.cmpi ne, %convert_element_type3A, %cond3A : i32
    scf.if %cond3A_242 {
      %swap3A = arith.constant 0 : index
      %swap3A_247 = arith.constant 0 : index
      %swap3A_248 = vector.load %arg2[%swap3A, %swap3A_247] : memref<128x1xf32, #tpu.memory_space<vmem>>, vector<128x1xf32>
      tpu.vector_store %arg2[%swap3A, %swap3A_247], %broadcast_in_dim3A {strides = array<i32>} : memref<128x1xf32, #tpu.memory_space<vmem>>, vector<128x1xf32>,
      %swap3A_249 = arith.constant 0 : index
      %swap3A_250 = arith.constant 0 : index
      %swap3A_251 = vector.load %arg3[%swap3A_249, %swap3A_250] : memref<128x1xi32, #tpu.memory_space<vmem>>, vector<128x1xi32>
      tpu.vector_store %arg3[%swap3A_249, %swap3A_250], %broadcast_in_dim3A_239 {strides = array<i32>} : memref<128x1xi32, #tpu.memory_space<vmem>>, vector<128x1xi32>,
    } else {
    }
    %ne3A = arith.constant 0 : i32
    %ne3A_243 = arith.cmpi ne, %arg0, %ne3A : i32
    %convert_element_type3A_244 = arith.extui %ne3A_243 : i1 to i32
    %cond3A_245 = arith.constant 0 : i32
    %cond3A_246 = arith.cmpi ne, %convert_element_type3A_244, %cond3A_245 : i32
    scf.if %cond3A_246 {
      %get3A_247 = arith.constant 0 : index
      %get3A_248 = arith.constant 0 : index
      %get3A_249 = vector.load %arg2[%get3A_247, %get3A_248] : memref<128x1xf32, #tpu.memory_space<vmem>>, vector<128x1xf32>
      %gt3A = arith.cmpf ogt, %broadcast_in_dim3A, %get3A_249 : vector<128x1xf32>
      %get3A_250 = arith.constant 0 : index
      %get3A_251 = arith.constant 0 : index
      %get3A_252 = vector.load %arg2[%get3A_250, %get3A_251] : memref<128x1xf32, #tpu.memory_space<vmem>>, vector<128x1xf32>
      %select_n3A_253 = arith.select %gt3A, %broadcast_in_dim3A, %get3A_252 : vector<128x1xi1>, vector<128x1xf32>
      %swap3A = arith.constant 0 : index
      %swap3A_254 = arith.constant 0 : index
      %swap3A_255 = vector.load %arg2[%swap3A, %swap3A_254] : memref<128x1xf32, #tpu.memory_space<vmem>>, vector<128x1xf32>
      tpu.vector_store %arg2[%swap3A, %swap3A_254], %select_n3A_253 {strides = array<i32>} : memref<128x1xf32, #tpu.memory_space<vmem>>, vector<128x1xf32>,
      %get3A_256 = arith.constant 0 : index
      %get3A_257 = arith.constant 0 : index
      %get3A_258 = vector.load %arg3[%get3A_256, %get3A_257] : memref<128x1xi32, #tpu.memory_space<vmem>>, vector<128x1xi32>
      %select_n3A_259 = arith.select %gt3A, %broadcast_in_dim3A_239, %get3A_258 : vector<128x1xi1>, vector<128x1xi32>
      %swap3A_260 = arith.constant 0 : index
      %swap3A_261 = arith.constant 0 : index
      %swap3A_262 = vector.load %arg3[%swap3A_260, %swap3A_261] : memref<128x1xi32, #tpu.memory_space<vmem>>, vector<128x1xi32>
      tpu.vector_store %arg3[%swap3A_260, %swap3A_261], %select_n3A_259 {strides = array<i32>} : memref<128x1xi32, #tpu.memory_space<vmem>>, vector<128x1xi32>,
    } else {
    }
    return
  }
  func.func @transform_0(%arg0: i32) -> (i32, i32) {
    %c0_i32 = arith.constant 0 : i32
    %c0_i32_0 = arith.constant 0 : i32
    return %arg0, %c0_i32 : i32, i32
  }
  func.func @transform_1(%arg0: i32) -> (i32, i32) {
    %c0_i32 = arith.constant 0 : i32
    %c0_i32_0 = arith.constant 0 : i32
    %c0_i32_1 = arith.constant 0 : i32
    return %c0_i32, %c0_i32_0 : i32, i32
  }
  func.func @transform_2(%arg0: i32) -> (i32, i32) {
    %c0_i32 = arith.constant 0 : i32
    %c0_i32_0 = arith.constant 0 : i32
    %c0_i32_1 = arith.constant 0 : i32
    return %c0_i32, %c0_i32_0 : i32, i32
  }
}

</mosaic_0001>

<sc_bundles>
// kernel: kernel.5.cloned.1.call-start
scs
__scs_entry_jumppad:
0x0: {  	(pc) =	sbr.rel $0x88, $3  }
0x1: {  	(tag) =	ssettag $0x0;
	lr =	simm.s32 $0x1  }
0x2: {  	[smem:$0x3FA0] =	sst lr;
	_ =	strace $0xD0000000  }
0x3: {  	_ = 	snop  }
0x4: {  	_ = 	snop  }
0x5: {  	_ = 	snop  }
0x6: {  	_ = 	snop  }
0x7: {  	_ = 	snop  }
__scs_overlays_trampoline_lowered:
0x8: {  	[smem:$0x3FAF] =	sst s0  }
0x9: {  	[smem:$0x3FB0] =	sst s1  }
0xa: {  	[smem:$0x3FB1] =	sst s2  }
0xb: {  	[smem:$0x3FB2] =	sst s3  }
0xc: {  	[smem:$0x3FB3] =	sst s4  }
0xd: {  	[smem:$0x3FB4] =	sst s5  }
0xe: {  	[smem:$0x3FB5] =	sst s6  }
0xf: {  	[smem:$0x3FB6] =	sst s7  }
0x10: {  	[smem:$0x3FB7] =	sst s8  }
0x11: {  	[smem:$0x3FB8] =	sst s9;
	s0 =	simm.s32 @!p0 $0x0  }
0x12: {  	s1 =	sld [smem:$0x3F9E];
	s0 =	simm.s32 @p0 $0x1  }
0x13: {  	[smem:$0x3FB9] =	sst s0;
	s0 =	simm.s32 @!p1 $0x0  }
0x14: {  	s2 =	sld [smem:$0x3F9D];
	s0 =	simm.s32 @p1 $0x1  }
0x15: {  	[smem:$0x3FBA] =	sst s0;
	s0 =	simm.s32 @!p2 $0x0  }
0x16: {  	s3 =	sld [smem:$0x3FDB];
	s0 =	simm.s32 @p2 $0x1  }
0x17: {  	s4 =	simm.s32 $0x1BF5;
	[smem:$0x3FBC] =	sst s0  }
0x18: {  	s0 =	sld [smem:$0x3F9F];
	_ =	swait.ge [sflag:s4], $0x0  }
0x19: {  	s7 =	sld [smem:$0x3FA0]  }
0x1a: {  	s8 =	sadd.s32 $0xFFFFE003, lr  }
0x1b: {  	s9 =	sadd.s32 $0xFFFFFEF7, lr;
	s5 =	simm.s32 $0xFFFFFFFF;
	p2 =	slt.u32 s8, $0xFFFFF086  }
0x1c: {  	p1 =	slt.u32 s9, $0xF7A;
	s5 =	simm.s32 @!p2 $0x0  }
0x1d: {  	s5 =	simm.s32 @p1 $0x1;
	p0 =	seq.s32 s7, s2  }
0x1e: {  	s7 =	smul.u32 @!p0 $0xF7A, s2;
	p2 =	seq.s32 @!p0 s5, $0x0  }
0x1f: {  	s9 =	smul.u32 $0xF7A, s1;
	s8 =	simm.s32 @!p0 $0x1BF5;
	p2 =	por !p2, p0  }
0x20: {  	[sflag:s8] =	ssyncset.s32 @!p0 $0xFFFFF086;
	s6 =	sadd.s32 @!p0 s3, s7;
	s7 =	simm.s32 @!p0 $0x108  }
0x21: {  	s3 =	sadd.s32 s3, s9;
	s6 =	sadd.s32 @!p0 $0x88, s6;
	s7 =	simm.s32 @p2 $0x1082  }
0x22: {  	[simem:s7], [sflag:s8] =	dma.local @!p0 [hbm:s6], $0xF7A  }
0x23: {  	s9 =	sor.u32 $0xD0000000, s2;
	s6 =	simm.s32 $0x108;
	_ =	swait.ge @!p0 [sflag:s8], $0x0  }
0x24: {  	s3 =	sadd.s32 $0x88, s3;
	s6 =	simm.s32 @!p1 $0x1082;
	[sflag:s4] =	ssyncset.s32 $0xFFFFF086  }
0x25: {  	[simem:s6], [sflag:s4] =	dma.local [hbm:s3], $0xF7A  }
0x26: {  	[smem:$0x3FA0] =	sst s1;
	(tag) =	ssettag s2;
	_ =	strace s9  }
0x27: {  	s1 =	sld [smem:$0x3FB0]  }
0x28: {  	s2 =	sld [smem:$0x3FB1]  }
0x29: {  	s4 =	sld [smem:$0x3FB3]  }
0x2a: {  	p0 =	seq.s32 s5, $0x0;
	s5 =	sld [smem:$0x3FB4]  }
0x2b: {  	s6 =	sld [smem:$0x3FB5]  }
0x2c: {  	s7 =	sld [smem:$0x3FB6]  }
0x2d: {  	s3 =	simm.s32 $0x108;
	s8 =	sld [smem:$0x3FB7]  }
0x2e: {  	s3 =	simm.s32 @!p0 $0x1082;
	s9 =	sld [smem:$0x3FB8]  }
0x2f: {  	lr =	sadd.s32 s0, s3;
	s0 =	sld [smem:$0x3FAF]  }
0x30: {  	s3 =	sld [smem:$0x3FB2]  }
0x31: {  	[smem:$0x3FBB] =	sst s10  }
0x32: {  	s10 =	sld [smem:$0x3FB9];
	_ =	sdelay $0x3  }
0x33: {  	p0 =	seq.s32 s10, $0x1;
	s10 =	sld [smem:$0x3FBB];
	_ =	sdelay $0x3  }
0x34: {  	[smem:$0x3FBB] =	sst s10  }
0x35: {  	s10 =	sld [smem:$0x3FBA];
	_ =	sdelay $0x3  }
0x36: {  	p1 =	seq.s32 s10, $0x1;
	s10 =	sld [smem:$0x3FBB];
	_ =	sdelay $0x3  }
0x37: {  	[smem:$0x3FBB] =	sst s10  }
0x38: {  	s10 =	sld [smem:$0x3FBC]  }
0x39: {  	_ = 	snop;
	(pc) =	sbr.ind lr, $3  }
0x3a: {  	_ = 	snop  }
0x3b: {  	_ = 	snop  }
0x3c: {  	p2 =	seq.s32 s10, $0x1;
	s10 =	sld [smem:$0x3FBB]  }
0x3d: {  	_ =	shalt  }
0x3e: {  	_ =	shalt  }
0x3f: {  	_ =	shalt  }
0x40: {  	_ =	shalt  }
0x41: {  	_ =	shalt  }
0x42: {  	_ =	shalt  }
0x43: {  	_ =	shalt  }
0x44: {  	_ =	shalt  }
0x45: {  	_ =	shalt  }
0x46: {  	_ =	shalt  }
0x47: {  	_ =	shalt  }
0x48: {  	_ =	shalt  }
0x49: {  	_ =	shalt  }
0x4a: {  	_ =	shalt  }
0x4b: {  	_ =	shalt  }
0x4c: {  	_ =	shalt  }
0x4d: {  	_ =	shalt  }
0x4e: {  	_ =	shalt  }
0x4f: {  	_ =	shalt  }
0x50: {  	_ =	shalt  }
0x51: {  	_ =	shalt  }
0x52: {  	_ =	shalt  }
0x53: {  	_ =	shalt  }
0x54: {  	_ =	shalt  }
0x55: {  	_ =	shalt  }
0x56: {  	_ =	shalt  }
0x57: {  	_ =	shalt  }
0x58: {  	_ =	shalt  }
0x59: {  	_ =	shalt  }
0x5a: {  	_ =	shalt  }
0x5b: {  	_ =	shalt  }
0x5c: {  	_ =	shalt  }
0x5d: {  	_ =	shalt  }
0x5e: {  	_ =	shalt  }
0x5f: {  	_ =	shalt  }
0x60: {  	_ =	shalt  }
0x61: {  	_ =	shalt  }
0x62: {  	_ =	shalt  }
0x63: {  	_ =	shalt  }
0x64: {  	_ =	shalt  }
0x65: {  	_ =	shalt  }
0x66: {  	_ =	shalt  }
0x67: {  	_ =	shalt  }
0x68: {  	_ =	shalt  }
0x69: {  	_ =	shalt  }
0x6a: {  	_ =	shalt  }
0x6b: {  	_ =	shalt  }
0x6c: {  	_ =	shalt  }
0x6d: {  	_ =	shalt  }
0x6e: {  	_ =	shalt  }
0x6f: {  	_ =	shalt  }
0x70: {  	_ =	shalt  }
0x71: {  	_ =	shalt  }
0x72: {  	_ =	shalt  }
0x73: {  	_ =	shalt  }
0x74: {  	_ =	shalt  }
0x75: {  	_ =	shalt  }
0x76: {  	_ =	shalt  }
0x77: {  	_ =	shalt  }
0x78: {  	_ =	shalt  }
0x79: {  	_ =	shalt  }
0x7a: {  	_ =	shalt  }
0x7b: {  	_ =	shalt  }
0x7c: {  	_ =	shalt  }
0x7d: {  	_ =	shalt  }
0x7e: {  	_ =	shalt  }
0x7f: {  	_ =	shalt  }
0x80: {  	_ =	shalt  }
0x81: {  	_ =	shalt  }
0x82: {  	_ =	shalt  }
0x83: {  	_ =	shalt  }
0x84: {  	_ =	shalt  }
0x85: {  	_ =	shalt  }
0x86: {  	_ =	shalt  }
0x87: {  	_ =	shalt  }
.Lfunc_end0:
.L_simem_size_0:
called_computation_lowered:
.L_overlay_start_0:
0x88: {  	s2 =	sld [smem:$0x3FD9]  }
0x89: {  	s3 =	sld [smem:$0x3FFE];
	_ =	sdelay $0x1  }
0x8a: {  	s1 =	srdreg.scid  }
0x8b: {  	s0 =	sand.u32 $0x1, s1  }
0x8c: {  	s16 =	sshll.u32 s0, $0xA;
	s2 =	sadd.s32 s3, s2  }
0x8d: {  	s2 =	sadd.s32 s2, s16  }
0x8e: {  	[smem:$0x3FC7] =	sst s2  }
0x8f: {  	_ = 	snop  }
0x90: {  	(tm) =	ssettm $0x1  }
0x91: {  	s17 =	sld [smem:$0x3FFB];
	_ =	sdelay $0x3  }
0x92: {  	_ =	strace s17  }
0x93: {  	s2 =	sld [smem:$0x3FFC];
	_ =	sdelay $0x3  }
0x94: {  	_ =	strace s2  }
0x95: {  	s2 =	sld [smem:$0x3FFD];
	_ =	sdelay $0x3  }
0x96: {  	_ =	strace s2  }
0x97: {  	_ =	strace $0x8FFFFFFF  }
0x98: {  	s18 =	sld [smem:$0x3FDB];
	_ =	sdelay $0x1  }
0x99: {  	s19 =	simm.s32 $_scs_section_size  }
0x9a: {  	s4 =	simm.s32 $_size__tile_overlayer_lowered;
	s5 =	simm.s32 $_tile_overlayer_lowered  }
0x9b: {  	s22 =	simm.s32 $0x1BFF;
	s21 =	sshll.u32 s5, $0x1;
	s2 =	sadd.s32 s19, s18  }
0x9c: {  	s6 =	simm.s32 $0x0;
	s20 =	sshll.u32 s4, $0x1;
	s4 =	sadd.s32 s21, s2  }
0x9d: {  	[timem:s6], [sflag:s22] =	dma.local [hbm:s4], s20  }
0x9e: {  	_ =	swait.ge [sflag:s22], s20  }
0x9f: {  	s3 =	ssub.s32 $0x0, s20;
	[sflag:s22] =	ssyncset.done $0x0  }
0xa0: {  	[sflag:s22] =	ssyncadd.s32 s3;
	_ =	sdelay $0x1  }
0xa1: {  	s23 =	simm.s32 $0x1B8B  }
0xa2: {  	_ =	swait.ge [sflag:s23], $0x1  }
0xa3: {  	[sflag:s23] =	ssyncset.done $0x0  }
0xa4: {  	s25 =	simm.s32 $0x1B8E;
	s24 =	sld [smem:$0x3FFE];
	[sflag:s23] =	ssyncadd.s32 $0xFFFFFFFF  }
0xa5: {  	s26 =	simm.s32 $execute0_lowered;
	[smem:$0x3FD2] =	sst s25  }
0xa6: {  	s4 =	sshll.u32 s26, $0x1;
	_ =	strace $0x80000046;
	[dreg:$0x1] =	wrdreg $0xFFFFFFFF  }
0xa7: {  	s28 =	simm.s32 $_size_execute0_lowered;
	s2 =	sadd.s32 s2, s4;
	[dreg:$0x0] =	wrdreg $0x0  }
0xa8: {  	s4 =	sshll.u32 s28, $0x1;
	[dreg:$0x2] =	wrdreg s2  }
0xa9: {  	[dreg:$0x3] =	wrdreg s4  }
0xaa: {  	[dreg:$0x4] =	wrdreg $0xC0  }
0xab: {  	_ =	task [dreg:s6], $0x5FFFF  }
0xac: {  	[dreg:$0x1] =	wrdreg $0xFFFFFFFF  }
0xad: {  	[dreg:$0x0] =	wrdreg $0x60  }
0xae: {  	[dreg:$0x2] =	wrdreg s24  }
0xaf: {  	[dreg:$0x3] =	wrdreg $0x9  }
0xb0: {  	_ =	task.clear_ibuf [dreg:s6], $0x4FFFF;
	_ =	strace $0x90000046  }
0xb1: {  	s29 =	simm.s32 $0x9;
	_ =	strace $0x80000048  }
0xb2: {  	_ =	swait.ge [sflag:s29], $0x1  }
0xb3: {  	[sflag:s29] =	ssyncadd.s32 $0xFFFFFFFF  }
0xb4: {  	_ =	strace $0x90000048  }
0xb5: {  	_ =	sfence  }
0xb6: {  	s30 =	sld [smem:$0x0];
	_ =	sdelay $0x2  }
0xb7: {  	s31 =	sshll.u32 s1, $0xD;
	s1 =	sshrl.u32 s1, $0x2  }
0xb8: {  	s3 =	sand.u32 $0x4000, s31;
	s1 =	sadd.s32 s1, s30  }
0xb9: {  	s0 =	sor.u32 s3, s0;
	s1 =	sshll.u32 s1, $0x11  }
0xba: {  	s0 =	sor.u32 s1, s0  }
0xbb: {  	s0 =	sadd.s32 $0x8F2B, s0  }
0xbc: {  	[sflag:s0] =	ssyncadd.remote.s32 $0x1  }
0xbd: {  	_ =	sfence.sel $0xFFFF  }
0xbe: {  	[dreg:$0x0] =	wrdreg $0xFFFFFFFF;
	(pc) =	sbr.abs _section_cstart, $3  }
0xbf: {  	[dreg:$0x1] =	wrdreg $0xFFFFFFFF  }
0xc0: {  	_ =	task.clear_ibuf [dreg:s6], $0x2FFFF;
	_ =	strace $0x9FFFFFFF  }
0xc1: {  	(tm) =	ssettm $0x7FFFFFFF  }
tec
execute0_lowered:
.L_overlay_start_1:
0x0: {  	(tag) =	ssettag $0x1  }
0x1: {  	s0 =	srdreg.scid  }
0x2: {  	s4 =	rddreg [dreg:$0x0];
	s3 =	sand.u32 $0x1, s0  }
0x3: {  	v0 =	vlaneseq.u32;
	s0 =	stileid.u32;
	s1 =	sshll.u32 s3, $0x4;
	s6 =	smul.u32 $0x3400, s3  }
0x4: {  	s2 =	simm.s32 $0x0;
	v0 =	vmul.u32 $0x186A0, v0;
	s7 =	smul.u32 $0x340, s0;
	s1 =	sor.u32 s0, s1  }
0x5: {  	[smem:$0x7FF] =	sst s2;
	s30 =	ssub.s32 $0x2, s3;
	s5 =	smul.u32 $0x3400, s1  }
0x6: {  	s31 =	sshrl.u32 s30, $0x1;
	v1 =	vadd.s32 $0x186A00, v0;
	s1 =	rddreg [dreg:$0x1]  }
0x7: {  	v2 =	vadd.s32 $0x30D400, v0;
	v3 =	vadd.s32 $0x493E00, v0;
	_ =	strace $0x80000047;
	s6 =	sadd.s32 s7, s6;
	s4 =	sadd.s32 s5, s4  }
0x8: {  	v4 =	vadd.s32 $0x61A800, v0;
	v5 =	vadd.s32 $0x7A1200, v0;
	s7 =	simm.s32 $0x0;
	s5 =	ssub.s32 s30, s31;
	s3 =	sadd.s32 $0x600, s4  }
0x9: {  	v6 =	vadd.s32 $0x927C00, v0;
	v7 =	vadd.s32 $0xAAE600, v0;
	s4 =	sadd.s32 $0x1182A, s6;
	s5 =	smax.u32 s5, $0x1;
	s6 =	simm.s32 $0x1  }
.LBB2_1:
0xa: {  	s8 =	sadd.s32 $0x0, s4  }
0xb: {  	v8 =	vadd.s32 s8, v7  }
0xc: {  	v9 =	vadd.s32 s8, v0;
	v12 =	vadd.s32 s8, v1;
	v13 =	vadd.s32 s8, v2  }
0xd: {  	v14 =	vadd.s32 s8, v4;
	v15 =	vadd.s32 s8, v5;
	v18 =	vadd.s32 s8, v6  }
0xe: {  	v10 =	vshrl.u32 v8, $0x13;
	v11 =	vshll.u32 v8, $0xD;
	v58 =	vshrl.u32 v9, $0x13  }
0xf: {  	v59 =	vshll.u32 v9, $0xD;
	v19 =	vshrl.u32 v12, $0x13;
	v22 =	vshll.u32 v12, $0xD  }
0x10: {  	v60 =	vshrl.u32 v13, $0x13;
	v61 =	vshll.u32 v13, $0xD;
	v62 =	vshrl.u32 v14, $0x13  }
0x11: {  	v63 =	vshll.u32 v14, $0xD;
	v27 =	vshrl.u32 v15, $0x13;
	v28 =	vshll.u32 v15, $0xD  }
0x12: {  	v30 =	vshrl.u32 v18, $0x13;
	v32 =	vshll.u32 v18, $0xD;
	v10 =	vor.u32 v10, v11  }
0x13: {  	v11 =	vadd.s32 s8, v3;
	v33 =	vor.u32 v19, v22;
	v37 =	vor.u32 v62, v63  }
0x14: {  	v38 =	vor.u32 v27, v28;
	v41 =	vor.u32 v30, v32;
	v10 =	vxor.u32 v8, v10  }
0x15: {  	v23 =	vshrl.u32 v11, $0x13;
	v26 =	vshll.u32 v11, $0xD;
	v22 =	vxor.u32 v15, v38  }
0x16: {  	v45 =	vxor.u32 v18, v41;
	v16 =	vshrl.u32 v10, $0x11;
	v17 =	vshll.u32 v10, $0xF  }
0x17: {  	v8 =	vadd.s32 v8, v10;
	v36 =	vor.u32 v23, v26;
	v55 =	vshrl.u32 v22, $0x11  }
0x18: {  	v56 =	vshll.u32 v22, $0xF;
	v15 =	vadd.s32 v15, v22;
	v18 =	vadd.s32 v18, v45  }
0x19: {  	v10 =	vor.u32 v16, v17;
	v16 =	vor.u32 v58, v59;
	v17 =	vxor.u32 v12, v33  }
0x1a: {  	v19 =	vxor.u32 v11, v36;
	v36 =	vshrl.u32 v45, $0x11;
	v63 =	vor.u32 v55, v56  }
0x1b: {  	v10 =	vxor.u32 v8, v10;
	v16 =	vxor.u32 v9, v16;
	v48 =	vshrl.u32 v17, $0x11  }
0x1c: {  	v49 =	vshll.u32 v17, $0xF;
	v53 =	vshrl.u32 v19, $0x11;
	v54 =	vshll.u32 v19, $0xF  }
0x1d: {  	v12 =	vadd.s32 v12, v17;
	v20 =	vshrl.u32 v10, $0x6;
	v21 =	vshll.u32 v10, $0x1A  }
0x1e: {  	v11 =	vadd.s32 v11, v19;
	v8 =	vadd.s32 v8, v10;
	v10 =	vor.u32 v20, v21  }
0x1f: {  	v22 =	vxor.u32 v15, v63;
	v44 =	vshrl.u32 v16, $0x11;
	v10 =	vxor.u32 v8, v10  }
0x20: {  	v47 =	vshll.u32 v16, $0xF;
	v24 =	vshrl.u32 v10, $0x1A;
	v25 =	vshll.u32 v10, $0x6  }
0x21: {  	v59 =	vor.u32 v53, v54;
	v8 =	vadd.s32 v8, v10;
	v10 =	vor.u32 v24, v25  }
0x22: {  	v9 =	vadd.s32 v9, v16;
	v15 =	vadd.s32 v15, v22;
	v10 =	vxor.u32 v8, v10  }
0x23: {  	v20 =	vor.u32 v60, v61;
	v21 =	vxor.u32 v14, v37;
	v10 =	vadd.s32 $0x1BD11BF1, v10  }
0x24: {  	v8 =	vadd.s32 v10, v8;
	v29 =	vshrl.u32 v10, $0xF;
	v10 =	vshll.u32 v10, $0x11  }
0x25: {  	v23 =	vor.u32 v44, v47;
	v8 =	vadd.s32 $0x2A, v8;
	v10 =	vor.u32 v29, v10  }
0x26: {  	v20 =	vxor.u32 v13, v20;
	v32 =	vshrl.u32 v21, $0x11;
	v10 =	vxor.u32 v8, v10  }
0x27: {  	v14 =	vadd.s32 v14, v21;
	v34 =	vshrl.u32 v10, $0x3;
	v35 =	vshll.u32 v10, $0x1D  }
0x28: {  	v17 =	vxor.u32 v9, v23;
	v8 =	vadd.s32 v8, v10;
	v10 =	vor.u32 v34, v35  }
0x29: {  	v23 =	vxor.u32 v11, v59;
	v50 =	vshrl.u32 v20, $0x11;
	v10 =	vxor.u32 v8, v10  }
0x2a: {  	v31 =	vshll.u32 v20, $0xF;
	v39 =	vshrl.u32 v10, $0x10;
	v40 =	vshll.u32 v10, $0x10  }
0x2b: {  	v13 =	vadd.s32 v13, v20;
	v8 =	vadd.s32 v8, v10;
	v10 =	vor.u32 v39, v40  }
0x2c: {  	v44 =	vshrl.u32 v17, $0x6;
	v54 =	vshll.u32 v23, $0x1A;
	v10 =	vxor.u32 v8, v10  }
0x2d: {  	v9 =	vadd.s32 v9, v17;
	v42 =	vshrl.u32 v10, $0x8;
	v43 =	vshll.u32 v10, $0x18  }
0x2e: {  	v11 =	vadd.s32 v11, v23;
	v8 =	vadd.s32 v8, v10;
	v10 =	vor.u32 v42, v43  }
0x2f: {  	v25 =	vor.u32 v48, v49;
	v58 =	vor.u32 v50, v31;
	v10 =	vxor.u32 v8, v10  }
0x30: {  	v19 =	vxor.u32 v12, v25;
	v20 =	vxor.u32 v13, v58;
	v10 =	vadd.s32 $0x2, v10  }
0x31: {  	v8 =	vadd.s32 v10, v8;
	v46 =	vshrl.u32 v10, $0x13;
	v10 =	vshll.u32 v10, $0xD  }
0x32: {  	v58 =	vshrl.u32 v22, $0x6;
	v8 =	vadd.s32 $0x1BD11BF0, v8;
	v10 =	vor.u32 v46, v10  }
0x33: {  	v48 =	vshll.u32 v19, $0x1A;
	v49 =	vshrl.u32 v20, $0x6;
	v10 =	vxor.u32 v8, v10  }
0x34: {  	v50 =	vshll.u32 v20, $0x1A;
	v51 =	vshrl.u32 v10, $0x11;
	v52 =	vshll.u32 v10, $0xF  }
0x35: {  	v12 =	vadd.s32 v12, v19;
	v8 =	vadd.s32 v8, v10;
	v10 =	vor.u32 v51, v52  }
0x36: {  	v13 =	vadd.s32 v13, v20;
	v35 =	vshll.u32 v21, $0xF;
	v10 =	vxor.u32 v8, v10  }
0x37: {  	v60 =	vor.u32 v32, v35;
	v33 =	vshrl.u32 v10, $0x6;
	v34 =	vshll.u32 v10, $0x1A  }
0x38: {  	v21 =	vxor.u32 v14, v60;
	v8 =	vadd.s32 v8, v10;
	v10 =	vor.u32 v33, v34  }
0x39: {  	v56 =	vshrl.u32 v21, $0x6;
	v14 =	vadd.s32 v14, v21;
	v10 =	vxor.u32 v8, v10  }
0x3a: {  	v46 =	vshrl.u32 v19, $0x6;
	v51 =	vshrl.u32 v23, $0x6;
	v37 =	vshrl.u32 v10, $0x1A  }
0x3b: {  	v38 =	vshll.u32 v10, $0x6;
	v8 =	vadd.s32 v8, v10;
	v10 =	vshll.u32 v45, $0xF  }
0x3c: {  	v45 =	vshll.u32 v17, $0x1A;
	v37 =	vor.u32 v37, v38;
	v10 =	vor.u32 v36, v10  }
0x3d: {  	v24 =	vor.u32 v44, v45;
	v44 =	vor.u32 v49, v50;
	v45 =	vor.u32 v51, v54  }
0x3e: {  	v57 =	vxor.u32 v8, v37;
	v10 =	vxor.u32 v18, v10;
	v49 =	vxor.u32 v9, v24  }
0x3f: {  	v51 =	vxor.u32 v13, v44;
	v26 =	vadd.s32 $0x2D, v57;
	v57 =	vshll.u32 v21, $0x1A  }
0x40: {  	v63 =	vshrl.u32 v10, $0x6;
	v54 =	vshrl.u32 v49, $0x1A;
	v24 =	vshll.u32 v49, $0x6  }
0x41: {  	v9 =	vadd.s32 v9, v49;
	v61 =	vshrl.u32 v26, $0xF;
	v62 =	vshll.u32 v26, $0x11  }
0x42: {  	v8 =	vadd.s32 v8, v26;
	v21 =	vor.u32 v54, v24;
	v34 =	vor.u32 v61, v62  }
0x43: {  	v13 =	vadd.s32 v13, v51;
	v44 =	vxor.u32 v9, v21;
	v35 =	vxor.u32 v8, v34  }
0x44: {  	v61 =	vshll.u32 v22, $0x1A;
	v17 =	vadd.s32 $0x1BD11BF1, v44;
	v36 =	vshrl.u32 v35, $0x3  }
0x45: {  	v26 =	vshll.u32 v35, $0x1D;
	v8 =	vadd.s32 v8, v35;
	v9 =	vadd.s32 v17, v9  }
0x46: {  	v37 =	vor.u32 v36, v26;
	v26 =	vor.u32 v46, v48;
	v46 =	vor.u32 v56, v57  }
0x47: {  	v57 =	vshrl.u32 v51, $0x1A;
	v9 =	vadd.s32 $0x2A, v9;
	v16 =	vxor.u32 v8, v37  }
0x48: {  	v50 =	vxor.u32 v12, v26;
	v38 =	vshrl.u32 v16, $0x10;
	v39 =	vshll.u32 v16, $0x10  }
0x49: {  	v8 =	vadd.s32 v8, v16;
	v56 =	vshrl.u32 v50, $0x1A;
	v26 =	vshll.u32 v50, $0x6  }
0x4a: {  	v12 =	vadd.s32 v12, v50;
	v50 =	vshrl.u32 v17, $0xF;
	v40 =	vor.u32 v38, v39  }
0x4b: {  	v17 =	vshll.u32 v17, $0x11;
	v38 =	vor.u32 v56, v26;
	v16 =	vxor.u32 v8, v40  }
0x4c: {  	v17 =	vor.u32 v50, v17;
	v41 =	vshrl.u32 v16, $0x8;
	v42 =	vshll.u32 v16, $0x18  }
0x4d: {  	v40 =	vshll.u32 v10, $0x1A;
	v8 =	vadd.s32 v8, v16;
	v43 =	vor.u32 v41, v42  }
0x4e: {  	v10 =	vadd.s32 v18, v10;
	v17 =	vxor.u32 v9, v17;
	v16 =	vxor.u32 v8, v43  }
0x4f: {  	v48 =	vor.u32 v63, v40;
	v9 =	vadd.s32 v9, v17;
	v16 =	vadd.s32 $0x1BD11BF4, v16  }
0x50: {  	v8 =	vadd.s32 v16, v8;
	v47 =	vshrl.u32 v16, $0x13;
	v16 =	vshll.u32 v16, $0xD  }
0x51: {  	v8 =	vadd.s32 $0x2A, v8;
	v16 =	vor.u32 v47, v16;
	v47 =	vor.u32 v58, v61  }
0x52: {  	v58 =	vshll.u32 v51, $0x6;
	v16 =	vxor.u32 v8, v16;
	v22 =	vxor.u32 v15, v47  }
0x53: {  	v40 =	vor.u32 v57, v58;
	v57 =	vshrl.u32 v17, $0x3;
	v58 =	vshll.u32 v17, $0x1D  }
0x54: {  	v52 =	vshrl.u32 v16, $0x11;
	v53 =	vshll.u32 v16, $0xF;
	v8 =	vadd.s32 v8, v16  }
0x55: {  	v63 =	vshrl.u32 v22, $0x1A;
	v36 =	vshll.u32 v22, $0x6;
	v15 =	vadd.s32 v15, v22  }
0x56: {  	v23 =	vor.u32 v57, v58;
	v55 =	vor.u32 v52, v53;
	v52 =	vxor.u32 v11, v45  }
0x57: {  	v53 =	vxor.u32 v14, v46;
	v45 =	vxor.u32 v12, v38;
	v46 =	vxor.u32 v13, v40  }
0x58: {  	v16 =	vxor.u32 v8, v55;
	v55 =	vxor.u32 v10, v48;
	v61 =	vshrl.u32 v53, $0x1A  }
0x59: {  	v11 =	vadd.s32 v11, v52;
	v14 =	vadd.s32 v14, v53;
	v18 =	vadd.s32 $0x1BD11BF1, v45  }
0x5a: {  	v19 =	vadd.s32 $0x1BD11BF1, v46;
	v59 =	vshrl.u32 v16, $0x6;
	v60 =	vshll.u32 v16, $0x1A  }
0x5b: {  	v8 =	vadd.s32 v8, v16;
	v37 =	vshrl.u32 v55, $0x1A;
	v39 =	vshll.u32 v55, $0x6  }
0x5c: {  	v10 =	vadd.s32 v10, v55;
	v12 =	vadd.s32 v18, v12;
	v51 =	vshrl.u32 v18, $0xF  }
0x5d: {  	v18 =	vshll.u32 v18, $0x11;
	v13 =	vadd.s32 v19, v13;
	v62 =	vor.u32 v59, v60  }
0x5e: {  	v59 =	vshrl.u32 v52, $0x1A;
	v60 =	vshll.u32 v52, $0x6;
	v25 =	vor.u32 v37, v39  }
0x5f: {  	v52 =	vshrl.u32 v19, $0xF;
	v19 =	vshll.u32 v19, $0x11;
	v12 =	vadd.s32 $0x2A, v12  }
0x60: {  	v18 =	vor.u32 v51, v18;
	v13 =	vadd.s32 $0x2A, v13;
	v16 =	vxor.u32 v8, v62  }
0x61: {  	v62 =	vshll.u32 v53, $0x6;
	v49 =	vxor.u32 v10, v25;
	v19 =	vor.u32 v52, v19  }
0x62: {  	v18 =	vxor.u32 v12, v18;
	v41 =	vshrl.u32 v16, $0x1A;
	v42 =	vshll.u32 v16, $0x6  }
0x63: {  	v8 =	vadd.s32 v8, v16;
	v22 =	vadd.s32 $0x1BD11BF1, v49;
	v19 =	vxor.u32 v13, v19  }
0x64: {  	v12 =	vadd.s32 v12, v18;
	v43 =	vor.u32 v41, v42;
	v41 =	vor.u32 v59, v60  }
0x65: {  	v42 =	vor.u32 v61, v62;
	v10 =	vadd.s32 v22, v10;
	v56 =	vshrl.u32 v22, $0xF  }
0x66: {  	v22 =	vshll.u32 v22, $0x11;
	v59 =	vshrl.u32 v18, $0x3;
	v60 =	vshll.u32 v18, $0x1D  }
0x67: {  	v61 =	vshrl.u32 v19, $0x3;
	v62 =	vshll.u32 v19, $0x1D;
	v13 =	vadd.s32 v13, v19  }
0x68: {  	v16 =	vxor.u32 v8, v43;
	v8 =	vadd.s32 $0x1BD11BF0, v8;
	v43 =	vor.u32 v63, v36  }
0x69: {  	v47 =	vxor.u32 v11, v41;
	v48 =	vxor.u32 v14, v42;
	v10 =	vadd.s32 $0x2A, v10  }
0x6a: {  	v22 =	vor.u32 v56, v22;
	v42 =	vor.u32 v59, v60;
	v44 =	vor.u32 v61, v62  }
0x6b: {  	v16 =	vadd.s32 $0x5, v16;
	v20 =	vadd.s32 $0x1BD11BF1, v47;
	v21 =	vadd.s32 $0x1BD11BF1, v48  }
0x6c: {  	v22 =	vxor.u32 v10, v22;
	v48 =	vxor.u32 v9, v23;
	v18 =	vxor.u32 v12, v42  }
0x6d: {  	v19 =	vxor.u32 v13, v44;
	v8 =	vxor.u32 v8, v16;
	v16 =	vxor.u32 v15, v43  }
0x6e: {  	v11 =	vadd.s32 v20, v11;
	v53 =	vshrl.u32 v20, $0xF;
	v20 =	vshll.u32 v20, $0x11  }
0x6f: {  	v14 =	vadd.s32 v21, v14;
	v54 =	vshrl.u32 v21, $0xF;
	v21 =	vshll.u32 v21, $0x11  }
0x70: {  	v41 =	vshrl.u32 v22, $0x3;
	v43 =	vshll.u32 v22, $0x1D;
	v10 =	vadd.s32 v10, v22  }
0x71: {  	v49 =	vshrl.u32 v48, $0x10;
	v23 =	vshll.u32 v48, $0x10;
	v51 =	vshrl.u32 v18, $0x10  }
0x72: {  	v52 =	vshll.u32 v18, $0x10;
	v9 =	vadd.s32 v9, v48;
	v12 =	vadd.s32 v12, v18  }
0x73: {  	v13 =	vadd.s32 v13, v19;
	v16 =	vadd.s32 $0x1BD11BF1, v16;
	v11 =	vadd.s32 $0x2A, v11  }
0x74: {  	v20 =	vor.u32 v53, v20;
	v14 =	vadd.s32 $0x2A, v14;
	v21 =	vor.u32 v54, v21  }
0x75: {  	v25 =	vor.u32 v41, v43;
	v53 =	vshrl.u32 v19, $0x10;
	v54 =	vshll.u32 v19, $0x10  }
0x76: {  	v22 =	vor.u32 v49, v23;
	v15 =	vadd.s32 v16, v15;
	v55 =	vshrl.u32 v16, $0xF  }
0x77: {  	v16 =	vshll.u32 v16, $0x11;
	v20 =	vxor.u32 v11, v20;
	v21 =	vxor.u32 v14, v21  }
0x78: {  	v50 =	vxor.u32 v10, v25;
	v42 =	vxor.u32 v9, v22;
	v15 =	vadd.s32 $0x2A, v15  }
0x79: {  	v16 =	vor.u32 v55, v16;
	v63 =	vshrl.u32 v20, $0x3;
	v36 =	vshll.u32 v20, $0x1D  }
0x7a: {  	v37 =	vshrl.u32 v21, $0x3;
	v38 =	vshll.u32 v21, $0x1D;
	v11 =	vadd.s32 v11, v20  }
0x7b: {  	v14 =	vadd.s32 v14, v21;
	v61 =	vshrl.u32 v50, $0x10;
	v62 =	vshll.u32 v50, $0x10  }
0x7c: {  	v10 =	vadd.s32 v10, v50;
	v9 =	vadd.s32 v9, v42;
	v16 =	vxor.u32 v15, v16  }
0x7d: {  	v45 =	vor.u32 v63, v36;
	v46 =	vor.u32 v37, v38;
	v63 =	vor.u32 v51, v52  }
0x7e: {  	v37 =	vor.u32 v53, v54;
	v41 =	vor.u32 v61, v62;
	v39 =	vshrl.u32 v16, $0x3  }
0x7f: {  	v40 =	vshll.u32 v16, $0x1D;
	v15 =	vadd.s32 v15, v16;
	v20 =	vxor.u32 v11, v45  }
0x80: {  	v21 =	vxor.u32 v14, v46;
	v43 =	vxor.u32 v12, v63;
	v19 =	vxor.u32 v13, v37  }
0x81: {  	v16 =	vxor.u32 v10, v41;
	v45 =	vshrl.u32 v42, $0x8;
	v46 =	vshll.u32 v42, $0x18  }
0x82: {  	v47 =	vor.u32 v39, v40;
	v55 =	vshrl.u32 v20, $0x10;
	v56 =	vshll.u32 v20, $0x10  }
0x83: {  	v57 =	vshrl.u32 v21, $0x10;
	v58 =	vshll.u32 v21, $0x10;
	v11 =	vadd.s32 v11, v20  }
0x84: {  	v14 =	vadd.s32 v14, v21;
	v48 =	vshll.u32 v43, $0x18;
	v49 =	vshrl.u32 v19, $0x8  }
0x85: {  	v50 =	vshll.u32 v19, $0x18;
	v23 =	vor.u32 v45, v46;
	v12 =	vadd.s32 v12, v43  }
0x86: {  	v13 =	vadd.s32 v13, v19;
	v10 =	vadd.s32 v10, v16;
	v17 =	vxor.u32 v15, v47  }
0x87: {  	v38 =	vor.u32 v55, v56;
	v39 =	vor.u32 v57, v58;
	v47 =	vshrl.u32 v43, $0x8  }
0x88: {  	v57 =	vshrl.u32 v16, $0x8;
	v58 =	vshll.u32 v16, $0x18;
	v63 =	vxor.u32 v9, v23  }
0x89: {  	v59 =	vshrl.u32 v17, $0x10;
	v60 =	vshll.u32 v17, $0x10;
	v15 =	vadd.s32 v15, v17  }
0x8a: {  	v20 =	vxor.u32 v11, v38;
	v21 =	vxor.u32 v14, v39;
	v25 =	vor.u32 v47, v48  }
0x8b: {  	v24 =	vor.u32 v57, v58;
	v17 =	vadd.s32 $0x2, v63;
	v40 =	vor.u32 v59, v60  }
0x8c: {  	v51 =	vshrl.u32 v20, $0x8;
	v52 =	vshll.u32 v20, $0x18;
	v53 =	vshrl.u32 v21, $0x8  }
0x8d: {  	v54 =	vshll.u32 v21, $0x18;
	v59 =	vor.u32 v49, v50;
	v11 =	vadd.s32 v11, v20  }
0x8e: {  	v14 =	vadd.s32 v14, v21;
	v30 =	vxor.u32 v12, v25;
	v35 =	vxor.u32 v10, v24  }
0x8f: {  	v9 =	vadd.s32 v17, v9;
	v36 =	vshrl.u32 v17, $0x13;
	v17 =	vshll.u32 v17, $0xD  }
0x90: {  	v44 =	vxor.u32 v15, v40;
	v60 =	vor.u32 v51, v52;
	v61 =	vor.u32 v53, v54  }
0x91: {  	v31 =	vxor.u32 v13, v59;
	v18 =	vadd.s32 $0x2, v30;
	v22 =	vadd.s32 $0x2, v35  }
0x92: {  	v9 =	vadd.s32 $0x1BD11BF0, v9;
	v17 =	vor.u32 v36, v17;
	v55 =	vshrl.u32 v44, $0x8  }
0x93: {  	v56 =	vshll.u32 v44, $0x18;
	v15 =	vadd.s32 v15, v44;
	v32 =	vxor.u32 v11, v60  }
0x94: {  	v33 =	vxor.u32 v14, v61;
	v16 =	vadd.s32 $0x2, v31;
	v12 =	vadd.s32 v18, v12  }
0x95: {  	v37 =	vshrl.u32 v18, $0x13;
	v18 =	vshll.u32 v18, $0xD;
	v10 =	vadd.s32 v22, v10  }
0x96: {  	v42 =	vshrl.u32 v22, $0x13;
	v22 =	vshll.u32 v22, $0xD;
	v17 =	vxor.u32 v9, v17  }
0x97: {  	v62 =	vor.u32 v55, v56;
	v19 =	vadd.s32 $0x2, v32;
	v20 =	vadd.s32 $0x2, v33  }
0x98: {  	v13 =	vadd.s32 v16, v13;
	v38 =	vshrl.u32 v16, $0x13;
	v16 =	vshll.u32 v16, $0xD  }
0x99: {  	v12 =	vadd.s32 $0x1BD11BF0, v12;
	v18 =	vor.u32 v37, v18;
	v10 =	vadd.s32 $0x1BD11BF0, v10  }
0x9a: {  	v22 =	vor.u32 v42, v22;
	v43 =	vshrl.u32 v17, $0x11;
	v44 =	vshll.u32 v17, $0xF  }
0x9b: {  	v9 =	vadd.s32 v9, v17;
	v34 =	vxor.u32 v15, v62;
	v11 =	vadd.s32 v19, v11  }
0x9c: {  	v39 =	vshrl.u32 v19, $0x13;
	v19 =	vshll.u32 v19, $0xD;
	v14 =	vadd.s32 v20, v14  }
0x9d: {  	v40 =	vshrl.u32 v20, $0x13;
	v20 =	vshll.u32 v20, $0xD;
	v13 =	vadd.s32 $0x1BD11BF0, v13  }
0x9e: {  	v16 =	vor.u32 v38, v16;
	v18 =	vxor.u32 v12, v18;
	v22 =	vxor.u32 v10, v22  }
0x9f: {  	v23 =	vor.u32 v43, v44;
	v21 =	vadd.s32 $0x2, v34;
	v11 =	vadd.s32 $0x1BD11BF0, v11  }
0xa0: {  	v19 =	vor.u32 v39, v19;
	v14 =	vadd.s32 $0x1BD11BF0, v14;
	v20 =	vor.u32 v40, v20  }
0xa1: {  	v16 =	vxor.u32 v13, v16;
	v45 =	vshrl.u32 v18, $0x11;
	v46 =	vshll.u32 v18, $0xF  }
0xa2: {  	v55 =	vshrl.u32 v22, $0x11;
	v56 =	vshll.u32 v22, $0xF;
	v12 =	vadd.s32 v12, v18  }
0xa3: {  	v61 =	vxor.u32 v9, v23;
	v10 =	vadd.s32 v10, v22;
	v15 =	vadd.s32 v21, v15  }
0xa4: {  	v41 =	vshrl.u32 v21, $0x13;
	v21 =	vshll.u32 v21, $0xD;
	v19 =	vxor.u32 v11, v19  }
0xa5: {  	v20 =	vxor.u32 v14, v20;
	v47 =	vshrl.u32 v16, $0x11;
	v48 =	vshll.u32 v16, $0xF  }
0xa6: {  	v25 =	vor.u32 v45, v46;
	v24 =	vor.u32 v55, v56;
	v13 =	vadd.s32 v13, v16  }
0xa7: {  	v36 =	vshrl.u32 v61, $0x6;
	v39 =	vshll.u32 v61, $0x1A;
	v9 =	vadd.s32 v9, v61  }
0xa8: {  	v15 =	vadd.s32 $0x1BD11BF0, v15;
	v21 =	vor.u32 v41, v21;
	v49 =	vshrl.u32 v19, $0x11  }
0xa9: {  	v50 =	vshll.u32 v19, $0xF;
	v51 =	vshrl.u32 v20, $0x11;
	v52 =	vshll.u32 v20, $0xF  }
0xaa: {  	v57 =	vor.u32 v47, v48;
	v11 =	vadd.s32 v11, v19;
	v14 =	vadd.s32 v14, v20  }
0xab: {  	v62 =	vxor.u32 v12, v25;
	v38 =	vxor.u32 v10, v24;
	v21 =	vxor.u32 v15, v21  }
0xac: {  	v58 =	vor.u32 v49, v50;
	v59 =	vor.u32 v51, v52;
	v63 =	vxor.u32 v13, v57  }
0xad: {  	v25 =	vshrl.u32 v62, $0x6;
	v40 =	vshll.u32 v62, $0x1A;
	v49 =	vshrl.u32 v38, $0x6  }
0xae: {  	v51 =	vshll.u32 v38, $0x1A;
	v12 =	vadd.s32 v12, v62;
	v10 =	vadd.s32 v10, v38  }
0xaf: {  	v53 =	vshrl.u32 v21, $0x11;
	v54 =	vshll.u32 v21, $0xF;
	v15 =	vadd.s32 v15, v21  }
0xb0: {  	v19 =	vxor.u32 v11, v58;
	v20 =	vxor.u32 v14, v59;
	v41 =	vshrl.u32 v63, $0x6  }
0xb1: {  	v42 =	vshll.u32 v63, $0x1A;
	v21 =	vor.u32 v36, v39;
	v50 =	vor.u32 v25, v40  }
0xb2: {  	v25 =	vor.u32 v49, v51;
	v13 =	vadd.s32 v13, v63;
	v60 =	vor.u32 v53, v54  }
0xb3: {  	v43 =	vshrl.u32 v19, $0x6;
	v44 =	vshll.u32 v19, $0x1A;
	v45 =	vshrl.u32 v20, $0x6  }
0xb4: {  	v46 =	vshll.u32 v20, $0x1A;
	v52 =	vor.u32 v41, v42;
	v11 =	vadd.s32 v11, v19  }
0xb5: {  	v14 =	vadd.s32 v14, v20;
	v17 =	vxor.u32 v9, v21;
	v56 =	vxor.u32 v12, v50  }
0xb6: {  	v62 =	vxor.u32 v10, v25;
	v37 =	vxor.u32 v15, v60;
	v53 =	vor.u32 v43, v44  }
0xb7: {  	v54 =	vor.u32 v45, v46;
	v57 =	vxor.u32 v13, v52;
	v60 =	vshrl.u32 v17, $0x1A  }
0xb8: {  	v61 =	vshll.u32 v17, $0x6;
	v63 =	vshrl.u32 v56, $0x1A;
	v40 =	vshll.u32 v56, $0x6  }
0xb9: {  	v49 =	vshrl.u32 v62, $0x1A;
	v50 =	vshll.u32 v62, $0x6;
	v9 =	vadd.s32 v9, v17  }
0xba: {  	v12 =	vadd.s32 v12, v56;
	v10 =	vadd.s32 v10, v62;
	v47 =	vshrl.u32 v37, $0x6  }
0xbb: {  	v48 =	vshll.u32 v37, $0x1A;
	v15 =	vadd.s32 v15, v37;
	v58 =	vxor.u32 v11, v53  }
0xbc: {  	v59 =	vxor.u32 v14, v54;
	v41 =	vshrl.u32 v57, $0x1A;
	v42 =	vshll.u32 v57, $0x6  }
0xbd: {  	v22 =	vor.u32 v60, v61;
	v51 =	vor.u32 v63, v40;
	v56 =	vor.u32 v49, v50  }
0xbe: {  	v13 =	vadd.s32 v13, v57;
	v55 =	vor.u32 v47, v48;
	v43 =	vshrl.u32 v58, $0x1A  }
0xbf: {  	v44 =	vshll.u32 v58, $0x6;
	v45 =	vshrl.u32 v59, $0x1A;
	v46 =	vshll.u32 v59, $0x6  }
0xc0: {  	v52 =	vor.u32 v41, v42;
	v11 =	vadd.s32 v11, v58;
	v14 =	vadd.s32 v14, v59  }
0xc1: {  	v57 =	vxor.u32 v9, v22;
	v58 =	vxor.u32 v12, v51;
	v17 =	vxor.u32 v10, v56  }
0xc2: {  	v16 =	vxor.u32 v15, v55;
	v53 =	vor.u32 v43, v44;
	v54 =	vor.u32 v45, v46  }
0xc3: {  	v19 =	vxor.u32 v13, v52;
	v18 =	vadd.s32 $0x2D, v57;
	v17 =	vadd.s32 $0x2D, v17  }
0xc4: {  	v47 =	vshrl.u32 v16, $0x1A;
	v48 =	vshll.u32 v16, $0x6;
	v15 =	vadd.s32 v15, v16  }
0xc5: {  	v20 =	vxor.u32 v11, v53;
	v21 =	vxor.u32 v14, v54;
	v16 =	vadd.s32 $0x2D, v58  }
0xc6: {  	v19 =	vadd.s32 $0x2D, v19;
	v60 =	vshrl.u32 v18, $0xF;
	v61 =	vshll.u32 v18, $0x11  }
0xc7: {  	v49 =	vshll.u32 v17, $0x11;
	v9 =	vadd.s32 v9, v18;
	v10 =	vadd.s32 v10, v17  }
0xc8: {  	v55 =	vor.u32 v47, v48;
	v20 =	vadd.s32 $0x2D, v20;
	v21 =	vadd.s32 $0x2D, v21  }
0xc9: {  	v62 =	vshrl.u32 v16, $0xF;
	v63 =	vshll.u32 v16, $0x11;
	v40 =	vshrl.u32 v19, $0xF  }
0xca: {  	v41 =	vshll.u32 v19, $0x11;
	v48 =	vshrl.u32 v17, $0xF;
	v23 =	vor.u32 v60, v61  }
0xcb: {  	v12 =	vadd.s32 v12, v16;
	v13 =	vadd.s32 v13, v19;
	v59 =	vxor.u32 v15, v55  }
0xcc: {  	v42 =	vshrl.u32 v20, $0xF;
	v43 =	vshll.u32 v20, $0x11;
	v44 =	vshrl.u32 v21, $0xF  }
0xcd: {  	v45 =	vshll.u32 v21, $0x11;
	v50 =	vor.u32 v62, v63;
	v51 =	vor.u32 v40, v41  }
0xce: {  	v55 =	vor.u32 v48, v49;
	v11 =	vadd.s32 v11, v20;
	v14 =	vadd.s32 v14, v21  }
0xcf: {  	v18 =	vxor.u32 v9, v23;
	v22 =	vadd.s32 $0x2D, v59;
	v52 =	vor.u32 v42, v43  }
0xd0: {  	v53 =	vor.u32 v44, v45;
	v56 =	vxor.u32 v12, v50;
	v19 =	vxor.u32 v13, v51  }
0xd1: {  	v16 =	vxor.u32 v10, v55;
	v23 =	vshrl.u32 v18, $0x3;
	v57 =	vshll.u32 v18, $0x1D  }
0xd2: {  	v9 =	vadd.s32 v9, v18;
	v46 =	vshrl.u32 v22, $0xF;
	v47 =	vshll.u32 v22, $0x11  }
0xd3: {  	v15 =	vadd.s32 v15, v22;
	v20 =	vxor.u32 v11, v52;
	v21 =	vxor.u32 v14, v53  }
0xd4: {  	v58 =	vshrl.u32 v56, $0x3;
	v59 =	vshll.u32 v56, $0x1D;
	v60 =	vshrl.u32 v19, $0x3  }
0xd5: {  	v61 =	vshll.u32 v19, $0x1D;
	v23 =	vor.u32 v23, v57;
	v40 =	vshrl.u32 v16, $0x3  }
0xd6: {  	v41 =	vshll.u32 v16, $0x1D;
	v12 =	vadd.s32 v12, v56;
	v13 =	vadd.s32 v13, v19  }
0xd7: {  	v10 =	vadd.s32 v10, v16;
	v54 =	vor.u32 v46, v47;
	v62 =	vshrl.u32 v20, $0x3  }
0xd8: {  	v63 =	vshll.u32 v20, $0x1D;
	v36 =	vshrl.u32 v21, $0x3;
	v37 =	vshll.u32 v21, $0x1D  }
0xd9: {  	v25 =	vor.u32 v58, v59;
	v42 =	vor.u32 v60, v61;
	v24 =	vor.u32 v40, v41  }
0xda: {  	v11 =	vadd.s32 v11, v20;
	v14 =	vadd.s32 v14, v21;
	v46 =	vxor.u32 v9, v23  }
0xdb: {  	v22 =	vxor.u32 v15, v54;
	v43 =	vor.u32 v62, v63;
	v44 =	vor.u32 v36, v37  }
0xdc: {  	v47 =	vxor.u32 v12, v25;
	v48 =	vxor.u32 v13, v42;
	v51 =	vshrl.u32 v46, $0x10  }
0xdd: {  	v52 =	vxor.u32 v10, v24;
	v53 =	vshll.u32 v46, $0x10;
	v9 =	vadd.s32 v9, v46  }
0xde: {  	v38 =	vshrl.u32 v22, $0x3;
	v39 =	vshll.u32 v22, $0x1D;
	v15 =	vadd.s32 v15, v22  }
0xdf: {  	v49 =	vxor.u32 v11, v43;
	v50 =	vxor.u32 v14, v44;
	v25 =	vshrl.u32 v47, $0x10  }
0xe0: {  	v54 =	vshll.u32 v47, $0x10;
	v55 =	vshrl.u32 v48, $0x10;
	v56 =	vshll.u32 v48, $0x10  }
0xe1: {  	v63 =	vshrl.u32 v52, $0x10;
	v21 =	vor.u32 v51, v53;
	v37 =	vshll.u32 v52, $0x10  }
0xe2: {  	v12 =	vadd.s32 v12, v47;
	v13 =	vadd.s32 v13, v48;
	v10 =	vadd.s32 v10, v52  }
0xe3: {  	v45 =	vor.u32 v38, v39;
	v57 =	vshrl.u32 v49, $0x10;
	v58 =	vshll.u32 v49, $0x10  }
0xe4: {  	v59 =	vshrl.u32 v50, $0x10;
	v60 =	vshll.u32 v50, $0x10;
	v36 =	vor.u32 v25, v54  }
0xe5: {  	v38 =	vor.u32 v55, v56;
	v25 =	vor.u32 v63, v37;
	v11 =	vadd.s32 v11, v49  }
0xe6: {  	v14 =	vadd.s32 v14, v50;
	v42 =	vxor.u32 v9, v21;
	v22 =	vxor.u32 v15, v45  }
0xe7: {  	v39 =	vor.u32 v57, v58;
	v40 =	vor.u32 v59, v60;
	v18 =	vxor.u32 v12, v36  }
0xe8: {  	v43 =	vxor.u32 v13, v38;
	v46 =	vshrl.u32 v42, $0x8;
	v47 =	vshll.u32 v42, $0x18  }
0xe9: {  	v48 =	vxor.u32 v10, v25;
	v9 =	vadd.s32 v9, v42;
	v61 =	vshrl.u32 v22, $0x10  }
0xea: {  	v62 =	vshll.u32 v22, $0x10;
	v15 =	vadd.s32 v15, v22;
	v44 =	vxor.u32 v11, v39  }
0xeb: {  	v45 =	vxor.u32 v14, v40;
	v49 =	vshrl.u32 v18, $0x8;
	v50 =	vshll.u32 v18, $0x18  }
0xec: {  	v51 =	vshrl.u32 v43, $0x8;
	v52 =	vshll.u32 v43, $0x18;
	v59 =	vshrl.u32 v48, $0x8  }
0xed: {  	v60 =	vshll.u32 v48, $0x18;
	v22 =	vor.u32 v46, v47;
	v12 =	vadd.s32 v12, v18  }
0xee: {  	v13 =	vadd.s32 v13, v43;
	v10 =	vadd.s32 v10, v48;
	v41 =	vor.u32 v61, v62  }
0xef: {  	v53 =	vshrl.u32 v44, $0x8;
	v54 =	vshll.u32 v44, $0x18;
	v55 =	vshrl.u32 v45, $0x8  }
0xf0: {  	v56 =	vshll.u32 v45, $0x18;
	v61 =	vor.u32 v49, v50;
	v62 =	vor.u32 v51, v52  }
0xf1: {  	v39 =	vor.u32 v59, v60;
	v11 =	vadd.s32 v11, v44;
	v14 =	vadd.s32 v14, v45  }
0xf2: {  	v40 =	vxor.u32 v9, v22;
	v17 =	vxor.u32 v15, v41;
	v63 =	vor.u32 v53, v54  }
0xf3: {  	v37 =	vor.u32 v55, v56;
	v41 =	vxor.u32 v12, v61;
	v19 =	vxor.u32 v13, v62  }
0xf4: {  	v16 =	vxor.u32 v10, v39;
	v18 =	vadd.s32 $0x1BD11BF4, v40;
	v57 =	vshrl.u32 v17, $0x8  }
0xf5: {  	v58 =	vshll.u32 v17, $0x18;
	v15 =	vadd.s32 v15, v17;
	v20 =	vxor.u32 v11, v63  }
0xf6: {  	v21 =	vxor.u32 v14, v37;
	v17 =	vadd.s32 $0x1BD11BF4, v41;
	v19 =	vadd.s32 $0x1BD11BF4, v19  }
0xf7: {  	v9 =	vadd.s32 v18, v9;
	v43 =	vshrl.u32 v18, $0x13;
	v16 =	vadd.s32 $0x1BD11BF4, v16  }
0xf8: {  	v18 =	vshll.u32 v18, $0xD;
	v38 =	vor.u32 v57, v58;
	v20 =	vadd.s32 $0x1BD11BF4, v20  }
0xf9: {  	v21 =	vadd.s32 $0x1BD11BF4, v21;
	v12 =	vadd.s32 v17, v12;
	v44 =	vshrl.u32 v17, $0x13  }
0xfa: {  	v17 =	vshll.u32 v17, $0xD;
	v13 =	vadd.s32 v19, v13;
	v45 =	vshrl.u32 v19, $0x13  }
0xfb: {  	v19 =	vshll.u32 v19, $0xD;
	v10 =	vadd.s32 v16, v10;
	v49 =	vshrl.u32 v16, $0x13  }
0xfc: {  	v9 =	vadd.s32 $0x2A, v9;
	v18 =	vor.u32 v43, v18;
	v16 =	vshll.u32 v16, $0xD  }
0xfd: {  	v42 =	vxor.u32 v15, v38;
	v11 =	vadd.s32 v20, v11;
	v46 =	vshrl.u32 v20, $0x13  }
0xfe: {  	v20 =	vshll.u32 v20, $0xD;
	v14 =	vadd.s32 v21, v14;
	v47 =	vshrl.u32 v21, $0x13  }
0xff: {  	v21 =	vshll.u32 v21, $0xD;
	v12 =	vadd.s32 $0x2A, v12;
	v17 =	vor.u32 v44, v17  }
0x100: {  	v13 =	vadd.s32 $0x2A, v13;
	v19 =	vor.u32 v45, v19;
	v10 =	vadd.s32 $0x2A, v10  }
0x101: {  	v16 =	vor.u32 v49, v16;
	v18 =	vxor.u32 v9, v18;
	v22 =	vadd.s32 $0x1BD11BF4, v42  }
0x102: {  	v11 =	vadd.s32 $0x2A, v11;
	v20 =	vor.u32 v46, v20;
	v14 =	vadd.s32 $0x2A, v14  }
0x103: {  	v21 =	vor.u32 v47, v21;
	v17 =	vxor.u32 v12, v17;
	v19 =	vxor.u32 v13, v19  }
0x104: {  	v50 =	vshrl.u32 v18, $0x11;
	v51 =	vshll.u32 v18, $0xF;
	v16 =	vxor.u32 v10, v16  }
0x105: {  	v9 =	vadd.s32 v9, v18;
	v15 =	vadd.s32 v22, v15;
	v48 =	vshrl.u32 v22, $0x13  }
0x106: {  	v22 =	vshll.u32 v22, $0xD;
	v20 =	vxor.u32 v11, v20;
	v21 =	vxor.u32 v14, v21  }
0x107: {  	v52 =	vshrl.u32 v17, $0x11;
	v53 =	vshll.u32 v17, $0xF;
	v54 =	vshrl.u32 v19, $0x11  }
0x108: {  	v55 =	vshll.u32 v19, $0xF;
	v62 =	vshrl.u32 v16, $0x11;
	v63 =	vshll.u32 v16, $0xF  }
0x109: {  	v23 =	vor.u32 v50, v51;
	v12 =	vadd.s32 v12, v17;
	v13 =	vadd.s32 v13, v19  }
0x10a: {  	v10 =	vadd.s32 v10, v16;
	v15 =	vadd.s32 $0x2A, v15;
	v22 =	vor.u32 v48, v22  }
0x10b: {  	v56 =	vshrl.u32 v20, $0x11;
	v57 =	vshll.u32 v20, $0xF;
	v58 =	vshrl.u32 v21, $0x11  }
0x10c: {  	v59 =	vshll.u32 v21, $0xF;
	v38 =	vor.u32 v52, v53;
	v39 =	vor.u32 v54, v55  }
0x10d: {  	v43 =	vor.u32 v62, v63;
	v11 =	vadd.s32 v11, v20;
	v14 =	vadd.s32 v14, v21  }
0x10e: {  	v18 =	vxor.u32 v9, v23;
	v22 =	vxor.u32 v15, v22;
	v40 =	vor.u32 v56, v57  }
0x10f: {  	v41 =	vor.u32 v58, v59;
	v44 =	vxor.u32 v12, v38;
	v19 =	vxor.u32 v13, v39  }
0x110: {  	v17 =	vxor.u32 v10, v43;
	v23 =	vshrl.u32 v18, $0x6;
	v45 =	vshll.u32 v18, $0x1A  }
0x111: {  	v9 =	vadd.s32 v9, v18;
	v60 =	vshrl.u32 v22, $0x11;
	v61 =	vshll.u32 v22, $0xF  }
0x112: {  	v15 =	vadd.s32 v15, v22;
	v20 =	vxor.u32 v11, v40;
	v21 =	vxor.u32 v14, v41  }
0x113: {  	v46 =	vshrl.u32 v44, $0x6;
	v47 =	vshll.u32 v44, $0x1A;
	v48 =	vshrl.u32 v19, $0x6  }
0x114: {  	v49 =	vshll.u32 v19, $0x1A;
	v23 =	vor.u32 v23, v45;
	v56 =	vshrl.u32 v17, $0x6  }
0x115: {  	v57 =	vshll.u32 v17, $0x1A;
	v12 =	vadd.s32 v12, v44;
	v13 =	vadd.s32 v13, v19  }
0x116: {  	v10 =	vadd.s32 v10, v17;
	v42 =	vor.u32 v60, v61;
	v50 =	vshrl.u32 v20, $0x6  }
0x117: {  	v51 =	vshll.u32 v20, $0x1A;
	v52 =	vshrl.u32 v21, $0x6;
	v53 =	vshll.u32 v21, $0x1A  }
0x118: {  	v25 =	vor.u32 v46, v47;
	v58 =	vor.u32 v48, v49;
	v24 =	vor.u32 v56, v57  }
0x119: {  	v11 =	vadd.s32 v11, v20;
	v14 =	vadd.s32 v14, v21;
	v62 =	vxor.u32 v9, v23  }
0x11a: {  	v22 =	vxor.u32 v15, v42;
	v59 =	vor.u32 v50, v51;
	v60 =	vor.u32 v52, v53  }
0x11b: {  	v63 =	vxor.u32 v12, v25;
	v36 =	vxor.u32 v13, v58;
	v39 =	vshrl.u32 v62, $0x1A  }
0x11c: {  	v40 =	vxor.u32 v10, v24;
	v41 =	vshll.u32 v62, $0x6;
	v9 =	vadd.s32 v9, v62  }
0x11d: {  	v54 =	vshrl.u32 v22, $0x6;
	v55 =	vshll.u32 v22, $0x1A;
	v15 =	vadd.s32 v15, v22  }
0x11e: {  	v37 =	vxor.u32 v11, v59;
	v38 =	vxor.u32 v14, v60;
	v25 =	vshrl.u32 v63, $0x1A  }
0x11f: {  	v42 =	vshll.u32 v63, $0x6;
	v43 =	vshrl.u32 v36, $0x1A;
	v44 =	vshll.u32 v36, $0x6  }
0x120: {  	v51 =	vshrl.u32 v40, $0x1A;
	v21 =	vor.u32 v39, v41;
	v53 =	vshll.u32 v40, $0x6  }
0x121: {  	v12 =	vadd.s32 v12, v63;
	v13 =	vadd.s32 v13, v36;
	v10 =	vadd.s32 v10, v40  }
0x122: {  	v61 =	vor.u32 v54, v55;
	v45 =	vshrl.u32 v37, $0x1A;
	v46 =	vshll.u32 v37, $0x6  }
0x123: {  	v47 =	vshrl.u32 v38, $0x1A;
	v48 =	vshll.u32 v38, $0x6;
	v52 =	vor.u32 v25, v42  }
0x124: {  	v54 =	vor.u32 v43, v44;
	v25 =	vor.u32 v51, v53;
	v11 =	vadd.s32 v11, v37  }
0x125: {  	v14 =	vadd.s32 v14, v38;
	v58 =	vxor.u32 v9, v21;
	v9 =	vadd.s32 $0x1BD11BF0, v9  }
0x126: {  	v22 =	vxor.u32 v15, v61;
	v55 =	vor.u32 v45, v46;
	v56 =	vor.u32 v47, v48  }
0x127: {  	v18 =	vxor.u32 v12, v52;
	v59 =	vxor.u32 v13, v54;
	v17 =	vadd.s32 $0x5, v58  }
0x128: {  	v62 =	vxor.u32 v10, v25;
	v12 =	vadd.s32 $0x1BD11BF0, v12;
	v13 =	vadd.s32 $0x1BD11BF0, v13  }
0x129: {  	v49 =	vshrl.u32 v22, $0x1A;
	v50 =	vshll.u32 v22, $0x6;
	v15 =	vadd.s32 v15, v22  }
0x12a: {  	v60 =	vxor.u32 v11, v55;
	v61 =	vxor.u32 v14, v56;
	v18 =	vadd.s32 $0x5, v18  }
0x12b: {  	v19 =	vadd.s32 $0x5, v59;
	v22 =	vadd.s32 $0x5, v62;
	v11 =	vadd.s32 $0x1BD11BF0, v11  }
0x12c: {  	s8 =	simm.s32 $0x40;
	v14 =	vadd.s32 $0x1BD11BF0, v14;
	v9 =	vxor.u32 v9, v17;
	v57 =	vor.u32 v49, v50  }
0x12d: {  	[tilespmem:s8+$0x30] =	vst v8;
	v20 =	vadd.s32 $0x5, v60;
	v21 =	vadd.s32 $0x5, v61;
	v8 =	vadd.s32 $0x1BD11BF0, v15  }
0x12e: {  	v63 =	vxor.u32 v12, v18;
	v12 =	vxor.u32 v13, v19;
	v16 =	vxor.u32 v15, v57  }
0x12f: {  	[tilespmem:s8+$0xFFFFFFC0] =	vst v9;
	v15 =	vadd.s32 $0x1BD11BF0, v10;
	v11 =	vxor.u32 v11, v20;
	v16 =	vadd.s32 $0x5, v16  }
0x130: {  	s10 =	sadd.s32 $0x1, s4;
	s9 =	simm.s32 $0x2;
	v10 =	vxor.u32 v14, v21;
	[tilespmem:s8+$0xFFFFFFD0] =	vst v63;
	v9 =	vxor.u32 v15, v22;
	v8 =	vxor.u32 v8, v16  }
.LBB2_2:
0x131: {  	p0 =	sne.s32 s9, $0x33F;
	v14 =	vadd.s32 s10, v0;
	v13 =	vadd.s32 s10, v1;
	v17 =	vadd.s32 s10, v7;
	[tilespmem:s8+$0xFFFFFFE0] =	vst v12  }
0x132: {  	v15 =	vadd.s32 s10, v2;
	v12 =	vshrl.u32 v17, $0x13;
	v18 =	vshll.u32 v17, $0xD;
	[tilespmem:s8+$0xFFFFFFF0] =	vst v11  }
0x133: {  	v16 =	vadd.s32 s10, v3;
	v11 =	vadd.s32 s10, v4;
	v18 =	vor.u32 v12, v18;
	[tilespmem:s8+$0x0] =	vst v10  }
0x134: {  	v10 =	vadd.s32 s10, v5;
	v12 =	vadd.s32 s10, v6;
	v18 =	vxor.u32 v17, v18;
	[tilespmem:s8+$0x10] =	vst v8  }
0x135: {  	v8 =	vshrl.u32 v14, $0x13;
	v19 =	vshrl.u32 v18, $0x11;
	v20 =	vshll.u32 v18, $0xF;
	[tilespmem:s8+$0x20] =	vst v9  }
0x136: {  	v9 =	vshll.u32 v14, $0xD;
	v17 =	vadd.s32 v17, v18;
	v18 =	vor.u32 v19, v20  }
0x137: {  	v19 =	vshrl.u32 v13, $0x13;
	v20 =	vshll.u32 v13, $0xD;
	v18 =	vxor.u32 v17, v18  }
0x138: {  	v21 =	vshrl.u32 v15, $0x13;
	v22 =	vshrl.u32 v18, $0x6;
	v23 =	vshll.u32 v18, $0x1A  }
0x139: {  	v24 =	vshll.u32 v15, $0xD;
	v17 =	vadd.s32 v17, v18;
	v18 =	vor.u32 v22, v23  }
0x13a: {  	v22 =	vshrl.u32 v16, $0x13;
	v23 =	vshll.u32 v16, $0xD;
	v18 =	vxor.u32 v17, v18  }
0x13b: {  	v25 =	vshrl.u32 v11, $0x13;
	v26 =	vshrl.u32 v18, $0x1A;
	v27 =	vshll.u32 v18, $0x6  }
0x13c: {  	v28 =	vshll.u32 v11, $0xD;
	v17 =	vadd.s32 v17, v18;
	v18 =	vor.u32 v26, v27  }
0x13d: {  	v26 =	vshrl.u32 v10, $0x13;
	v27 =	vshll.u32 v10, $0xD;
	v18 =	vxor.u32 v17, v18  }
0x13e: {  	v29 =	vshrl.u32 v12, $0x13;
	v30 =	vshll.u32 v12, $0xD;
	v18 =	vadd.s32 $0x1BD11BF1, v18  }
0x13f: {  	v17 =	vadd.s32 v18, v17;
	v31 =	vshrl.u32 v18, $0xF;
	v18 =	vshll.u32 v18, $0x11  }
0x140: {  	v8 =	vor.u32 v8, v9;
	v9 =	vadd.s32 $0x2A, v17;
	v17 =	vor.u32 v31, v18  }
0x141: {  	v18 =	vor.u32 v19, v20;
	v19 =	vor.u32 v21, v24;
	v17 =	vxor.u32 v9, v17  }
0x142: {  	v20 =	vor.u32 v22, v23;
	v21 =	vshrl.u32 v17, $0x3;
	v22 =	vshll.u32 v17, $0x1D  }
0x143: {  	v23 =	vor.u32 v25, v28;
	v9 =	vadd.s32 v9, v17;
	v17 =	vor.u32 v21, v22  }
0x144: {  	v21 =	vor.u32 v26, v27;
	v22 =	vor.u32 v29, v30;
	v17 =	vxor.u32 v9, v17  }
0x145: {  	v8 =	vxor.u32 v14, v8;
	v24 =	vshrl.u32 v17, $0x10;
	v25 =	vshll.u32 v17, $0x10  }
0x146: {  	v18 =	vxor.u32 v13, v18;
	v9 =	vadd.s32 v9, v17;
	v17 =	vor.u32 v24, v25  }
0x147: {  	v19 =	vxor.u32 v15, v19;
	v20 =	vxor.u32 v16, v20;
	v17 =	vxor.u32 v9, v17  }
0x148: {  	v23 =	vxor.u32 v11, v23;
	v24 =	vshrl.u32 v17, $0x8;
	v25 =	vshll.u32 v17, $0x18  }
0x149: {  	v21 =	vxor.u32 v10, v21;
	v9 =	vadd.s32 v9, v17;
	v17 =	vor.u32 v24, v25  }
0x14a: {  	v22 =	vxor.u32 v12, v22;
	v24 =	vshrl.u32 v8, $0x11;
	v17 =	vxor.u32 v9, v17  }
0x14b: {  	v26 =	vshrl.u32 v18, $0x11;
	v25 =	vshll.u32 v8, $0xF;
	v17 =	vadd.s32 $0x2, v17  }
0x14c: {  	v9 =	vadd.s32 v17, v9;
	v27 =	vshrl.u32 v17, $0x13;
	v17 =	vshll.u32 v17, $0xD  }
0x14d: {  	v28 =	vshll.u32 v18, $0xF;
	v9 =	vadd.s32 $0x1BD11BF0, v9;
	v17 =	vor.u32 v27, v17  }
0x14e: {  	v29 =	vshll.u32 v19, $0xF;
	v27 =	vshrl.u32 v19, $0x11;
	v17 =	vxor.u32 v9, v17  }
0x14f: {  	v30 =	vshrl.u32 v20, $0x11;
	v31 =	vshrl.u32 v17, $0x11;
	v32 =	vshll.u32 v17, $0xF  }
0x150: {  	v33 =	vshll.u32 v20, $0xF;
	v9 =	vadd.s32 v9, v17;
	v17 =	vor.u32 v31, v32  }
0x151: {  	v31 =	vshrl.u32 v23, $0x11;
	v32 =	vshll.u32 v23, $0xF;
	v17 =	vxor.u32 v9, v17  }
0x152: {  	v34 =	vshrl.u32 v21, $0x11;
	v35 =	vshrl.u32 v17, $0x6;
	v36 =	vshll.u32 v17, $0x1A  }
0x153: {  	v37 =	vshll.u32 v21, $0xF;
	v9 =	vadd.s32 v9, v17;
	v17 =	vor.u32 v35, v36  }
0x154: {  	v35 =	vshrl.u32 v22, $0x11;
	v36 =	vshll.u32 v22, $0xF;
	v17 =	vxor.u32 v9, v17  }
0x155: {  	v24 =	vor.u32 v24, v25;
	v25 =	vshrl.u32 v17, $0x1A;
	v38 =	vshll.u32 v17, $0x6  }
0x156: {  	v26 =	vor.u32 v26, v28;
	v9 =	vadd.s32 v9, v17;
	v17 =	vor.u32 v25, v38  }
0x157: {  	v25 =	vor.u32 v27, v29;
	v27 =	vor.u32 v30, v33;
	v17 =	vxor.u32 v9, v17  }
0x158: {  	v28 =	vor.u32 v31, v32;
	v29 =	vor.u32 v34, v37;
	v17 =	vadd.s32 $0x2D, v17  }
0x159: {  	v30 =	vor.u32 v35, v36;
	v31 =	vshrl.u32 v17, $0xF;
	v32 =	vshll.u32 v17, $0x11  }
0x15a: {  	v8 =	vadd.s32 v14, v8;
	v9 =	vadd.s32 v9, v17;
	v14 =	vor.u32 v31, v32  }
0x15b: {  	v13 =	vadd.s32 v13, v18;
	v15 =	vadd.s32 v15, v19;
	v14 =	vxor.u32 v9, v14  }
0x15c: {  	v16 =	vadd.s32 v16, v20;
	v17 =	vshrl.u32 v14, $0x3;
	v18 =	vshll.u32 v14, $0x1D  }
0x15d: {  	v11 =	vadd.s32 v11, v23;
	v9 =	vadd.s32 v9, v14;
	v14 =	vor.u32 v17, v18  }
0x15e: {  	v10 =	vadd.s32 v10, v21;
	v12 =	vadd.s32 v12, v22;
	v14 =	vxor.u32 v9, v14  }
0x15f: {  	v17 =	vxor.u32 v8, v24;
	v18 =	vshrl.u32 v14, $0x10;
	v19 =	vshll.u32 v14, $0x10  }
0x160: {  	v20 =	vxor.u32 v13, v26;
	v9 =	vadd.s32 v9, v14;
	v14 =	vor.u32 v18, v19  }
0x161: {  	v18 =	vxor.u32 v15, v25;
	v19 =	vxor.u32 v16, v27;
	v14 =	vxor.u32 v9, v14  }
0x162: {  	v21 =	vxor.u32 v11, v28;
	v22 =	vshrl.u32 v14, $0x8;
	v23 =	vshll.u32 v14, $0x18  }
0x163: {  	v24 =	vxor.u32 v10, v29;
	v9 =	vadd.s32 v9, v14;
	v14 =	vor.u32 v22, v23  }
0x164: {  	v22 =	vshrl.u32 v17, $0x6;
	v23 =	vxor.u32 v12, v30;
	v14 =	vxor.u32 v9, v14  }
0x165: {  	v26 =	vshrl.u32 v20, $0x6;
	v25 =	vshll.u32 v17, $0x1A;
	v14 =	vadd.s32 $0x1BD11BF4, v14  }
0x166: {  	v9 =	vadd.s32 v14, v9;
	v27 =	vshrl.u32 v14, $0x13;
	v14 =	vshll.u32 v14, $0xD  }
0x167: {  	v28 =	vshll.u32 v20, $0x1A;
	v9 =	vadd.s32 $0x2A, v9;
	v14 =	vor.u32 v27, v14  }
0x168: {  	v29 =	vshll.u32 v18, $0x1A;
	v27 =	vshrl.u32 v18, $0x6;
	v14 =	vxor.u32 v9, v14  }
0x169: {  	v30 =	vshrl.u32 v19, $0x6;
	v31 =	vshrl.u32 v14, $0x11;
	v32 =	vshll.u32 v14, $0xF  }
0x16a: {  	v33 =	vshll.u32 v19, $0x1A;
	v9 =	vadd.s32 v9, v14;
	v14 =	vor.u32 v31, v32  }
0x16b: {  	v31 =	vshrl.u32 v21, $0x6;
	v32 =	vshll.u32 v21, $0x1A;
	v14 =	vxor.u32 v9, v14  }
0x16c: {  	v34 =	vshrl.u32 v24, $0x6;
	v35 =	vshrl.u32 v14, $0x6;
	v36 =	vshll.u32 v14, $0x1A  }
0x16d: {  	v37 =	vshll.u32 v24, $0x1A;
	v9 =	vadd.s32 v9, v14;
	v14 =	vor.u32 v35, v36  }
0x16e: {  	v35 =	vshrl.u32 v23, $0x6;
	v36 =	vshll.u32 v23, $0x1A;
	v14 =	vxor.u32 v9, v14  }
0x16f: {  	v22 =	vor.u32 v22, v25;
	v25 =	vshrl.u32 v14, $0x1A;
	v38 =	vshll.u32 v14, $0x6  }
0x170: {  	v26 =	vor.u32 v26, v28;
	v9 =	vadd.s32 v9, v14;
	v14 =	vor.u32 v25, v38  }
0x171: {  	v25 =	vor.u32 v27, v29;
	v27 =	vor.u32 v30, v33;
	v14 =	vxor.u32 v9, v14  }
0x172: {  	v28 =	vor.u32 v31, v32;
	v9 =	vadd.s32 $0x1BD11BF0, v9;
	v14 =	vadd.s32 $0x5, v14  }
0x173: {  	s8 =	sadd.s32 $0x80, s8;
	v29 =	vor.u32 v34, v37;
	v30 =	vor.u32 v35, v36;
	v9 =	vxor.u32 v9, v14  }
0x174: {  	v13 =	vadd.s32 v13, v20;
	v8 =	vadd.s32 v8, v17;
	v14 =	vadd.s32 v15, v18;
	[tilespmem:s8+$0x30] =	vst v9  }
0x175: {  	v11 =	vadd.s32 v11, v21;
	v10 =	vadd.s32 v10, v24;
	v9 =	vadd.s32 v16, v19  }
0x176: {  	v12 =	vadd.s32 v12, v23;
	v15 =	vxor.u32 v8, v22;
	v16 =	vxor.u32 v13, v26  }
0x177: {  	v17 =	vxor.u32 v14, v25;
	v19 =	vxor.u32 v11, v28;
	v18 =	vxor.u32 v9, v27  }
0x178: {  	v21 =	vxor.u32 v10, v29;
	v22 =	vxor.u32 v12, v30;
	v20 =	vshrl.u32 v15, $0x1A  }
0x179: {  	v23 =	vshll.u32 v15, $0x6;
	v24 =	vshrl.u32 v16, $0x1A;
	v25 =	vshll.u32 v16, $0x6  }
0x17a: {  	v26 =	vshrl.u32 v17, $0x1A;
	v27 =	vshll.u32 v17, $0x6;
	v28 =	vshrl.u32 v18, $0x1A  }
0x17b: {  	v30 =	vshrl.u32 v19, $0x1A;
	v31 =	vshll.u32 v19, $0x6;
	v29 =	vshll.u32 v18, $0x6  }
0x17c: {  	v32 =	vshrl.u32 v21, $0x1A;
	v33 =	vshll.u32 v21, $0x6;
	v34 =	vshrl.u32 v22, $0x1A  }
0x17d: {  	v20 =	vor.u32 v20, v23;
	v23 =	vor.u32 v24, v25;
	v24 =	vshll.u32 v22, $0x6  }
0x17e: {  	v25 =	vor.u32 v26, v27;
	v27 =	vor.u32 v30, v31;
	v26 =	vor.u32 v28, v29  }
0x17f: {  	v8 =	vadd.s32 v8, v15;
	v15 =	vor.u32 v32, v33;
	v24 =	vor.u32 v34, v24  }
0x180: {  	v13 =	vadd.s32 v13, v16;
	v14 =	vadd.s32 v14, v17;
	v9 =	vadd.s32 v9, v18  }
0x181: {  	v10 =	vadd.s32 v10, v21;
	v12 =	vadd.s32 v12, v22;
	v11 =	vadd.s32 v11, v19  }
0x182: {  	v16 =	vxor.u32 v8, v20;
	v17 =	vxor.u32 v13, v23;
	v18 =	vxor.u32 v14, v25  }
0x183: {  	v15 =	vxor.u32 v10, v15;
	v20 =	vxor.u32 v11, v27;
	v19 =	vxor.u32 v9, v26  }
0x184: {  	v16 =	vadd.s32 $0x1BD11BF1, v16;
	v17 =	vadd.s32 $0x1BD11BF1, v17;
	v21 =	vxor.u32 v12, v24  }
0x185: {  	v18 =	vadd.s32 $0x1BD11BF1, v18;
	v20 =	vadd.s32 $0x1BD11BF1, v20;
	v19 =	vadd.s32 $0x1BD11BF1, v19  }
0x186: {  	v15 =	vadd.s32 $0x1BD11BF1, v15;
	v8 =	vadd.s32 v16, v8;
	v21 =	vadd.s32 $0x1BD11BF1, v21  }
0x187: {  	v22 =	vshrl.u32 v16, $0xF;
	v16 =	vshll.u32 v16, $0x11;
	v13 =	vadd.s32 v17, v13  }
0x188: {  	v23 =	vshrl.u32 v17, $0xF;
	v17 =	vshll.u32 v17, $0x11;
	v14 =	vadd.s32 v18, v14  }
0x189: {  	v24 =	vshrl.u32 v18, $0xF;
	v18 =	vshll.u32 v18, $0x11;
	v9 =	vadd.s32 v19, v9  }
0x18a: {  	v11 =	vadd.s32 v20, v11;
	v25 =	vshrl.u32 v19, $0xF;
	v19 =	vshll.u32 v19, $0x11  }
0x18b: {  	v10 =	vadd.s32 v15, v10;
	v26 =	vshrl.u32 v20, $0xF;
	v20 =	vshll.u32 v20, $0x11  }
0x18c: {  	v27 =	vshrl.u32 v15, $0xF;
	v15 =	vshll.u32 v15, $0x11;
	v12 =	vadd.s32 v21, v12  }
0x18d: {  	v8 =	vadd.s32 $0x2A, v8;
	v28 =	vshrl.u32 v21, $0xF;
	v21 =	vshll.u32 v21, $0x11  }
0x18e: {  	v16 =	vor.u32 v22, v16;
	v13 =	vadd.s32 $0x2A, v13;
	v17 =	vor.u32 v23, v17  }
0x18f: {  	v14 =	vadd.s32 $0x2A, v14;
	v18 =	vor.u32 v24, v18;
	v9 =	vadd.s32 $0x2A, v9  }
0x190: {  	v11 =	vadd.s32 $0x2A, v11;
	v20 =	vor.u32 v26, v20;
	v19 =	vor.u32 v25, v19  }
0x191: {  	v10 =	vadd.s32 $0x2A, v10;
	v15 =	vor.u32 v27, v15;
	v12 =	vadd.s32 $0x2A, v12  }
0x192: {  	v16 =	vxor.u32 v8, v16;
	v17 =	vxor.u32 v13, v17;
	v21 =	vor.u32 v28, v21  }
0x193: {  	v18 =	vxor.u32 v14, v18;
	v20 =	vxor.u32 v11, v20;
	v19 =	vxor.u32 v9, v19  }
0x194: {  	v15 =	vxor.u32 v10, v15;
	v22 =	vshrl.u32 v16, $0x3;
	v21 =	vxor.u32 v12, v21  }
0x195: {  	v23 =	vshll.u32 v16, $0x1D;
	v24 =	vshrl.u32 v17, $0x3;
	v25 =	vshll.u32 v17, $0x1D  }
0x196: {  	v26 =	vshrl.u32 v18, $0x3;
	v27 =	vshll.u32 v18, $0x1D;
	v28 =	vshrl.u32 v19, $0x3  }
0x197: {  	v30 =	vshrl.u32 v20, $0x3;
	v31 =	vshll.u32 v20, $0x1D;
	v29 =	vshll.u32 v19, $0x1D  }
0x198: {  	v32 =	vshrl.u32 v15, $0x3;
	v33 =	vshll.u32 v15, $0x1D;
	v34 =	vshrl.u32 v21, $0x3  }
0x199: {  	v22 =	vor.u32 v22, v23;
	v23 =	vor.u32 v24, v25;
	v24 =	vshll.u32 v21, $0x1D  }
0x19a: {  	v25 =	vor.u32 v26, v27;
	v27 =	vor.u32 v30, v31;
	v26 =	vor.u32 v28, v29  }
0x19b: {  	v8 =	vadd.s32 v8, v16;
	v16 =	vor.u32 v32, v33;
	v24 =	vor.u32 v34, v24  }
0x19c: {  	v13 =	vadd.s32 v13, v17;
	v14 =	vadd.s32 v14, v18;
	v9 =	vadd.s32 v9, v19  }
0x19d: {  	v10 =	vadd.s32 v10, v15;
	v11 =	vadd.s32 v11, v20;
	v12 =	vadd.s32 v12, v21  }
0x19e: {  	v15 =	vxor.u32 v8, v22;
	v17 =	vxor.u32 v13, v23;
	v18 =	vxor.u32 v14, v25  }
0x19f: {  	v16 =	vxor.u32 v10, v16;
	v20 =	vxor.u32 v11, v27;
	v19 =	vxor.u32 v9, v26  }
0x1a0: {  	v21 =	vshrl.u32 v15, $0x10;
	v22 =	vshll.u32 v15, $0x10;
	v23 =	vxor.u32 v12, v24  }
0x1a1: {  	v24 =	vshrl.u32 v17, $0x10;
	v25 =	vshll.u32 v17, $0x10;
	v26 =	vshrl.u32 v18, $0x10  }
0x1a2: {  	v27 =	vshll.u32 v18, $0x10;
	v28 =	vshrl.u32 v19, $0x10;
	v29 =	vshll.u32 v19, $0x10  }
0x1a3: {  	v32 =	vshrl.u32 v16, $0x10;
	v30 =	vshrl.u32 v20, $0x10;
	v31 =	vshll.u32 v20, $0x10  }
0x1a4: {  	v33 =	vshll.u32 v16, $0x10;
	v34 =	vshrl.u32 v23, $0x10;
	v35 =	vshll.u32 v23, $0x10  }
0x1a5: {  	v21 =	vor.u32 v21, v22;
	v22 =	vor.u32 v24, v25;
	v24 =	vor.u32 v26, v27  }
0x1a6: {  	v26 =	vor.u32 v30, v31;
	v27 =	vor.u32 v32, v33;
	v25 =	vor.u32 v28, v29  }
0x1a7: {  	v8 =	vadd.s32 v8, v15;
	v13 =	vadd.s32 v13, v17;
	v15 =	vor.u32 v34, v35  }
0x1a8: {  	v14 =	vadd.s32 v14, v18;
	v11 =	vadd.s32 v11, v20;
	v9 =	vadd.s32 v9, v19  }
0x1a9: {  	v10 =	vadd.s32 v10, v16;
	v17 =	vxor.u32 v8, v21;
	v12 =	vadd.s32 v12, v23  }
0x1aa: {  	v16 =	vxor.u32 v13, v22;
	v18 =	vxor.u32 v14, v24;
	v19 =	vxor.u32 v9, v25  }
0x1ab: {  	v20 =	vxor.u32 v11, v26;
	v21 =	vxor.u32 v10, v27;
	v15 =	vxor.u32 v12, v15  }
0x1ac: {  	v22 =	vshrl.u32 v17, $0x8;
	v23 =	vshll.u32 v17, $0x18;
	v24 =	vshrl.u32 v16, $0x8  }
0x1ad: {  	v25 =	vshll.u32 v16, $0x18;
	v26 =	vshrl.u32 v18, $0x8;
	v27 =	vshll.u32 v18, $0x18  }
0x1ae: {  	v30 =	vshrl.u32 v20, $0x8;
	v28 =	vshrl.u32 v19, $0x8;
	v29 =	vshll.u32 v19, $0x18  }
0x1af: {  	v31 =	vshll.u32 v20, $0x18;
	v32 =	vshrl.u32 v21, $0x8;
	v33 =	vshll.u32 v21, $0x18  }
0x1b0: {  	v22 =	vor.u32 v22, v23;
	v23 =	vshrl.u32 v15, $0x8;
	v34 =	vshll.u32 v15, $0x18  }
0x1b1: {  	v24 =	vor.u32 v24, v25;
	v25 =	vor.u32 v26, v27;
	v26 =	vor.u32 v28, v29  }
0x1b2: {  	v27 =	vor.u32 v30, v31;
	v28 =	vor.u32 v32, v33;
	v23 =	vor.u32 v23, v34  }
0x1b3: {  	v8 =	vadd.s32 v8, v17;
	v13 =	vadd.s32 v13, v16;
	v14 =	vadd.s32 v14, v18  }
0x1b4: {  	v11 =	vadd.s32 v11, v20;
	v10 =	vadd.s32 v10, v21;
	v9 =	vadd.s32 v9, v19  }
0x1b5: {  	v16 =	vxor.u32 v8, v22;
	v12 =	vadd.s32 v12, v15;
	v17 =	vxor.u32 v13, v24  }
0x1b6: {  	v15 =	vxor.u32 v14, v25;
	v19 =	vxor.u32 v11, v27;
	v18 =	vxor.u32 v9, v26  }
0x1b7: {  	v16 =	vadd.s32 $0x2, v16;
	v20 =	vxor.u32 v10, v28;
	v21 =	vxor.u32 v12, v23  }
0x1b8: {  	v17 =	vadd.s32 $0x2, v17;
	v15 =	vadd.s32 $0x2, v15;
	v18 =	vadd.s32 $0x2, v18  }
0x1b9: {  	v19 =	vadd.s32 $0x2, v19;
	v20 =	vadd.s32 $0x2, v20;
	v21 =	vadd.s32 $0x2, v21  }
0x1ba: {  	v8 =	vadd.s32 v16, v8;
	v22 =	vshrl.u32 v16, $0x13;
	v16 =	vshll.u32 v16, $0xD  }
0x1bb: {  	v13 =	vadd.s32 v17, v13;
	v23 =	vshrl.u32 v17, $0x13;
	v17 =	vshll.u32 v17, $0xD  }
0x1bc: {  	v14 =	vadd.s32 v15, v14;
	v24 =	vshrl.u32 v15, $0x13;
	v15 =	vshll.u32 v15, $0xD  }
0x1bd: {  	v9 =	vadd.s32 v18, v9;
	v25 =	vshrl.u32 v18, $0x13;
	v18 =	vshll.u32 v18, $0xD  }
0x1be: {  	v11 =	vadd.s32 v19, v11;
	v26 =	vshrl.u32 v19, $0x13;
	v19 =	vshll.u32 v19, $0xD  }
0x1bf: {  	v10 =	vadd.s32 v20, v10;
	v27 =	vshrl.u32 v20, $0x13;
	v20 =	vshll.u32 v20, $0xD  }
0x1c0: {  	v12 =	vadd.s32 v21, v12;
	v28 =	vshrl.u32 v21, $0x13;
	v21 =	vshll.u32 v21, $0xD  }
0x1c1: {  	v8 =	vadd.s32 $0x1BD11BF0, v8;
	v16 =	vor.u32 v22, v16;
	v13 =	vadd.s32 $0x1BD11BF0, v13  }
0x1c2: {  	v17 =	vor.u32 v23, v17;
	v14 =	vadd.s32 $0x1BD11BF0, v14;
	v15 =	vor.u32 v24, v15  }
0x1c3: {  	v11 =	vadd.s32 $0x1BD11BF0, v11;
	v9 =	vadd.s32 $0x1BD11BF0, v9;
	v18 =	vor.u32 v25, v18  }
0x1c4: {  	v19 =	vor.u32 v26, v19;
	v10 =	vadd.s32 $0x1BD11BF0, v10;
	v20 =	vor.u32 v27, v20  }
0x1c5: {  	v16 =	vxor.u32 v8, v16;
	v12 =	vadd.s32 $0x1BD11BF0, v12;
	v21 =	vor.u32 v28, v21  }
0x1c6: {  	v17 =	vxor.u32 v13, v17;
	v15 =	vxor.u32 v14, v15;
	v18 =	vxor.u32 v9, v18  }
0x1c7: {  	v19 =	vxor.u32 v11, v19;
	v20 =	vxor.u32 v10, v20;
	v21 =	vxor.u32 v12, v21  }
0x1c8: {  	v22 =	vshrl.u32 v16, $0x11;
	v23 =	vshll.u32 v16, $0xF;
	v24 =	vshrl.u32 v17, $0x11  }
0x1c9: {  	v25 =	vshll.u32 v17, $0xF;
	v26 =	vshrl.u32 v15, $0x11;
	v27 =	vshll.u32 v15, $0xF  }
0x1ca: {  	v30 =	vshrl.u32 v19, $0x11;
	v28 =	vshrl.u32 v18, $0x11;
	v29 =	vshll.u32 v18, $0xF  }
0x1cb: {  	v31 =	vshll.u32 v19, $0xF;
	v32 =	vshrl.u32 v20, $0x11;
	v33 =	vshll.u32 v20, $0xF  }
0x1cc: {  	v22 =	vor.u32 v22, v23;
	v23 =	vshrl.u32 v21, $0x11;
	v34 =	vshll.u32 v21, $0xF  }
0x1cd: {  	v24 =	vor.u32 v24, v25;
	v25 =	vor.u32 v26, v27;
	v26 =	vor.u32 v28, v29  }
0x1ce: {  	v27 =	vor.u32 v30, v31;
	v28 =	vor.u32 v32, v33;
	v23 =	vor.u32 v23, v34  }
0x1cf: {  	v8 =	vadd.s32 v8, v16;
	v13 =	vadd.s32 v13, v17;
	v14 =	vadd.s32 v14, v15  }
0x1d0: {  	v11 =	vadd.s32 v11, v19;
	v9 =	vadd.s32 v9, v18;
	v10 =	vadd.s32 v10, v20  }
0x1d1: {  	v15 =	vxor.u32 v8, v22;
	v12 =	vadd.s32 v12, v21;
	v16 =	vxor.u32 v13, v24  }
0x1d2: {  	v17 =	vxor.u32 v14, v25;
	v19 =	vxor.u32 v11, v27;
	v18 =	vxor.u32 v9, v26  }
0x1d3: {  	v20 =	vshrl.u32 v15, $0x6;
	v21 =	vxor.u32 v10, v28;
	v22 =	vxor.u32 v12, v23  }
0x1d4: {  	v23 =	vshll.u32 v15, $0x1A;
	v24 =	vshrl.u32 v16, $0x6;
	v25 =	vshll.u32 v16, $0x1A  }
0x1d5: {  	v26 =	vshrl.u32 v17, $0x6;
	v27 =	vshll.u32 v17, $0x1A;
	v28 =	vshrl.u32 v18, $0x6  }
0x1d6: {  	v30 =	vshrl.u32 v19, $0x6;
	v31 =	vshll.u32 v19, $0x1A;
	v29 =	vshll.u32 v18, $0x1A  }
0x1d7: {  	v32 =	vshrl.u32 v21, $0x6;
	v33 =	vshll.u32 v21, $0x1A;
	v34 =	vshrl.u32 v22, $0x6  }
0x1d8: {  	v20 =	vor.u32 v20, v23;
	v23 =	vor.u32 v24, v25;
	v24 =	vshll.u32 v22, $0x1A  }
0x1d9: {  	v25 =	vor.u32 v26, v27;
	v27 =	vor.u32 v30, v31;
	v26 =	vor.u32 v28, v29  }
0x1da: {  	v8 =	vadd.s32 v8, v15;
	v15 =	vor.u32 v32, v33;
	v24 =	vor.u32 v34, v24  }
0x1db: {  	v13 =	vadd.s32 v13, v16;
	v14 =	vadd.s32 v14, v17;
	v9 =	vadd.s32 v9, v18  }
0x1dc: {  	v11 =	vadd.s32 v11, v19;
	v10 =	vadd.s32 v10, v21;
	v12 =	vadd.s32 v12, v22  }
0x1dd: {  	v16 =	vxor.u32 v8, v20;
	v17 =	vxor.u32 v13, v23;
	v18 =	vxor.u32 v14, v25  }
0x1de: {  	v20 =	vxor.u32 v11, v27;
	v19 =	vxor.u32 v9, v26;
	v15 =	vxor.u32 v10, v15  }
0x1df: {  	v21 =	vshrl.u32 v16, $0x1A;
	v22 =	vshll.u32 v16, $0x6;
	v23 =	vxor.u32 v12, v24  }
0x1e0: {  	v24 =	vshrl.u32 v17, $0x1A;
	v25 =	vshll.u32 v17, $0x6;
	v26 =	vshrl.u32 v18, $0x1A  }
0x1e1: {  	v27 =	vshll.u32 v18, $0x6;
	v28 =	vshrl.u32 v19, $0x1A;
	v29 =	vshll.u32 v19, $0x6  }
0x1e2: {  	v30 =	vshrl.u32 v20, $0x1A;
	v31 =	vshll.u32 v20, $0x6;
	v32 =	vshrl.u32 v15, $0x1A  }
0x1e3: {  	v33 =	vshll.u32 v15, $0x6;
	v34 =	vshrl.u32 v23, $0x1A;
	v35 =	vshll.u32 v23, $0x6  }
0x1e4: {  	v21 =	vor.u32 v21, v22;
	v22 =	vor.u32 v24, v25;
	v24 =	vor.u32 v26, v27  }
0x1e5: {  	v26 =	vor.u32 v30, v31;
	v25 =	vor.u32 v28, v29;
	v27 =	vor.u32 v32, v33  }
0x1e6: {  	v8 =	vadd.s32 v8, v16;
	v13 =	vadd.s32 v13, v17;
	v16 =	vor.u32 v34, v35  }
0x1e7: {  	v14 =	vadd.s32 v14, v18;
	v11 =	vadd.s32 v11, v20;
	v9 =	vadd.s32 v9, v19  }
0x1e8: {  	v10 =	vadd.s32 v10, v15;
	v12 =	vadd.s32 v12, v23;
	v17 =	vxor.u32 v8, v21  }
0x1e9: {  	v15 =	vxor.u32 v13, v22;
	v18 =	vxor.u32 v14, v24;
	v19 =	vxor.u32 v9, v25  }
0x1ea: {  	v20 =	vxor.u32 v11, v26;
	v21 =	vxor.u32 v10, v27;
	v16 =	vxor.u32 v12, v16  }
0x1eb: {  	v17 =	vadd.s32 $0x2D, v17;
	v15 =	vadd.s32 $0x2D, v15;
	v18 =	vadd.s32 $0x2D, v18  }
0x1ec: {  	v20 =	vadd.s32 $0x2D, v20;
	v19 =	vadd.s32 $0x2D, v19;
	v21 =	vadd.s32 $0x2D, v21  }
0x1ed: {  	v22 =	vshrl.u32 v17, $0xF;
	v23 =	vshll.u32 v17, $0x11;
	v16 =	vadd.s32 $0x2D, v16  }
0x1ee: {  	v24 =	vshrl.u32 v15, $0xF;
	v25 =	vshll.u32 v15, $0x11;
	v26 =	vshrl.u32 v18, $0xF  }
0x1ef: {  	v27 =	vshll.u32 v18, $0x11;
	v28 =	vshrl.u32 v19, $0xF;
	v29 =	vshll.u32 v19, $0x11  }
0x1f0: {  	v30 =	vshrl.u32 v20, $0xF;
	v31 =	vshll.u32 v20, $0x11;
	v32 =	vshrl.u32 v21, $0xF  }
0x1f1: {  	v33 =	vshll.u32 v21, $0x11;
	v34 =	vshrl.u32 v16, $0xF;
	v35 =	vshll.u32 v16, $0x11  }
0x1f2: {  	v22 =	vor.u32 v22, v23;
	v23 =	vor.u32 v24, v25;
	v24 =	vor.u32 v26, v27  }
0x1f3: {  	v26 =	vor.u32 v30, v31;
	v25 =	vor.u32 v28, v29;
	v27 =	vor.u32 v32, v33  }
0x1f4: {  	v8 =	vadd.s32 v8, v17;
	v13 =	vadd.s32 v13, v15;
	v15 =	vor.u32 v34, v35  }
0x1f5: {  	v14 =	vadd.s32 v14, v18;
	v11 =	vadd.s32 v11, v20;
	v9 =	vadd.s32 v9, v19  }
0x1f6: {  	v10 =	vadd.s32 v10, v21;
	v12 =	vadd.s32 v12, v16;
	v17 =	vxor.u32 v8, v22  }
0x1f7: {  	v16 =	vxor.u32 v13, v23;
	v18 =	vxor.u32 v14, v24;
	v19 =	vxor.u32 v9, v25  }
0x1f8: {  	v20 =	vxor.u32 v11, v26;
	v21 =	vxor.u32 v10, v27;
	v15 =	vxor.u32 v12, v15  }
0x1f9: {  	v22 =	vshrl.u32 v17, $0x3;
	v23 =	vshll.u32 v17, $0x1D;
	v24 =	vshrl.u32 v16, $0x3  }
0x1fa: {  	v25 =	vshll.u32 v16, $0x1D;
	v26 =	vshrl.u32 v18, $0x3;
	v27 =	vshll.u32 v18, $0x1D  }
0x1fb: {  	v30 =	vshrl.u32 v20, $0x3;
	v28 =	vshrl.u32 v19, $0x3;
	v29 =	vshll.u32 v19, $0x1D  }
0x1fc: {  	v31 =	vshll.u32 v20, $0x1D;
	v32 =	vshrl.u32 v21, $0x3;
	v33 =	vshll.u32 v21, $0x1D  }
0x1fd: {  	v22 =	vor.u32 v22, v23;
	v23 =	vshrl.u32 v15, $0x3;
	v34 =	vshll.u32 v15, $0x1D  }
0x1fe: {  	v24 =	vor.u32 v24, v25;
	v25 =	vor.u32 v26, v27;
	v26 =	vor.u32 v28, v29  }
0x1ff: {  	v27 =	vor.u32 v30, v31;
	v28 =	vor.u32 v32, v33;
	v23 =	vor.u32 v23, v34  }
0x200: {  	v8 =	vadd.s32 v8, v17;
	v13 =	vadd.s32 v13, v16;
	v14 =	vadd.s32 v14, v18  }
0x201: {  	v11 =	vadd.s32 v11, v20;
	v9 =	vadd.s32 v9, v19;
	v10 =	vadd.s32 v10, v21  }
0x202: {  	v12 =	vadd.s32 v12, v15;
	v16 =	vxor.u32 v8, v22;
	v17 =	vxor.u32 v13, v24  }
0x203: {  	v15 =	vxor.u32 v14, v25;
	v19 =	vxor.u32 v11, v27;
	v18 =	vxor.u32 v9, v26  }
0x204: {  	v20 =	vshrl.u32 v16, $0x10;
	v21 =	vxor.u32 v10, v28;
	v22 =	vxor.u32 v12, v23  }
0x205: {  	v23 =	vshll.u32 v16, $0x10;
	v24 =	vshrl.u32 v17, $0x10;
	v25 =	vshll.u32 v17, $0x10  }
0x206: {  	v26 =	vshrl.u32 v15, $0x10;
	v27 =	vshll.u32 v15, $0x10;
	v28 =	vshrl.u32 v18, $0x10  }
0x207: {  	v30 =	vshrl.u32 v19, $0x10;
	v31 =	vshll.u32 v19, $0x10;
	v29 =	vshll.u32 v18, $0x10  }
0x208: {  	v32 =	vshrl.u32 v21, $0x10;
	v33 =	vshll.u32 v21, $0x10;
	v34 =	vshrl.u32 v22, $0x10  }
0x209: {  	v20 =	vor.u32 v20, v23;
	v23 =	vor.u32 v24, v25;
	v24 =	vshll.u32 v22, $0x10  }
0x20a: {  	v25 =	vor.u32 v26, v27;
	v27 =	vor.u32 v30, v31;
	v26 =	vor.u32 v28, v29  }
0x20b: {  	v8 =	vadd.s32 v8, v16;
	v16 =	vor.u32 v32, v33;
	v24 =	vor.u32 v34, v24  }
0x20c: {  	v13 =	vadd.s32 v13, v17;
	v14 =	vadd.s32 v14, v15;
	v9 =	vadd.s32 v9, v18  }
0x20d: {  	v11 =	vadd.s32 v11, v19;
	v10 =	vadd.s32 v10, v21;
	v12 =	vadd.s32 v12, v22  }
0x20e: {  	v15 =	vxor.u32 v8, v20;
	v17 =	vxor.u32 v13, v23;
	v18 =	vxor.u32 v14, v25  }
0x20f: {  	v20 =	vxor.u32 v11, v27;
	v19 =	vxor.u32 v9, v26;
	v16 =	vxor.u32 v10, v16  }
0x210: {  	v21 =	vshrl.u32 v15, $0x8;
	v22 =	vshll.u32 v15, $0x18;
	v23 =	vxor.u32 v12, v24  }
0x211: {  	v24 =	vshrl.u32 v17, $0x8;
	v25 =	vshll.u32 v17, $0x18;
	v26 =	vshrl.u32 v18, $0x8  }
0x212: {  	v27 =	vshll.u32 v18, $0x18;
	v28 =	vshrl.u32 v19, $0x8;
	v29 =	vshll.u32 v19, $0x18  }
0x213: {  	v30 =	vshrl.u32 v20, $0x8;
	v31 =	vshll.u32 v20, $0x18;
	v32 =	vshrl.u32 v16, $0x8  }
0x214: {  	v33 =	vshll.u32 v16, $0x18;
	v34 =	vshrl.u32 v23, $0x8;
	v35 =	vshll.u32 v23, $0x18  }
0x215: {  	v21 =	vor.u32 v21, v22;
	v22 =	vor.u32 v24, v25;
	v24 =	vor.u32 v26, v27  }
0x216: {  	v26 =	vor.u32 v30, v31;
	v25 =	vor.u32 v28, v29;
	v27 =	vor.u32 v32, v33  }
0x217: {  	v8 =	vadd.s32 v8, v15;
	v13 =	vadd.s32 v13, v17;
	v15 =	vor.u32 v34, v35  }
0x218: {  	v14 =	vadd.s32 v14, v18;
	v11 =	vadd.s32 v11, v20;
	v9 =	vadd.s32 v9, v19  }
0x219: {  	v10 =	vadd.s32 v10, v16;
	v12 =	vadd.s32 v12, v23;
	v17 =	vxor.u32 v8, v21  }
0x21a: {  	v16 =	vxor.u32 v13, v22;
	v18 =	vxor.u32 v14, v24;
	v19 =	vxor.u32 v9, v25  }
0x21b: {  	v20 =	vxor.u32 v11, v26;
	v21 =	vxor.u32 v10, v27;
	v15 =	vxor.u32 v12, v15  }
0x21c: {  	v17 =	vadd.s32 $0x1BD11BF4, v17;
	v16 =	vadd.s32 $0x1BD11BF4, v16;
	v18 =	vadd.s32 $0x1BD11BF4, v18  }
0x21d: {  	v20 =	vadd.s32 $0x1BD11BF4, v20;
	v19 =	vadd.s32 $0x1BD11BF4, v19;
	v21 =	vadd.s32 $0x1BD11BF4, v21  }
0x21e: {  	v8 =	vadd.s32 v17, v8;
	v22 =	vshrl.u32 v17, $0x13;
	v15 =	vadd.s32 $0x1BD11BF4, v15  }
0x21f: {  	v17 =	vshll.u32 v17, $0xD;
	v13 =	vadd.s32 v16, v13;
	v23 =	vshrl.u32 v16, $0x13  }
0x220: {  	v16 =	vshll.u32 v16, $0xD;
	v14 =	vadd.s32 v18, v14;
	v24 =	vshrl.u32 v18, $0x13  }
0x221: {  	v18 =	vshll.u32 v18, $0xD;
	v9 =	vadd.s32 v19, v9;
	v25 =	vshrl.u32 v19, $0x13  }
0x222: {  	v11 =	vadd.s32 v20, v11;
	v26 =	vshrl.u32 v20, $0x13;
	v19 =	vshll.u32 v19, $0xD  }
0x223: {  	v20 =	vshll.u32 v20, $0xD;
	v10 =	vadd.s32 v21, v10;
	v27 =	vshrl.u32 v21, $0x13  }
0x224: {  	v21 =	vshll.u32 v21, $0xD;
	v12 =	vadd.s32 v15, v12;
	v28 =	vshrl.u32 v15, $0x13  }
0x225: {  	v8 =	vadd.s32 $0x2A, v8;
	v17 =	vor.u32 v22, v17;
	v15 =	vshll.u32 v15, $0xD  }
0x226: {  	v13 =	vadd.s32 $0x2A, v13;
	v16 =	vor.u32 v23, v16;
	v14 =	vadd.s32 $0x2A, v14  }
0x227: {  	v18 =	vor.u32 v24, v18;
	v9 =	vadd.s32 $0x2A, v9;
	v19 =	vor.u32 v25, v19  }
0x228: {  	v11 =	vadd.s32 $0x2A, v11;
	v20 =	vor.u32 v26, v20;
	v10 =	vadd.s32 $0x2A, v10  }
0x229: {  	v21 =	vor.u32 v27, v21;
	v12 =	vadd.s32 $0x2A, v12;
	v15 =	vor.u32 v28, v15  }
0x22a: {  	v17 =	vxor.u32 v8, v17;
	v16 =	vxor.u32 v13, v16;
	v18 =	vxor.u32 v14, v18  }
0x22b: {  	v20 =	vxor.u32 v11, v20;
	v19 =	vxor.u32 v9, v19;
	v21 =	vxor.u32 v10, v21  }
0x22c: {  	v22 =	vshrl.u32 v17, $0x11;
	v23 =	vshll.u32 v17, $0xF;
	v15 =	vxor.u32 v12, v15  }
0x22d: {  	v24 =	vshrl.u32 v16, $0x11;
	v25 =	vshll.u32 v16, $0xF;
	v26 =	vshrl.u32 v18, $0x11  }
0x22e: {  	v27 =	vshll.u32 v18, $0xF;
	v28 =	vshrl.u32 v19, $0x11;
	v29 =	vshll.u32 v19, $0xF  }
0x22f: {  	v30 =	vshrl.u32 v20, $0x11;
	v31 =	vshll.u32 v20, $0xF;
	v32 =	vshrl.u32 v21, $0x11  }
0x230: {  	v33 =	vshll.u32 v21, $0xF;
	v34 =	vshrl.u32 v15, $0x11;
	v35 =	vshll.u32 v15, $0xF  }
0x231: {  	v22 =	vor.u32 v22, v23;
	v23 =	vor.u32 v24, v25;
	v24 =	vor.u32 v26, v27  }
0x232: {  	v26 =	vor.u32 v30, v31;
	v25 =	vor.u32 v28, v29;
	v27 =	vor.u32 v32, v33  }
0x233: {  	v8 =	vadd.s32 v8, v17;
	v13 =	vadd.s32 v13, v16;
	v16 =	vor.u32 v34, v35  }
0x234: {  	v14 =	vadd.s32 v14, v18;
	v11 =	vadd.s32 v11, v20;
	v9 =	vadd.s32 v9, v19  }
0x235: {  	v10 =	vadd.s32 v10, v21;
	v12 =	vadd.s32 v12, v15;
	v17 =	vxor.u32 v8, v22  }
0x236: {  	v15 =	vxor.u32 v13, v23;
	v18 =	vxor.u32 v14, v24;
	v19 =	vxor.u32 v9, v25  }
0x237: {  	v20 =	vxor.u32 v11, v26;
	v21 =	vxor.u32 v10, v27;
	v16 =	vxor.u32 v12, v16  }
0x238: {  	v22 =	vshrl.u32 v17, $0x6;
	v23 =	vshll.u32 v17, $0x1A;
	v24 =	vshrl.u32 v15, $0x6  }
0x239: {  	v25 =	vshll.u32 v15, $0x1A;
	v26 =	vshrl.u32 v18, $0x6;
	v27 =	vshll.u32 v18, $0x1A  }
0x23a: {  	v30 =	vshrl.u32 v20, $0x6;
	v28 =	vshrl.u32 v19, $0x6;
	v29 =	vshll.u32 v19, $0x1A  }
0x23b: {  	v31 =	vshll.u32 v20, $0x1A;
	v32 =	vshrl.u32 v21, $0x6;
	v33 =	vshll.u32 v21, $0x1A  }
0x23c: {  	v22 =	vor.u32 v22, v23;
	v23 =	vshrl.u32 v16, $0x6;
	v34 =	vshll.u32 v16, $0x1A  }
0x23d: {  	v24 =	vor.u32 v24, v25;
	v25 =	vor.u32 v26, v27;
	v26 =	vor.u32 v28, v29  }
0x23e: {  	v27 =	vor.u32 v30, v31;
	v28 =	vor.u32 v32, v33;
	v23 =	vor.u32 v23, v34  }
0x23f: {  	v8 =	vadd.s32 v8, v17;
	v13 =	vadd.s32 v13, v15;
	v14 =	vadd.s32 v14, v18  }
0x240: {  	v11 =	vadd.s32 v11, v20;
	v9 =	vadd.s32 v9, v19;
	v10 =	vadd.s32 v10, v21  }
0x241: {  	v12 =	vadd.s32 v12, v16;
	v15 =	vxor.u32 v8, v22;
	v17 =	vxor.u32 v13, v24  }
0x242: {  	v16 =	vxor.u32 v14, v25;
	v19 =	vxor.u32 v11, v27;
	v18 =	vxor.u32 v9, v26  }
0x243: {  	v20 =	vshrl.u32 v15, $0x1A;
	v21 =	vxor.u32 v10, v28;
	v22 =	vxor.u32 v12, v23  }
0x244: {  	v23 =	vshll.u32 v15, $0x6;
	v24 =	vshrl.u32 v17, $0x1A;
	v25 =	vshll.u32 v17, $0x6  }
0x245: {  	v26 =	vshrl.u32 v16, $0x1A;
	v27 =	vshll.u32 v16, $0x6;
	v28 =	vshrl.u32 v18, $0x1A  }
0x246: {  	v30 =	vshrl.u32 v19, $0x1A;
	v31 =	vshll.u32 v19, $0x6;
	v29 =	vshll.u32 v18, $0x6  }
0x247: {  	v32 =	vshrl.u32 v21, $0x1A;
	v33 =	vshll.u32 v21, $0x6;
	v34 =	vshrl.u32 v22, $0x1A  }
0x248: {  	v20 =	vor.u32 v20, v23;
	v23 =	vor.u32 v24, v25;
	v24 =	vshll.u32 v22, $0x6  }
0x249: {  	v25 =	vor.u32 v26, v27;
	v27 =	vor.u32 v30, v31;
	v26 =	vor.u32 v28, v29  }
0x24a: {  	v8 =	vadd.s32 v8, v15;
	v15 =	vor.u32 v32, v33;
	v24 =	vor.u32 v34, v24  }
0x24b: {  	v13 =	vadd.s32 v13, v17;
	v14 =	vadd.s32 v14, v16;
	v9 =	vadd.s32 v9, v18  }
0x24c: {  	v11 =	vadd.s32 v11, v19;
	v10 =	vadd.s32 v10, v21;
	v12 =	vadd.s32 v12, v22  }
0x24d: {  	v16 =	vxor.u32 v8, v20;
	v17 =	vxor.u32 v13, v23;
	v18 =	vxor.u32 v14, v25  }
0x24e: {  	v20 =	vxor.u32 v11, v27;
	v19 =	vxor.u32 v9, v26;
	v15 =	vxor.u32 v10, v15  }
0x24f: {  	v16 =	vadd.s32 $0x5, v16;
	v17 =	vadd.s32 $0x5, v17;
	v21 =	vxor.u32 v12, v24  }
0x250: {  	v18 =	vadd.s32 $0x5, v18;
	v20 =	vadd.s32 $0x5, v20;
	v19 =	vadd.s32 $0x5, v19  }
0x251: {  	v8 =	vadd.s32 $0x1BD11BF0, v8;
	v15 =	vadd.s32 $0x5, v15;
	v21 =	vadd.s32 $0x5, v21  }
.Ltmp0:
0x252: {  	v13 =	vadd.s32 $0x1BD11BF0, v13;
	v14 =	vadd.s32 $0x1BD11BF0, v14;
	v9 =	vadd.s32 $0x1BD11BF0, v9;
	(pc) =	sbr.rel @p0 .LBB2_2-.Ltmp0, $4  }
0x253: {  	v22 =	vadd.s32 $0x1BD11BF0, v11;
	v23 =	vadd.s32 $0x1BD11BF0, v10;
	v24 =	vadd.s32 $0x1BD11BF0, v12  }
0x254: {  	v8 =	vxor.u32 v8, v16;
	v13 =	vxor.u32 v13, v17;
	v12 =	vxor.u32 v14, v18  }
0x255: {  	v10 =	vxor.u32 v22, v20;
	v11 =	vxor.u32 v9, v19;
	[tilespmem:s8+$0xFFFFFFC0] =	vst v8;
	v8 =	vxor.u32 v23, v15  }
0x256: {  	s10 =	sadd.s32 s9, s4;
	s9 =	sadd.s32 $0x1, s9;
	v9 =	vxor.u32 v24, v21;
	[tilespmem:s8+$0xFFFFFFD0] =	vst v13  }
0x257: {  	v13 =	vadd.s32 s10, v7;
	v16 =	vadd.s32 s10, v0;
	v17 =	vadd.s32 s10, v1  }
0x258: {  	v18 =	vadd.s32 s10, v3;
	v19 =	vadd.s32 s10, v4;
	v22 =	vadd.s32 s10, v5  }
0x259: {  	v14 =	vshrl.u32 v13, $0x13;
	v15 =	vshll.u32 v13, $0xD;
	v48 =	vshrl.u32 v16, $0x13  }
0x25a: {  	v23 =	vshll.u32 v16, $0xD;
	v26 =	vshrl.u32 v17, $0x13;
	v50 =	vshll.u32 v17, $0xD  }
0x25b: {  	v30 =	vshrl.u32 v18, $0x13;
	v53 =	vshll.u32 v18, $0xD;
	v54 =	vshrl.u32 v19, $0x13  }
0x25c: {  	v31 =	vshll.u32 v19, $0xD;
	v32 =	vshrl.u32 v22, $0x13;
	v34 =	vshll.u32 v22, $0xD  }
0x25d: {  	v14 =	vor.u32 v14, v15;
	v15 =	vadd.s32 s10, v2;
	v59 =	vor.u32 v30, v53  }
0x25e: {  	v60 =	vor.u32 v54, v31;
	v63 =	vor.u32 v32, v34;
	v14 =	vxor.u32 v13, v14  }
0x25f: {  	v51 =	vshrl.u32 v15, $0x13;
	v27 =	vshll.u32 v15, $0xD;
	v20 =	vshrl.u32 v14, $0x11  }
0x260: {  	v21 =	vshll.u32 v14, $0xF;
	v13 =	vadd.s32 v13, v14;
	v58 =	vor.u32 v51, v27  }
0x261: {  	v47 =	vor.u32 v20, v21;
	v20 =	vadd.s32 s10, v6;
	v21 =	vor.u32 v48, v23  }
0x262: {  	v23 =	vxor.u32 v15, v58;
	v14 =	vxor.u32 v13, v47;
	v55 =	vshrl.u32 v20, $0x13  }
0x263: {  	v35 =	vshll.u32 v20, $0xD;
	v21 =	vxor.u32 v16, v21;
	v47 =	vshrl.u32 v23, $0x11  }
0x264: {  	v15 =	vadd.s32 v15, v23;
	v24 =	vshrl.u32 v14, $0x6;
	v25 =	vshll.u32 v14, $0x1A  }
0x265: {  	v13 =	vadd.s32 v13, v14;
	v40 =	vshrl.u32 v21, $0x11;
	v42 =	vshll.u32 v21, $0xF  }
0x266: {  	v16 =	vadd.s32 v16, v21;
	v49 =	vor.u32 v24, v25;
	v24 =	vor.u32 v26, v50  }
0x267: {  	v25 =	vxor.u32 v18, v59;
	v26 =	vxor.u32 v19, v60;
	v14 =	vxor.u32 v13, v49  }
0x268: {  	v24 =	vxor.u32 v17, v24;
	v49 =	vshll.u32 v23, $0xF;
	v50 =	vshrl.u32 v25, $0x11  }
0x269: {  	v51 =	vshll.u32 v25, $0xF;
	v53 =	vshll.u32 v26, $0xF;
	v18 =	vadd.s32 v18, v25  }
0x26a: {  	v19 =	vadd.s32 v19, v26;
	v28 =	vshrl.u32 v14, $0x1A;
	v29 =	vshll.u32 v14, $0x6  }
0x26b: {  	v13 =	vadd.s32 v13, v14;
	v43 =	vshrl.u32 v24, $0x11;
	v44 =	vshll.u32 v24, $0xF  }
0x26c: {  	v17 =	vadd.s32 v17, v24;
	v52 =	vor.u32 v28, v29;
	v28 =	vxor.u32 v22, v63  }
0x26d: {  	v29 =	vor.u32 v40, v42;
	v31 =	vor.u32 v43, v44;
	v14 =	vxor.u32 v13, v52  }
0x26e: {  	v52 =	vshrl.u32 v26, $0x11;
	v22 =	vadd.s32 v22, v28;
	v14 =	vadd.s32 $0x1BD11BF1, v14  }
0x26f: {  	v13 =	vadd.s32 v14, v13;
	v33 =	vshrl.u32 v14, $0xF;
	v14 =	vshll.u32 v14, $0x11  }
0x270: {  	v24 =	vxor.u32 v17, v31;
	v13 =	vadd.s32 $0x2A, v13;
	v14 =	vor.u32 v33, v14  }
0x271: {  	v23 =	vxor.u32 v16, v29;
	v31 =	vshrl.u32 v24, $0x6;
	v14 =	vxor.u32 v13, v14  }
0x272: {  	v16 =	vadd.s32 v16, v23;
	v56 =	vshrl.u32 v14, $0x3;
	v36 =	vshll.u32 v14, $0x1D  }
0x273: {  	v17 =	vadd.s32 v17, v24;
	v13 =	vadd.s32 v13, v14;
	v57 =	vor.u32 v56, v36  }
0x274: {  	v33 =	vor.u32 v47, v49;
	v47 =	vshrl.u32 v23, $0x6;
	v14 =	vxor.u32 v13, v57  }
0x275: {  	v49 =	vshll.u32 v23, $0x1A;
	v61 =	vshrl.u32 v14, $0x10;
	v62 =	vshll.u32 v14, $0x10  }
0x276: {  	v36 =	vor.u32 v55, v35;
	v13 =	vadd.s32 v13, v14;
	v34 =	vor.u32 v61, v62  }
0x277: {  	v56 =	vshrl.u32 v28, $0x11;
	v27 =	vxor.u32 v20, v36;
	v14 =	vxor.u32 v13, v34  }
0x278: {  	v57 =	vshll.u32 v28, $0xF;
	v37 =	vshrl.u32 v14, $0x8;
	v38 =	vshll.u32 v14, $0x18  }
0x279: {  	v28 =	vor.u32 v47, v49;
	v13 =	vadd.s32 v13, v14;
	v39 =	vor.u32 v37, v38  }
0x27a: {  	v58 =	vshrl.u32 v27, $0x11;
	v32 =	vor.u32 v56, v57;
	v14 =	vxor.u32 v13, v39  }
0x27b: {  	v20 =	vadd.s32 v20, v27;
	v61 =	vshll.u32 v27, $0xF;
	v14 =	vadd.s32 $0x2, v14  }
0x27c: {  	v13 =	vadd.s32 v14, v13;
	v41 =	vshrl.u32 v14, $0x13;
	v14 =	vshll.u32 v14, $0xD  }
0x27d: {  	v27 =	vxor.u32 v15, v33;
	v13 =	vadd.s32 $0x1BD11BF0, v13;
	v14 =	vor.u32 v41, v14  }
0x27e: {  	v34 =	vor.u32 v50, v51;
	v50 =	vshll.u32 v24, $0x1A;
	v14 =	vxor.u32 v13, v14  }
0x27f: {  	v15 =	vadd.s32 v15, v27;
	v45 =	vshrl.u32 v14, $0x11;
	v46 =	vshll.u32 v14, $0xF  }
0x280: {  	v31 =	vor.u32 v31, v50;
	v13 =	vadd.s32 v13, v14;
	v48 =	vor.u32 v45, v46  }
0x281: {  	v45 =	vxor.u32 v18, v34;
	v46 =	vxor.u32 v22, v32;
	v14 =	vxor.u32 v13, v48  }
0x282: {  	v56 =	vshrl.u32 v45, $0x6;
	v57 =	vshll.u32 v45, $0x1A;
	v18 =	vadd.s32 v18, v45  }
0x283: {  	v45 =	vxor.u32 v16, v28;
	v37 =	vshrl.u32 v14, $0x6;
	v38 =	vshll.u32 v14, $0x1A  }
0x284: {  	v13 =	vadd.s32 v13, v14;
	v14 =	vor.u32 v52, v53;
	v37 =	vor.u32 v37, v38  }
0x285: {  	v53 =	vshrl.u32 v27, $0x6;
	v34 =	vor.u32 v56, v57;
	v37 =	vxor.u32 v13, v37  }
0x286: {  	v16 =	vadd.s32 v16, v45;
	v54 =	vshrl.u32 v37, $0x1A;
	v55 =	vshll.u32 v37, $0x6  }
0x287: {  	v25 =	vxor.u32 v18, v34;
	v13 =	vadd.s32 v13, v37;
	v30 =	vor.u32 v54, v55  }
0x288: {  	v14 =	vxor.u32 v19, v14;
	v34 =	vshrl.u32 v25, $0x1A;
	v30 =	vxor.u32 v13, v30  }
0x289: {  	v18 =	vadd.s32 v18, v25;
	v55 =	vshll.u32 v27, $0x1A;
	v30 =	vadd.s32 $0x2D, v30  }
0x28a: {  	v33 =	vor.u32 v53, v55;
	v59 =	vshrl.u32 v30, $0xF;
	v60 =	vshll.u32 v30, $0x11  }
0x28b: {  	v47 =	vxor.u32 v15, v33;
	v13 =	vadd.s32 v13, v30;
	v36 =	vor.u32 v59, v60  }
0x28c: {  	v30 =	vor.u32 v58, v61;
	v61 =	vshll.u32 v14, $0x1A;
	v62 =	vxor.u32 v13, v36  }
0x28d: {  	v53 =	vshrl.u32 v47, $0x1A;
	v63 =	vshrl.u32 v62, $0x3;
	v36 =	vshll.u32 v62, $0x1D  }
0x28e: {  	v33 =	vshll.u32 v47, $0x6;
	v13 =	vadd.s32 v13, v62;
	v21 =	vor.u32 v63, v36  }
0x28f: {  	v15 =	vadd.s32 v15, v47;
	v30 =	vxor.u32 v20, v30;
	v21 =	vxor.u32 v13, v21  }
0x290: {  	v60 =	vshrl.u32 v14, $0x6;
	v39 =	vshrl.u32 v21, $0x10;
	v40 =	vshll.u32 v21, $0x10  }
0x291: {  	v14 =	vadd.s32 v19, v14;
	v13 =	vadd.s32 v13, v21;
	v41 =	vor.u32 v39, v40  }
0x292: {  	v20 =	vadd.s32 v20, v30;
	v40 =	vshrl.u32 v46, $0x6;
	v21 =	vxor.u32 v13, v41  }
0x293: {  	v41 =	vshll.u32 v46, $0x1A;
	v42 =	vshrl.u32 v21, $0x8;
	v43 =	vshll.u32 v21, $0x18  }
0x294: {  	v13 =	vadd.s32 v13, v21;
	v32 =	vor.u32 v40, v41;
	v44 =	vor.u32 v42, v43  }
0x295: {  	v42 =	vshrl.u32 v30, $0x6;
	v43 =	vshll.u32 v30, $0x1A;
	v21 =	vxor.u32 v13, v44  }
0x296: {  	v35 =	vor.u32 v42, v43;
	v44 =	vadd.s32 v22, v46;
	v46 =	vxor.u32 v17, v31  }
0x297: {  	v21 =	vadd.s32 $0x1BD11BF4, v21;
	v49 =	vxor.u32 v44, v32;
	v50 =	vxor.u32 v20, v35  }
0x298: {  	v31 =	vshll.u32 v46, $0x6;
	v32 =	vor.u32 v53, v33;
	v17 =	vadd.s32 v17, v46  }
0x299: {  	v13 =	vadd.s32 v21, v13;
	v48 =	vshrl.u32 v21, $0x13;
	v21 =	vshll.u32 v21, $0xD  }
0x29a: {  	v57 =	vshrl.u32 v49, $0x1A;
	v19 =	vadd.s32 v44, v49;
	v20 =	vadd.s32 v20, v50  }
0x29b: {  	v24 =	vxor.u32 v15, v32;
	v13 =	vadd.s32 $0x2A, v13;
	v21 =	vor.u32 v48, v21  }
0x29c: {  	v48 =	vshrl.u32 v45, $0x1A;
	v24 =	vadd.s32 $0x1BD11BF1, v24;
	v21 =	vxor.u32 v13, v21  }
0x29d: {  	v15 =	vadd.s32 v24, v15;
	v38 =	vshrl.u32 v24, $0xF;
	v24 =	vshll.u32 v24, $0x11  }
0x29e: {  	v51 =	vshrl.u32 v21, $0x11;
	v52 =	vshll.u32 v21, $0xF;
	v13 =	vadd.s32 v13, v21  }
0x29f: {  	v15 =	vadd.s32 $0x2A, v15;
	v24 =	vor.u32 v38, v24;
	v54 =	vor.u32 v51, v52  }
0x2a0: {  	v51 =	vshll.u32 v45, $0x6;
	v52 =	vshrl.u32 v46, $0x1A;
	v24 =	vxor.u32 v15, v24  }
0x2a1: {  	v21 =	vxor.u32 v13, v54;
	v54 =	vshll.u32 v25, $0x6;
	v26 =	vor.u32 v48, v51  }
0x2a2: {  	v30 =	vor.u32 v52, v31;
	v47 =	vshrl.u32 v24, $0x3;
	v48 =	vshll.u32 v24, $0x1D  }
0x2a3: {  	v15 =	vadd.s32 v15, v24;
	v58 =	vshrl.u32 v21, $0x6;
	v59 =	vshll.u32 v21, $0x1A  }
0x2a4: {  	v13 =	vadd.s32 v13, v21;
	v21 =	vor.u32 v60, v61;
	v60 =	vshll.u32 v50, $0x6  }
0x2a5: {  	v34 =	vor.u32 v34, v54;
	v33 =	vxor.u32 v16, v26;
	v23 =	vxor.u32 v17, v30  }
0x2a6: {  	v32 =	vor.u32 v47, v48;
	v37 =	vor.u32 v58, v59;
	v21 =	vxor.u32 v14, v21  }
0x2a7: {  	v58 =	vshll.u32 v49, $0x6;
	v59 =	vshrl.u32 v50, $0x1A;
	v25 =	vxor.u32 v18, v34  }
0x2a8: {  	v23 =	vadd.s32 $0x1BD11BF1, v23;
	v24 =	vxor.u32 v15, v32;
	v37 =	vxor.u32 v13, v37  }
0x2a9: {  	v55 =	vshrl.u32 v21, $0x1A;
	v56 =	vshll.u32 v21, $0x6;
	v14 =	vadd.s32 v14, v21  }
0x2aa: {  	v21 =	vadd.s32 $0x1BD11BF1, v33;
	v25 =	vadd.s32 $0x1BD11BF1, v25;
	v17 =	vadd.s32 v23, v17  }
0x2ab: {  	v32 =	vshrl.u32 v24, $0x10;
	v15 =	vadd.s32 v15, v24;
	v62 =	vshrl.u32 v37, $0x1A  }
0x2ac: {  	v63 =	vshll.u32 v37, $0x6;
	v13 =	vadd.s32 v13, v37;
	v61 =	vor.u32 v55, v56  }
0x2ad: {  	v16 =	vadd.s32 v21, v16;
	v36 =	vshrl.u32 v21, $0xF;
	v21 =	vshll.u32 v21, $0x11  }
0x2ae: {  	v37 =	vshrl.u32 v23, $0xF;
	v23 =	vshll.u32 v23, $0x11;
	v18 =	vadd.s32 v25, v18  }
0x2af: {  	v39 =	vshrl.u32 v25, $0xF;
	v25 =	vshll.u32 v25, $0x11;
	v17 =	vadd.s32 $0x2A, v17  }
0x2b0: {  	v29 =	vor.u32 v62, v63;
	v62 =	vor.u32 v57, v58;
	v63 =	vor.u32 v59, v60  }
0x2b1: {  	v34 =	vxor.u32 v14, v61;
	v16 =	vadd.s32 $0x2A, v16;
	v21 =	vor.u32 v36, v21  }
0x2b2: {  	v23 =	vor.u32 v37, v23;
	v18 =	vadd.s32 $0x2A, v18;
	v25 =	vor.u32 v39, v25  }
0x2b3: {  	v29 =	vxor.u32 v13, v29;
	v13 =	vadd.s32 $0x1BD11BF0, v13;
	v22 =	vxor.u32 v19, v62  }
0x2b4: {  	v35 =	vxor.u32 v20, v63;
	v26 =	vadd.s32 $0x1BD11BF1, v34;
	v21 =	vxor.u32 v16, v21  }
0x2b5: {  	v23 =	vxor.u32 v17, v23;
	v25 =	vxor.u32 v18, v25;
	v63 =	vshll.u32 v24, $0x10  }
0x2b6: {  	v29 =	vadd.s32 $0x5, v29;
	v22 =	vadd.s32 $0x1BD11BF1, v22;
	v27 =	vadd.s32 $0x1BD11BF1, v35  }
0x2b7: {  	v14 =	vadd.s32 v26, v14;
	v40 =	vshrl.u32 v26, $0xF;
	v26 =	vshll.u32 v26, $0x11  }
0x2b8: {  	v43 =	vshrl.u32 v21, $0x3;
	v44 =	vshll.u32 v21, $0x1D;
	v45 =	vshrl.u32 v23, $0x3  }
0x2b9: {  	v46 =	vshll.u32 v23, $0x1D;
	v49 =	vshrl.u32 v25, $0x3;
	v50 =	vshll.u32 v25, $0x1D  }
0x2ba: {  	v16 =	vadd.s32 v16, v21;
	v17 =	vadd.s32 v17, v23;
	v18 =	vadd.s32 v18, v25  }
0x2bb: {  	v32 =	vor.u32 v32, v63;
	v13 =	vxor.u32 v13, v29;
	v19 =	vadd.s32 v22, v19  }
0x2bc: {  	v41 =	vshrl.u32 v22, $0xF;
	v22 =	vshll.u32 v22, $0x11;
	v20 =	vadd.s32 v27, v20  }
0x2bd: {  	v42 =	vshrl.u32 v27, $0xF;
	v27 =	vshll.u32 v27, $0x11;
	v14 =	vadd.s32 $0x2A, v14  }
0x2be: {  	v26 =	vor.u32 v40, v26;
	v28 =	vor.u32 v43, v44;
	v30 =	vor.u32 v45, v46  }
0x2bf: {  	v34 =	vor.u32 v49, v50;
	v24 =	vxor.u32 v15, v32;
	v19 =	vadd.s32 $0x2A, v19  }
0x2c0: {  	v22 =	vor.u32 v41, v22;
	v20 =	vadd.s32 $0x2A, v20;
	v27 =	vor.u32 v42, v27  }
0x2c1: {  	v26 =	vxor.u32 v14, v26;
	v60 =	vxor.u32 v16, v28;
	v23 =	vxor.u32 v17, v30  }
0x2c2: {  	v25 =	vxor.u32 v18, v34;
	v32 =	vshrl.u32 v24, $0x8;
	v15 =	vadd.s32 v15, v24  }
0x2c3: {  	v22 =	vxor.u32 v19, v22;
	v27 =	vxor.u32 v20, v27;
	v51 =	vshrl.u32 v26, $0x3  }
0x2c4: {  	v52 =	vshll.u32 v26, $0x1D;
	v14 =	vadd.s32 v14, v26;
	v61 =	vshrl.u32 v60, $0x10  }
0x2c5: {  	v28 =	vshll.u32 v60, $0x10;
	v30 =	vshrl.u32 v23, $0x10;
	v62 =	vshll.u32 v23, $0x10  }
0x2c6: {  	v34 =	vshrl.u32 v25, $0x10;
	v40 =	vshll.u32 v25, $0x10;
	v16 =	vadd.s32 v16, v60  }
0x2c7: {  	v17 =	vadd.s32 v17, v23;
	v18 =	vadd.s32 v18, v25;
	v53 =	vshrl.u32 v22, $0x3  }
0x2c8: {  	v54 =	vshll.u32 v22, $0x1D;
	v55 =	vshrl.u32 v27, $0x3;
	v56 =	vshll.u32 v27, $0x1D  }
0x2c9: {  	v57 =	vor.u32 v51, v52;
	v19 =	vadd.s32 v19, v22;
	v20 =	vadd.s32 v20, v27  }
0x2ca: {  	v27 =	vor.u32 v61, v28;
	v30 =	vor.u32 v30, v62;
	v34 =	vor.u32 v34, v40  }
0x2cb: {  	v58 =	vor.u32 v53, v54;
	v59 =	vor.u32 v55, v56;
	v26 =	vxor.u32 v14, v57  }
0x2cc: {  	v49 =	vxor.u32 v16, v27;
	v50 =	vxor.u32 v17, v30;
	v25 =	vxor.u32 v18, v34  }
0x2cd: {  	v55 =	vshll.u32 v24, $0x18;
	v21 =	vxor.u32 v19, v58;
	v29 =	vxor.u32 v20, v59  }
0x2ce: {  	v41 =	vshrl.u32 v26, $0x10;
	v42 =	vshll.u32 v26, $0x10;
	v14 =	vadd.s32 v14, v26  }
0x2cf: {  	v52 =	vshrl.u32 v49, $0x8;
	v53 =	vshll.u32 v49, $0x18;
	v30 =	vshrl.u32 v50, $0x8  }
0x2d0: {  	v54 =	vshll.u32 v50, $0x18;
	v34 =	vshrl.u32 v25, $0x8;
	v56 =	vshll.u32 v25, $0x18  }
0x2d1: {  	v32 =	vor.u32 v32, v55;
	v16 =	vadd.s32 v16, v49;
	v17 =	vadd.s32 v17, v50  }
0x2d2: {  	v18 =	vadd.s32 v18, v25;
	v43 =	vshrl.u32 v21, $0x10;
	v44 =	vshll.u32 v21, $0x10  }
0x2d3: {  	v45 =	vshrl.u32 v29, $0x10;
	v46 =	vshll.u32 v29, $0x10;
	v47 =	vor.u32 v41, v42  }
0x2d4: {  	v19 =	vadd.s32 v19, v21;
	v20 =	vadd.s32 v20, v29;
	v30 =	vor.u32 v30, v54  }
0x2d5: {  	v34 =	vor.u32 v34, v56;
	v32 =	vxor.u32 v15, v32;
	v28 =	vor.u32 v43, v44  }
0x2d6: {  	v48 =	vor.u32 v45, v46;
	v26 =	vxor.u32 v14, v47;
	v30 =	vxor.u32 v17, v30  }
0x2d7: {  	v33 =	vxor.u32 v18, v34;
	v51 =	vxor.u32 v19, v28;
	v22 =	vxor.u32 v20, v48  }
0x2d8: {  	v57 =	vshrl.u32 v26, $0x8;
	v58 =	vshll.u32 v26, $0x18;
	v28 =	vor.u32 v52, v53  }
0x2d9: {  	v14 =	vadd.s32 v14, v26;
	v23 =	vadd.s32 $0x2, v30;
	v24 =	vadd.s32 $0x2, v33  }
0x2da: {  	v59 =	vshrl.u32 v51, $0x8;
	v60 =	vshll.u32 v51, $0x18;
	v61 =	vshrl.u32 v22, $0x8  }
0x2db: {  	v62 =	vshll.u32 v22, $0x18;
	v63 =	vor.u32 v57, v58;
	v19 =	vadd.s32 v19, v51  }
0x2dc: {  	v28 =	vxor.u32 v16, v28;
	v20 =	vadd.s32 v20, v22;
	v22 =	vadd.s32 $0x2, v32  }
0x2dd: {  	v17 =	vadd.s32 v23, v17;
	v38 =	vshrl.u32 v23, $0x13;
	v23 =	vshll.u32 v23, $0xD  }
0x2de: {  	v18 =	vadd.s32 v24, v18;
	v40 =	vshrl.u32 v24, $0x13;
	v24 =	vshll.u32 v24, $0xD  }
0x2df: {  	v29 =	vor.u32 v59, v60;
	v31 =	vor.u32 v61, v62;
	v34 =	vxor.u32 v14, v63  }
0x2e0: {  	v21 =	vadd.s32 $0x2, v28;
	v15 =	vadd.s32 v22, v15;
	v39 =	vshrl.u32 v22, $0x13  }
0x2e1: {  	v22 =	vshll.u32 v22, $0xD;
	v17 =	vadd.s32 $0x1BD11BF0, v17;
	v23 =	vor.u32 v38, v23  }
0x2e2: {  	v18 =	vadd.s32 $0x1BD11BF0, v18;
	v24 =	vor.u32 v40, v24;
	v35 =	vxor.u32 v19, v29  }
0x2e3: {  	v36 =	vxor.u32 v20, v31;
	v25 =	vadd.s32 $0x2, v34;
	v16 =	vadd.s32 v21, v16  }
0x2e4: {  	v37 =	vshrl.u32 v21, $0x13;
	v21 =	vshll.u32 v21, $0xD;
	v15 =	vadd.s32 $0x1BD11BF0, v15  }
0x2e5: {  	v22 =	vor.u32 v39, v22;
	v23 =	vxor.u32 v17, v23;
	v24 =	vxor.u32 v18, v24  }
0x2e6: {  	v26 =	vadd.s32 $0x2, v35;
	v27 =	vadd.s32 $0x2, v36;
	v14 =	vadd.s32 v25, v14  }
0x2e7: {  	v41 =	vshrl.u32 v25, $0x13;
	v25 =	vshll.u32 v25, $0xD;
	v16 =	vadd.s32 $0x1BD11BF0, v16  }
0x2e8: {  	v21 =	vor.u32 v37, v21;
	v22 =	vxor.u32 v15, v22;
	v46 =	vshrl.u32 v23, $0x11  }
0x2e9: {  	v47 =	vshll.u32 v23, $0xF;
	v50 =	vshrl.u32 v24, $0x11;
	v51 =	vshll.u32 v24, $0xF  }
0x2ea: {  	v17 =	vadd.s32 v17, v23;
	v18 =	vadd.s32 v18, v24;
	v19 =	vadd.s32 v26, v19  }
0x2eb: {  	v42 =	vshrl.u32 v26, $0x13;
	v26 =	vshll.u32 v26, $0xD;
	v20 =	vadd.s32 v27, v20  }
0x2ec: {  	v43 =	vshrl.u32 v27, $0x13;
	v27 =	vshll.u32 v27, $0xD;
	v14 =	vadd.s32 $0x1BD11BF0, v14  }
0x2ed: {  	v25 =	vor.u32 v41, v25;
	v21 =	vxor.u32 v16, v21;
	v48 =	vshrl.u32 v22, $0x11  }
0x2ee: {  	v49 =	vshll.u32 v22, $0xF;
	v30 =	vor.u32 v46, v47;
	v34 =	vor.u32 v50, v51  }
0x2ef: {  	v15 =	vadd.s32 v15, v22;
	v19 =	vadd.s32 $0x1BD11BF0, v19;
	v26 =	vor.u32 v42, v26  }
0x2f0: {  	v20 =	vadd.s32 $0x1BD11BF0, v20;
	v27 =	vor.u32 v43, v27;
	v25 =	vxor.u32 v14, v25  }
0x2f1: {  	v44 =	vshrl.u32 v21, $0x11;
	v45 =	vshll.u32 v21, $0xF;
	v32 =	vor.u32 v48, v49  }
0x2f2: {  	v16 =	vadd.s32 v16, v21;
	v59 =	vxor.u32 v17, v30;
	v24 =	vxor.u32 v18, v34  }
0x2f3: {  	v26 =	vxor.u32 v19, v26;
	v27 =	vxor.u32 v20, v27;
	v52 =	vshrl.u32 v25, $0x11  }
0x2f4: {  	v53 =	vshll.u32 v25, $0xF;
	v28 =	vor.u32 v44, v45;
	v14 =	vadd.s32 v14, v25  }
0x2f5: {  	v60 =	vxor.u32 v15, v32;
	v30 =	vshrl.u32 v59, $0x6;
	v41 =	vshll.u32 v59, $0x1A  }
0x2f6: {  	v34 =	vshrl.u32 v24, $0x6;
	v43 =	vshll.u32 v24, $0x1A;
	v17 =	vadd.s32 v17, v59  }
0x2f7: {  	v18 =	vadd.s32 v18, v24;
	v54 =	vshrl.u32 v26, $0x11;
	v55 =	vshll.u32 v26, $0xF  }
0x2f8: {  	v56 =	vshrl.u32 v27, $0x11;
	v57 =	vshll.u32 v27, $0xF;
	v58 =	vor.u32 v52, v53  }
0x2f9: {  	v19 =	vadd.s32 v19, v26;
	v21 =	vxor.u32 v16, v28;
	v20 =	vadd.s32 v20, v27  }
0x2fa: {  	v32 =	vshrl.u32 v60, $0x6;
	v42 =	vshll.u32 v60, $0x1A;
	v30 =	vor.u32 v30, v41  }
0x2fb: {  	v34 =	vor.u32 v34, v43;
	v15 =	vadd.s32 v15, v60;
	v29 =	vor.u32 v54, v55  }
0x2fc: {  	v31 =	vor.u32 v56, v57;
	v25 =	vxor.u32 v14, v58;
	v61 =	vshrl.u32 v21, $0x6  }
0x2fd: {  	v40 =	vshll.u32 v21, $0x1A;
	v32 =	vor.u32 v32, v42;
	v16 =	vadd.s32 v16, v21  }
0x2fe: {  	v54 =	vxor.u32 v17, v30;
	v56 =	vxor.u32 v18, v34;
	v62 =	vxor.u32 v19, v29  }
0x2ff: {  	v63 =	vxor.u32 v20, v31;
	v44 =	vshrl.u32 v25, $0x6;
	v45 =	vshll.u32 v25, $0x1A  }
0x300: {  	v26 =	vor.u32 v61, v40;
	v14 =	vadd.s32 v14, v25;
	v55 =	vxor.u32 v15, v32  }
0x301: {  	v30 =	vshrl.u32 v54, $0x1A;
	v60 =	vshll.u32 v54, $0x6;
	v34 =	vshrl.u32 v56, $0x1A  }
0x302: {  	v17 =	vadd.s32 v17, v54;
	v18 =	vadd.s32 v18, v56;
	v46 =	vshrl.u32 v62, $0x6  }
0x303: {  	v47 =	vshll.u32 v62, $0x1A;
	v48 =	vshrl.u32 v63, $0x6;
	v49 =	vshll.u32 v63, $0x1A  }
0x304: {  	v50 =	vor.u32 v44, v45;
	v19 =	vadd.s32 v19, v62;
	v20 =	vadd.s32 v20, v63  }
0x305: {  	v53 =	vxor.u32 v16, v26;
	v32 =	vshrl.u32 v55, $0x1A;
	v61 =	vshll.u32 v55, $0x6  }
0x306: {  	v62 =	vshll.u32 v56, $0x6;
	v30 =	vor.u32 v30, v60;
	v15 =	vadd.s32 v15, v55  }
0x307: {  	v51 =	vor.u32 v46, v47;
	v52 =	vor.u32 v48, v49;
	v57 =	vxor.u32 v14, v50  }
0x308: {  	v58 =	vshrl.u32 v53, $0x1A;
	v59 =	vshll.u32 v53, $0x6;
	v32 =	vor.u32 v32, v61  }
0x309: {  	v34 =	vor.u32 v34, v62;
	v16 =	vadd.s32 v16, v53;
	v48 =	vxor.u32 v17, v30  }
0x30a: {  	v21 =	vxor.u32 v19, v51;
	v29 =	vxor.u32 v20, v52;
	v63 =	vshrl.u32 v57, $0x1A  }
0x30b: {  	v40 =	vshll.u32 v57, $0x6;
	v27 =	vor.u32 v58, v59;
	v14 =	vadd.s32 v14, v57  }
0x30c: {  	v24 =	vxor.u32 v15, v32;
	v25 =	vxor.u32 v18, v34;
	v41 =	vshrl.u32 v21, $0x1A  }
0x30d: {  	v42 =	vshll.u32 v21, $0x6;
	v43 =	vshrl.u32 v29, $0x1A;
	v44 =	vshll.u32 v29, $0x6  }
0x30e: {  	v45 =	vor.u32 v63, v40;
	v47 =	vxor.u32 v16, v27;
	v19 =	vadd.s32 v19, v21  }
0x30f: {  	v20 =	vadd.s32 v20, v29;
	v21 =	vadd.s32 $0x2D, v48;
	v24 =	vadd.s32 $0x2D, v24  }
0x310: {  	v25 =	vadd.s32 $0x2D, v25;
	v28 =	vor.u32 v41, v42;
	v46 =	vor.u32 v43, v44  }
0x311: {  	v26 =	vxor.u32 v14, v45;
	v23 =	vadd.s32 $0x2D, v47;
	v52 =	vshrl.u32 v21, $0xF  }
0x312: {  	v53 =	vshll.u32 v21, $0x11;
	v54 =	vshrl.u32 v24, $0xF;
	v55 =	vshll.u32 v24, $0x11  }
0x313: {  	v56 =	vshrl.u32 v25, $0xF;
	v57 =	vshll.u32 v25, $0x11;
	v17 =	vadd.s32 v17, v21  }
0x314: {  	v15 =	vadd.s32 v15, v24;
	v18 =	vadd.s32 v18, v25;
	v49 =	vxor.u32 v19, v28  }
0x315: {  	v22 =	vxor.u32 v20, v46;
	v26 =	vadd.s32 $0x2D, v26;
	v50 =	vshrl.u32 v23, $0xF  }
0x316: {  	v51 =	vshll.u32 v23, $0x11;
	v30 =	vor.u32 v52, v53;
	v32 =	vor.u32 v54, v55  }
0x317: {  	v34 =	vor.u32 v56, v57;
	v16 =	vadd.s32 v16, v23;
	v27 =	vadd.s32 $0x2D, v49  }
0x318: {  	v22 =	vadd.s32 $0x2D, v22;
	v58 =	vshrl.u32 v26, $0xF;
	v59 =	vshll.u32 v26, $0x11  }
0x319: {  	v28 =	vor.u32 v50, v51;
	v14 =	vadd.s32 v14, v26;
	v40 =	vxor.u32 v17, v30  }
0x31a: {  	v24 =	vxor.u32 v15, v32;
	v25 =	vxor.u32 v18, v34;
	v60 =	vshrl.u32 v27, $0xF  }
0x31b: {  	v61 =	vshll.u32 v27, $0x11;
	v62 =	vshrl.u32 v22, $0xF;
	v63 =	vshll.u32 v22, $0x11  }
0x31c: {  	v37 =	vor.u32 v58, v59;
	v23 =	vxor.u32 v16, v28;
	v19 =	vadd.s32 v19, v27  }
0x31d: {  	v20 =	vadd.s32 v20, v22;
	v30 =	vshrl.u32 v40, $0x3;
	v42 =	vshll.u32 v40, $0x1D  }
0x31e: {  	v32 =	vshrl.u32 v24, $0x3;
	v43 =	vshll.u32 v24, $0x1D;
	v34 =	vshrl.u32 v25, $0x3  }
0x31f: {  	v44 =	vshll.u32 v25, $0x1D;
	v17 =	vadd.s32 v17, v40;
	v15 =	vadd.s32 v15, v24  }
0x320: {  	v18 =	vadd.s32 v18, v25;
	v29 =	vor.u32 v60, v61;
	v39 =	vor.u32 v62, v63  }
0x321: {  	v26 =	vxor.u32 v14, v37;
	v28 =	vshrl.u32 v23, $0x3;
	v41 =	vshll.u32 v23, $0x1D  }
0x322: {  	v30 =	vor.u32 v30, v42;
	v32 =	vor.u32 v32, v43;
	v34 =	vor.u32 v34, v44  }
0x323: {  	v16 =	vadd.s32 v16, v23;
	v27 =	vxor.u32 v19, v29;
	v21 =	vxor.u32 v20, v39  }
0x324: {  	v45 =	vshrl.u32 v26, $0x3;
	v46 =	vshll.u32 v26, $0x1D;
	v28 =	vor.u32 v28, v41  }
0x325: {  	v14 =	vadd.s32 v14, v26;
	v53 =	vxor.u32 v17, v30;
	v54 =	vxor.u32 v15, v32  }
0x326: {  	v55 =	vxor.u32 v18, v34;
	v47 =	vshrl.u32 v27, $0x3;
	v48 =	vshll.u32 v27, $0x1D  }
0x327: {  	v49 =	vshrl.u32 v21, $0x3;
	v50 =	vshll.u32 v21, $0x1D;
	v51 =	vor.u32 v45, v46  }
0x328: {  	v19 =	vadd.s32 v19, v27;
	v52 =	vxor.u32 v16, v28;
	v20 =	vadd.s32 v20, v21  }
0x329: {  	v30 =	vshrl.u32 v53, $0x10;
	v60 =	vshll.u32 v53, $0x10;
	v32 =	vshrl.u32 v54, $0x10  }
0x32a: {  	v61 =	vshll.u32 v54, $0x10;
	v34 =	vshrl.u32 v55, $0x10;
	v62 =	vshll.u32 v55, $0x10  }
0x32b: {  	v17 =	vadd.s32 v17, v53;
	v15 =	vadd.s32 v15, v54;
	v18 =	vadd.s32 v18, v55  }
0x32c: {  	v29 =	vor.u32 v47, v48;
	v31 =	vor.u32 v49, v50;
	v56 =	vxor.u32 v14, v51  }
0x32d: {  	v57 =	vshrl.u32 v52, $0x10;
	v59 =	vshll.u32 v52, $0x10;
	v30 =	vor.u32 v30, v60  }
0x32e: {  	v32 =	vor.u32 v32, v61;
	v34 =	vor.u32 v34, v62;
	v16 =	vadd.s32 v16, v52  }
0x32f: {  	v27 =	vxor.u32 v19, v29;
	v58 =	vxor.u32 v20, v31;
	v63 =	vshrl.u32 v56, $0x10  }
0x330: {  	v40 =	vshll.u32 v56, $0x10;
	v26 =	vor.u32 v57, v59;
	v14 =	vadd.s32 v14, v56  }
0x331: {  	v23 =	vxor.u32 v17, v30;
	v49 =	vxor.u32 v15, v32;
	v50 =	vxor.u32 v18, v34  }
0x332: {  	v41 =	vshrl.u32 v27, $0x10;
	v42 =	vshll.u32 v27, $0x10;
	v43 =	vshrl.u32 v58, $0x10  }
0x333: {  	v44 =	vshll.u32 v58, $0x10;
	v45 =	vor.u32 v63, v40;
	v19 =	vadd.s32 v19, v27  }
0x334: {  	v20 =	vadd.s32 v20, v58;
	v48 =	vxor.u32 v16, v26;
	v30 =	vshrl.u32 v23, $0x8  }
0x335: {  	v54 =	vshll.u32 v23, $0x18;
	v32 =	vshrl.u32 v49, $0x8;
	v55 =	vshll.u32 v49, $0x18  }
0x336: {  	v34 =	vshrl.u32 v50, $0x8;
	v56 =	vshll.u32 v50, $0x18;
	v17 =	vadd.s32 v17, v23  }
0x337: {  	v15 =	vadd.s32 v15, v49;
	v18 =	vadd.s32 v18, v50;
	v46 =	vor.u32 v41, v42  }
0x338: {  	v47 =	vor.u32 v43, v44;
	v51 =	vxor.u32 v14, v45;
	v52 =	vshrl.u32 v48, $0x8  }
0x339: {  	v53 =	vshll.u32 v48, $0x18;
	v30 =	vor.u32 v30, v54;
	v32 =	vor.u32 v32, v55  }
0x33a: {  	v34 =	vor.u32 v34, v56;
	v16 =	vadd.s32 v16, v48;
	v22 =	vxor.u32 v19, v46  }
0x33b: {  	v29 =	vxor.u32 v20, v47;
	v57 =	vshrl.u32 v51, $0x8;
	v58 =	vshll.u32 v51, $0x18  }
0x33c: {  	v27 =	vor.u32 v52, v53;
	v14 =	vadd.s32 v14, v51;
	v37 =	vxor.u32 v17, v30  }
0x33d: {  	v24 =	vxor.u32 v15, v32;
	v25 =	vxor.u32 v18, v34;
	v59 =	vshrl.u32 v22, $0x8  }
0x33e: {  	v60 =	vshll.u32 v22, $0x18;
	v61 =	vshrl.u32 v29, $0x8;
	v62 =	vshll.u32 v29, $0x18  }
0x33f: {  	v63 =	vor.u32 v57, v58;
	v36 =	vxor.u32 v16, v27;
	v19 =	vadd.s32 v19, v22  }
0x340: {  	v20 =	vadd.s32 v20, v29;
	v22 =	vadd.s32 $0x1BD11BF4, v37;
	v24 =	vadd.s32 $0x1BD11BF4, v24  }
0x341: {  	v25 =	vadd.s32 $0x1BD11BF4, v25;
	v28 =	vor.u32 v59, v60;
	v33 =	vor.u32 v61, v62  }
0x342: {  	v26 =	vxor.u32 v14, v63;
	v23 =	vadd.s32 $0x1BD11BF4, v36;
	v17 =	vadd.s32 v22, v17  }
0x343: {  	v40 =	vshrl.u32 v22, $0x13;
	v22 =	vshll.u32 v22, $0xD;
	v15 =	vadd.s32 v24, v15  }
0x344: {  	v41 =	vshrl.u32 v24, $0x13;
	v24 =	vshll.u32 v24, $0xD;
	v18 =	vadd.s32 v25, v18  }
0x345: {  	v42 =	vshrl.u32 v25, $0x13;
	v25 =	vshll.u32 v25, $0xD;
	v38 =	vxor.u32 v19, v28  }
0x346: {  	v21 =	vxor.u32 v20, v33;
	v26 =	vadd.s32 $0x1BD11BF4, v26;
	v16 =	vadd.s32 v23, v16  }
0x347: {  	v39 =	vshrl.u32 v23, $0x13;
	v23 =	vshll.u32 v23, $0xD;
	v17 =	vadd.s32 $0x2A, v17  }
0x348: {  	v22 =	vor.u32 v40, v22;
	v15 =	vadd.s32 $0x2A, v15;
	v24 =	vor.u32 v41, v24  }
0x349: {  	v18 =	vadd.s32 $0x2A, v18;
	v25 =	vor.u32 v42, v25;
	v27 =	vadd.s32 $0x1BD11BF4, v38  }
0x34a: {  	v21 =	vadd.s32 $0x1BD11BF4, v21;
	v14 =	vadd.s32 v26, v14;
	v43 =	vshrl.u32 v26, $0x13  }
0x34b: {  	v26 =	vshll.u32 v26, $0xD;
	v16 =	vadd.s32 $0x2A, v16;
	v23 =	vor.u32 v39, v23  }
0x34c: {  	v22 =	vxor.u32 v17, v22;
	v24 =	vxor.u32 v15, v24;
	v25 =	vxor.u32 v18, v25  }
0x34d: {  	v19 =	vadd.s32 v27, v19;
	v44 =	vshrl.u32 v27, $0x13;
	v27 =	vshll.u32 v27, $0xD  }
0x34e: {  	v20 =	vadd.s32 v21, v20;
	v45 =	vshrl.u32 v21, $0x13;
	v21 =	vshll.u32 v21, $0xD  }
0x34f: {  	v14 =	vadd.s32 $0x2A, v14;
	v26 =	vor.u32 v43, v26;
	v23 =	vxor.u32 v16, v23  }
0x350: {  	v48 =	vshrl.u32 v22, $0x11;
	v49 =	vshll.u32 v22, $0xF;
	v50 =	vshrl.u32 v24, $0x11  }
0x351: {  	v51 =	vshll.u32 v24, $0xF;
	v52 =	vshrl.u32 v25, $0x11;
	v53 =	vshll.u32 v25, $0xF  }
0x352: {  	v17 =	vadd.s32 v17, v22;
	v15 =	vadd.s32 v15, v24;
	v18 =	vadd.s32 v18, v25  }
0x353: {  	v19 =	vadd.s32 $0x2A, v19;
	v27 =	vor.u32 v44, v27;
	v20 =	vadd.s32 $0x2A, v20  }
0x354: {  	v21 =	vor.u32 v45, v21;
	v26 =	vxor.u32 v14, v26;
	v46 =	vshrl.u32 v23, $0x11  }
0x355: {  	v47 =	vshll.u32 v23, $0xF;
	v30 =	vor.u32 v48, v49;
	v32 =	vor.u32 v50, v51  }
0x356: {  	v34 =	vor.u32 v52, v53;
	v16 =	vadd.s32 v16, v23;
	v27 =	vxor.u32 v19, v27  }
0x357: {  	v21 =	vxor.u32 v20, v21;
	v54 =	vshrl.u32 v26, $0x11;
	v55 =	vshll.u32 v26, $0xF  }
0x358: {  	v28 =	vor.u32 v46, v47;
	v14 =	vadd.s32 v14, v26;
	v62 =	vxor.u32 v17, v30  }
0x359: {  	v24 =	vxor.u32 v15, v32;
	v25 =	vxor.u32 v18, v34;
	v56 =	vshrl.u32 v27, $0x11  }
0x35a: {  	v57 =	vshll.u32 v27, $0xF;
	v58 =	vshrl.u32 v21, $0x11;
	v59 =	vshll.u32 v21, $0xF  }
0x35b: {  	v60 =	vor.u32 v54, v55;
	v23 =	vxor.u32 v16, v28;
	v19 =	vadd.s32 v19, v27  }
0x35c: {  	v20 =	vadd.s32 v20, v21;
	v30 =	vshrl.u32 v62, $0x6;
	v40 =	vshll.u32 v62, $0x1A  }
0x35d: {  	v32 =	vshrl.u32 v24, $0x6;
	v41 =	vshll.u32 v24, $0x1A;
	v34 =	vshrl.u32 v25, $0x6  }
0x35e: {  	v42 =	vshll.u32 v25, $0x1A;
	v17 =	vadd.s32 v17, v62;
	v15 =	vadd.s32 v15, v24  }
0x35f: {  	v18 =	vadd.s32 v18, v25;
	v29 =	vor.u32 v56, v57;
	v61 =	vor.u32 v58, v59  }
0x360: {  	v26 =	vxor.u32 v14, v60;
	v28 =	vshrl.u32 v23, $0x6;
	v63 =	vshll.u32 v23, $0x1A  }
0x361: {  	v30 =	vor.u32 v30, v40;
	v32 =	vor.u32 v32, v41;
	v34 =	vor.u32 v34, v42  }
0x362: {  	v16 =	vadd.s32 v16, v23;
	v27 =	vxor.u32 v19, v29;
	v22 =	vxor.u32 v20, v61  }
0x363: {  	v43 =	vshrl.u32 v26, $0x6;
	v44 =	vshll.u32 v26, $0x1A;
	v28 =	vor.u32 v28, v63  }
0x364: {  	v14 =	vadd.s32 v14, v26;
	v51 =	vxor.u32 v17, v30;
	v52 =	vxor.u32 v15, v32  }
0x365: {  	v53 =	vxor.u32 v18, v34;
	v45 =	vshrl.u32 v27, $0x6;
	v46 =	vshll.u32 v27, $0x1A  }
0x366: {  	v47 =	vshrl.u32 v22, $0x6;
	v48 =	vshll.u32 v22, $0x1A;
	v49 =	vor.u32 v43, v44  }
0x367: {  	v19 =	vadd.s32 v19, v27;
	v50 =	vxor.u32 v16, v28;
	v20 =	vadd.s32 v20, v22  }
0x368: {  	v30 =	vshrl.u32 v51, $0x1A;
	v58 =	vshll.u32 v51, $0x6;
	v32 =	vshrl.u32 v52, $0x1A  }
0x369: {  	v59 =	vshll.u32 v52, $0x6;
	v34 =	vshrl.u32 v53, $0x1A;
	v60 =	vshll.u32 v53, $0x6  }
0x36a: {  	v15 =	vadd.s32 v15, v52;
	v29 =	vor.u32 v45, v46;
	v31 =	vor.u32 v47, v48  }
0x36b: {  	v54 =	vxor.u32 v14, v49;
	v55 =	vshrl.u32 v50, $0x1A;
	v57 =	vshll.u32 v50, $0x6  }
0x36c: {  	v30 =	vor.u32 v30, v58;
	v32 =	vor.u32 v32, v59;
	v34 =	vor.u32 v34, v60  }
0x36d: {  	v16 =	vadd.s32 v16, v50;
	v45 =	vadd.s32 v17, v51;
	v46 =	vadd.s32 v18, v53  }
0x36e: {  	v27 =	vxor.u32 v19, v29;
	v56 =	vxor.u32 v20, v31;
	v61 =	vshrl.u32 v54, $0x1A  }
0x36f: {  	v62 =	vshll.u32 v54, $0x6;
	v26 =	vor.u32 v55, v57;
	v47 =	vadd.s32 v14, v54  }
0x370: {  	[tilespmem:s8+$0x10] =	vst v8;
	v51 =	vxor.u32 v45, v30;
	v52 =	vxor.u32 v15, v32;
	v8 =	vxor.u32 v46, v34  }
0x371: {  	[tilespmem:s8+$0xFFFFFFE0] =	vst v12;
	v12 =	vadd.s32 $0x1BD11BF0, v45;
	v15 =	vadd.s32 $0x1BD11BF0, v15;
	v58 =	vadd.s32 $0x1BD11BF0, v46  }
0x372: {  	v63 =	vshrl.u32 v27, $0x1A;
	v39 =	vshll.u32 v27, $0x6;
	v40 =	vshrl.u32 v56, $0x1A  }
0x373: {  	[tilespmem:s8+$0xFFFFFFF0] =	vst v11;
	v41 =	vshll.u32 v56, $0x6;
	v42 =	vor.u32 v61, v62;
	v48 =	vadd.s32 v19, v27  }
0x374: {  	[tilespmem:s8+$0x0] =	vst v10;
	v49 =	vadd.s32 v20, v56;
	v50 =	vxor.u32 v16, v26;
	v55 =	vadd.s32 $0x5, v51  }
0x375: {  	[tilespmem:s8+$0x20] =	vst v9;
	s31 =	sadd.s32 $0x80, s8;
	v16 =	vadd.s32 $0x1BD11BF0, v16;
	v57 =	vadd.s32 $0x5, v52;
	v8 =	vadd.s32 $0x5, v8  }
0x376: {  	[tilespmem:s31+$0x30] =	vst v13;
	v11 =	vadd.s32 $0x1BD11BF0, v47;
	v43 =	vor.u32 v63, v39;
	v10 =	vxor.u32 v12, v55  }
0x377: {  	v44 =	vor.u32 v40, v41;
	v53 =	vxor.u32 v47, v42;
	v59 =	vxor.u32 v15, v57;
	[tilespmem:s31+$0xFFFFFFD0] =	vst v10  }
0x378: {  	v54 =	vadd.s32 $0x5, v50;
	v8 =	vxor.u32 v58, v8;
	v62 =	vadd.s32 $0x1BD11BF0, v48;
	[tilespmem:s31+$0xFFFFFFE0] =	vst v59  }
0x379: {  	v21 =	vxor.u32 v48, v43;
	v9 =	vxor.u32 v16, v54;
	v60 =	vadd.s32 $0x5, v53;
	[tilespmem:s31+$0xFFFFFFF0] =	vst v8  }
0x37a: {  	v56 =	vxor.u32 v49, v44;
	[tilespmem:s31+$0xFFFFFFC0] =	vst v9;
	v61 =	vadd.s32 $0x5, v21;
	v10 =	vxor.u32 v11, v60  }
0x37b: {  	s7 =	sadd.s32 $0x1, s7;
	v63 =	vadd.s32 $0x1BD11BF0, v49;
	v8 =	vadd.s32 $0x5, v56;
	v9 =	vxor.u32 v62, v61;
	[tilespmem:s31+$0x0] =	vst v10  }
0x37c: {  	p0 =	sne.s32 s7, s5;
	v8 =	vxor.u32 v63, v8;
	[tilespmem:s31+$0x10] =	vst v9  }
.Ltmp1:
0x37d: {  	[tilespmem:s31+$0x20] =	vst v8;
	(pc) =	sbr.rel @p0 .LBB2_1-.Ltmp1, $4  }
0x37e: {  	[hbm4b:s3+s2] =	stream.linear.scatter [tilespmem:s2], [sflag:$0x1], $0x1A000, $0x38;
	[tilespmem:$0x1A000] =	vst v63  }
0x37f: {  	_ =	swait.ge [sflag:s6], $0x1A000  }
0x380: {  	[sflag:s6] =	ssyncset.done $0x0  }
0x381: {  	[sflag:s6] =	ssyncadd.s32 $0xFFFE6000  }
0x382: {  	_ =	sfence.sel $0x180000  }
0x383: {  	[bflag:$0x0] =	sbarrier.arrive $0xFFFF  }
0x384: {  	p0 =	sne.s32 s0, $0x0;
	_ =	strace $0x90000047  }
0x385: {  	s0 =	sadd.s32 @!p0 $0x100000, s1;
	[bflag:$0x2] =	sbarrier.arrive $0xFFFF  }
0x386: {  	[sflag:s0] =	ssyncadd.tile.s32 @!p0 $0x1;
	_ =	shalt  }
.Lfunc_end2:
_tile_overlayer_lowered:
.L_overlay_start_2:
0x387: {  	(tag) =	ssettag $0x2  }
0x388: {  	s0 =	rddreg [dreg:$0x0];
	s2 =	stileid.u32  }
0x389: {  	s1 =	rddreg [dreg:$0x1];
	p0 =	sne.s32 s2, $0x0  }
0x38a: {  	s3 =	rddreg [dreg:$0x2];
	[bflag:$0x3] =	sbarrier.arrive $0xFFFF;
	s2 =	simm.s32 @!p0 $0x1C02  }
0x38b: {  	[timem:s3], [sflag:s2] =	dma.local @!p0 [hbm:s0], s1  }
0x38c: {  	s0 =	simm.s32 @!p0 $0x2  }
0x38d: {  	_ =	swait.ge @!p0 [sflag:s0], s1  }
0x38e: {  	s1 =	ssub.s32 @!p0 $0x0, s1;
	[sflag:s0] =	ssyncset.done @!p0 $0x0  }
0x38f: {  	[sflag:s0] =	ssyncadd.s32 @!p0 s1  }
0x390: {  	[bflag:$0x3] =	sbarrier.arrive $0xFFFF  }
0x391: {  	_ =	shalt  }

</sc_bundles>
